<compile_context>
chip_gen: v7x
topology: tpu7x:2x2x1
jax: 0.10.2.dev20260603
libtpu: 0.0.44.dev20260713+nightly
codegen_flags: <defaults>
</compile_context>

<pallas_src>
import functools

import jax
import jax.numpy as jnp
from jax import lax
from jax.experimental import pallas as pl
from jax.experimental.pallas import tpu as pltpu
from jax.experimental.pallas import tpu_sc as plsc

N = 10000
D = 128
G = 64
NC = 2
NS = 16
NW = NC * NS
NHALF = N // NC
HRPT = 320
HLAST = NHALF - (NS - 1) * HRPT
RPT = 640
LAST = N - (NS - 1) * RPT
EC = 80
DL = 16
RB = 400
NBLK = N // RB

_SC_MESH = plsc.VectorSubcoreMesh(core_axis_name="c", subcore_axis_name="s")



NCH = 250


EPW = 20000


@functools.partial(
    pl.kernel,
    mesh=_SC_MESH,
    out_type=jax.ShapeDtypeStruct((N, D), jnp.float32),
    scratch_types=[
        pltpu.VMEM((EPW,), jnp.int32),
        pltpu.VMEM((NCH, EC), jnp.int32),
        pltpu.VMEM((3 * EC, D), jnp.float32),
        pltpu.VMEM_SHARED((NHALF + 8, D), jnp.float32),
        pltpu.SemaphoreType.DMA,
    ],
)
def _agg_kernel(hws_hbm, src_hbm, dst3_hbm, acc_hbm,
                sidx_v, ridx_v, rowsb_v, acc_sh, sem0):
    c = lax.axis_index("c")
    s = lax.axis_index("s")
    nbase = c * NHALF
    start = pl.multiple_of(s * HRPT, 8)
    rows = pl.ds(start, HRPT)
    rows_l = pl.ds(NHALF - HLAST, HLAST)
    gstart = pl.multiple_of(nbase + s * HRPT, 8)
    grows = pl.ds(gstart, HRPT)
    grows_l = pl.ds(pl.multiple_of(nbase + NHALF - HLAST, 8), HLAST)
    ebase = pl.multiple_of(s * EPW, 8)

    pltpu.sync_copy(src_hbm.at[pl.ds(ebase, EPW)], sidx_v)
    pltpu.sync_copy(dst3_hbm.at[s], ridx_v)

    nfull = jnp.where(s < NS - 1, HRPT // EC, HLAST // EC)

    def _icp(k, carry):
        go = pl.multiple_of(gstart + k * EC, 8)
        lo = pl.multiple_of(start + k * EC, 8)
        pltpu.sync_copy(hws_hbm.at[pl.ds(go, EC)], rowsb_v.at[pl.ds(0, EC)])
        pltpu.sync_copy(rowsb_v.at[pl.ds(0, EC)], acc_sh.at[pl.ds(lo, EC)])
        return carry

    lax.fori_loop(0, nfull, _icp, 0)

    @pl.when(s == NS - 1)
    def _init_tail():
        tg = pl.multiple_of(gstart + (HLAST // EC) * EC, 8)
        tl = pl.multiple_of(start + (HLAST // EC) * EC, 8)
        tail = HLAST - (HLAST // EC) * EC
        pltpu.sync_copy(hws_hbm.at[pl.ds(tg, tail)],
                        rowsb_v.at[pl.ds(0, tail)])
        pltpu.sync_copy(rowsb_v.at[pl.ds(0, tail)],
                        acc_sh.at[pl.ds(tl, tail)])

    base16 = jnp.full((16,), nbase, jnp.int32)
    dump16 = jnp.full((16,), NHALF, jnp.int32)
    half16 = jnp.full((16,), NHALF, jnp.int32)

    def remap(i, carry):
        for j in range(EC // 16):
            v = ridx_v[i, pl.ds(j * 16, 16)] - base16
            ok = (v >= 0) & (v < half16)
            ridx_v[i, pl.ds(j * 16, 16)] = jnp.where(ok, v, dump16)
        return carry

    lax.fori_loop(0, NCH, remap, 0)
    plsc.subcore_barrier()

    bufs = [rowsb_v.at[pl.ds(pl.multiple_of(k * EC, 8), EC)]
            for k in range(3)]

    def _gather(i, buf):
        return pltpu.make_async_copy(
            hws_hbm.at[sidx_v.at[pl.ds(i * EC, EC)]], buf, sem0)

    def tri(q, carry):
        i0 = q * 5
        for k in range(3):
            _gather(i0 + k, bufs[k]).start()
        for k in range(5):
            _gather(i0 + k, bufs[k % 3]).wait()
            pltpu.sync_copy(bufs[k % 3], acc_sh.at[ridx_v.at[i0 + k]],
                            add=True)
            if k + 3 < 5:
                _gather(i0 + k + 3, bufs[k % 3]).start()
        return carry

    lax.fori_loop(0, NCH // 5, tri, 0)
    plsc.subcore_barrier()

    def _ocp(k, carry):
        go = pl.multiple_of(gstart + k * EC, 8)
        lo = pl.multiple_of(start + k * EC, 8)
        pltpu.sync_copy(acc_sh.at[pl.ds(lo, EC)], rowsb_v.at[pl.ds(0, EC)])
        pltpu.sync_copy(rowsb_v.at[pl.ds(0, EC)], acc_hbm.at[pl.ds(go, EC)])
        return carry

    lax.fori_loop(0, nfull, _ocp, 0)

    @pl.when(s == NS - 1)
    def _out_tail():
        tg = pl.multiple_of(gstart + (HLAST // EC) * EC, 8)
        tl = pl.multiple_of(start + (HLAST // EC) * EC, 8)
        tail = HLAST - (HLAST // EC) * EC
        pltpu.sync_copy(acc_sh.at[pl.ds(tl, tail)],
                        rowsb_v.at[pl.ds(0, tail)])
        pltpu.sync_copy(rowsb_v.at[pl.ds(0, tail)],
                        acc_hbm.at[pl.ds(tg, tail)])



def _prep_body(a_ref, x_ref, w_ref, dinv_ref, hws_ref):
    dinv = lax.rsqrt(a_ref[...])
    hws_ref[...] = jnp.dot(
        x_ref[...], w_ref[...], preferred_element_type=jnp.float32) * dinv
    dinv_ref[...] = dinv


def _comb_body(a_ref, dinv_ref, b_ref, out_ref, st_ref):
    i = pl.program_id(0)
    o = dinv_ref[...] * a_ref[...] + b_ref[...][None, :]
    out_ref[...] = o

    @pl.when(i == 0)
    def _():
        st_ref[...] = jnp.zeros_like(st_ref)

    st_ref[0:1, :] += jnp.sum(o, axis=0, keepdims=True)
    st_ref[1:2, :] += jnp.sum(o * o, axis=0, keepdims=True)


def _nm_body(out_ref, st_ref, g_ref, be_ref, w_ref, dinv_ref, hws_ref):
    st = st_ref[...]
    m = st[0:1, :] * (1.0 / N)
    v = st[1:2, :] * (1.0 / N) - m * m
    rs = lax.rsqrt(v + 1e-5)
    h = jnp.maximum(
        (out_ref[...] - m) * rs * g_ref[...][None, :] + be_ref[...][None, :], 0.0)
    hws_ref[...] = jnp.dot(
        h, w_ref[...], preferred_element_type=jnp.float32) * dinv_ref[...]


def _fin_body(a_ref, dinv_ref, b_ref, h_ref):
    h_ref[...] = jnp.maximum(
        dinv_ref[...] * a_ref[...] + b_ref[...][None, :], 0.0)


def _pool_body(b_ref, h_ref, sum_ref, mx_ref, cnt_ref):
    i = pl.program_id(0)

    @pl.when(i == 0)
    def _():
        sum_ref[...] = jnp.zeros_like(sum_ref)
        cnt_ref[...] = jnp.zeros_like(cnt_ref)
        mx_ref[...] = jnp.full_like(mx_ref, -1e30)

    bvec = b_ref[0, 0, :]
    h = h_ref[...]
    oh = (bvec[:, None] == lax.broadcasted_iota(jnp.int32, (1, G), 1)
          ).astype(jnp.float32)
    sum_ref[...] += lax.dot_general(
        oh, h, (((0,), (0,)), ((), ())), preferred_element_type=jnp.float32)
    cnt_ref[...] += jnp.broadcast_to(jnp.sum(oh, axis=0)[:, None], (G, D))
    bmin = jnp.min(bvec)
    bmax = jnp.max(bvec)
    for g in range(G):
        @pl.when((bmin <= g) & (g <= bmax))
        def _upd():
            vals = jnp.where(bvec[:, None] == g, h, -1e30)
            mx_ref[g:g + 1, :] = jnp.maximum(
                mx_ref[g:g + 1, :], jnp.max(vals, axis=0, keepdims=True))


def _head_body(sum_ref, mx_ref, cnt_ref, lw1_ref, lb1_ref, lw2_ref, lb2_ref,
               out_ref):
    cnt = cnt_ref[...]
    mean = sum_ref[...] / jnp.maximum(cnt, 1.0)
    mxz = jnp.where(cnt > 0, mx_ref[...], 0.0)
    t = (jnp.dot(mean, lw1_ref[0:D, :], preferred_element_type=jnp.float32)
         + jnp.dot(mxz, lw1_ref[D:2 * D, :], preferred_element_type=jnp.float32)
         + lb1_ref[...][None, :])
    t = jnp.maximum(t, 0.0)
    out_ref[...] = jnp.dot(
        t, lw2_ref[...], preferred_element_type=jnp.float32) + lb2_ref[...][None, :]


_ROWB = pl.BlockSpec((RB, D), lambda i: (i, 0))
_WB = pl.BlockSpec((D, D), lambda i: (0, 0))
_VECB = pl.BlockSpec((D,), lambda i: (0,))
_STB = pl.BlockSpec((8, D), lambda i: (0, 0))
_ND_F32 = jax.ShapeDtypeStruct((N, D), jnp.float32)


def _prep(a, x, w1):
    return pl.pallas_call(
        _prep_body,
        grid=(NBLK,),
        in_specs=[_ROWB, _ROWB, _WB],
        out_specs=[_ROWB, _ROWB],
        out_shape=[_ND_F32, _ND_F32],
    )(a, x, w1)


def _comb(a, dinv, b):
    return pl.pallas_call(
        _comb_body,
        grid=(NBLK,),
        in_specs=[_ROWB, _ROWB, _VECB],
        out_specs=[_ROWB, _STB],
        out_shape=[_ND_F32, jax.ShapeDtypeStruct((8, D), jnp.float32)],
    )(a, dinv, b)


def _norm_mm(out, st, gg, be, w, dinv):
    return pl.pallas_call(
        _nm_body,
        grid=(NBLK,),
        in_specs=[_ROWB, _STB, _VECB, _VECB, _WB, _ROWB],
        out_specs=_ROWB,
        out_shape=_ND_F32,
    )(out, st, gg, be, w, dinv)


def _final(a, dinv, b):
    return pl.pallas_call(
        _fin_body,
        grid=(NBLK,),
        in_specs=[_ROWB, _ROWB, _VECB],
        out_specs=_ROWB,
        out_shape=_ND_F32,
    )(a, dinv, b)


def _pool(batch3d, h):
    gb = pl.BlockSpec((G, D), lambda i: (0, 0))
    return pl.pallas_call(
        _pool_body,
        grid=(NBLK,),
        in_specs=[pl.BlockSpec((1, 1, RB), lambda i: (i, 0, 0)), _ROWB],
        out_specs=[gb, gb, gb],
        out_shape=[jax.ShapeDtypeStruct((G, D), jnp.float32)] * 3,
    )(batch3d, h)


def _head(sums, mx, cnt, lw1, lb1, lw2p, lb2p):
    gb = pl.BlockSpec((G, D), lambda i: (0, 0))
    return pl.pallas_call(
        _head_body,
        grid=(1,),
        in_specs=[gb, gb, gb, pl.BlockSpec((2 * D, D), lambda i: (0, 0)),
                  _VECB, _WB, _VECB],
        out_specs=gb,
        out_shape=jax.ShapeDtypeStruct((G, D), jnp.float32),
    )(sums, mx, cnt, lw1, lb1, lw2p, lb2p)



def kernel(x, edge_index, batch, W1, b1, W2, b2, W3, b3, W4, b4,
           g1, be1, g2, be2, g3, be3, lw1, lb1, lw2, lb2):
    src = edge_index[0]
    dst = edge_index[1]
    batch3d = batch.astype(jnp.int32).reshape(NBLK, 1, RB)
    ncls = lw2.shape[1]
    lw2p = jnp.pad(lw2, ((0, 0), (0, D - ncls)))
    lb2p = jnp.pad(lb2, (0, D - ncls))

    dst3 = dst.reshape(NS, NCH, EC)
    ones_nd = jnp.ones((N, D), jnp.float32)

    wstack = jnp.stack([W1, W2, W3, W4, jnp.zeros_like(W4)])
    zv = jnp.zeros_like(b1)
    bstack = jnp.stack([zv, b1, b2, b3, b4])
    gstack = jnp.stack([zv, g1, g2, g3, zv])
    bestack = jnp.stack([zv, be1, be2, be3, zv])
    sel = jnp.array([0, 1, 1, 1, 2], jnp.int32)

    def _layer(carry, xs):
        hws, dv = carry
        w_l, b_l, g_l, be_l, sel_l = xs
        acc = _agg_kernel(hws, src, dst3)

        def _br_prep(a):
            dinv2, hws2 = _prep(a, x, w_l)
            return (hws2, dinv2)

        def _br_mid(a):
            out, st = _comb(a, dv, b_l)
            return (_norm_mm(out, st, g_l, be_l, w_l, dv), dv)

        def _br_last(a):
            return (_final(a, dv, b_l), dv)

        return lax.switch(sel_l, (_br_prep, _br_mid, _br_last), acc), None

    (h4, _), _ = lax.scan(_layer, (ones_nd, ones_nd),
                          (wstack, bstack, gstack, bestack, sel))

    sums, mx, cnt = _pool(batch3d, h4)
    outp = _head(sums, mx, cnt, lw1, lb1, lw2p, lb2p)
    return outp[:, :ncls]

# --- scband reference (transcript-rebuilt; emitter-appended) ---
"""Pipeline reference for scband-cop-net-82832739271217 (READ-ONLY COPY).

The authoritative reference and input builder live on the scoring server;
editing this copy changes nothing except your own understanding.
"""

import jax, jax.numpy as jnp
import numpy as np

N = 10000
E = 320000
D = 128
H = 128
C = 10
G = 64


def setup_inputs(seed: int = 0) -> dict:
    key = jax.random.key(seed)
    ks = jax.random.split(key, 32)
    inp = {}
    inp["x"] = jax.random.normal(ks[0], (N, D), dtype=jnp.float32)
    inp["edge_index"] = jax.random.randint(ks[1], (2, E), 0, N)
    inp["batch"] = jnp.sort(jax.random.randint(ks[2], (N,), 0, G))
    s = 0.05
    inp["W1"] = jax.random.normal(ks[3], (D, H), dtype=jnp.float32) * s
    inp["b1"] = jnp.zeros((H,), dtype=jnp.float32)
    inp["W2"] = jax.random.normal(ks[4], (H, H), dtype=jnp.float32) * s
    inp["b2"] = jnp.zeros((H,), dtype=jnp.float32)
    inp["W3"] = jax.random.normal(ks[5], (H, H), dtype=jnp.float32) * s
    inp["b3"] = jnp.zeros((H,), dtype=jnp.float32)
    inp["W4"] = jax.random.normal(ks[6], (H, H), dtype=jnp.float32) * s
    inp["b4"] = jnp.zeros((H,), dtype=jnp.float32)
    inp["g1"] = jnp.ones((H,), dtype=jnp.float32)
    inp["be1"] = jnp.zeros((H,), dtype=jnp.float32)
    inp["g2"] = jnp.ones((H,), dtype=jnp.float32)
    inp["be2"] = jnp.zeros((H,), dtype=jnp.float32)
    inp["g3"] = jnp.ones((H,), dtype=jnp.float32)
    inp["be3"] = jnp.zeros((H,), dtype=jnp.float32)
    inp["lw1"] = jax.random.normal(ks[7], (2 * H, H), dtype=jnp.float32) * s
    inp["lb1"] = jnp.zeros((H,), dtype=jnp.float32)
    inp["lw2"] = jax.random.normal(ks[8], (H, C), dtype=jnp.float32) * s
    inp["lb2"] = jnp.zeros((C,), dtype=jnp.float32)
    return inp


def reference(x, edge_index, batch, W1, b1, W2, b2, W3, b3, W4, b4, g1, be1, g2, be2, g3, be3, lw1, lb1, lw2, lb2):
    n = x.shape[0]
    loop = jnp.arange(n)
    src = jnp.concatenate([edge_index[0], loop])
    dst = jnp.concatenate([edge_index[1], loop])
    deg = jnp.zeros((n,), x.dtype).at[dst].add(1.0)
    dinv = jnp.where(deg > 0, jax.lax.rsqrt(deg), 0.0)
    norm = dinv[src] * dinv[dst]

    def conv(h, W, b):
        hw = h @ W
        out = jnp.zeros((n, W.shape[1]), h.dtype).at[dst].add(hw[src] * norm[:, None])
        return out + b

    def bn(h, g, be):
        m = jnp.mean(h, axis=0)
        v = jnp.mean((h - m) ** 2, axis=0)
        return (h - m) * jax.lax.rsqrt(v + 1e-5) * g + be

    h = jax.nn.relu(bn(conv(x, W1, b1), g1, be1))
    h = jax.nn.relu(bn(conv(h, W2, b2), g2, be2))
    h = jax.nn.relu(bn(conv(h, W3, b3), g3, be3))
    h = jax.nn.relu(conv(h, W4, b4))

    counts = jax.ops.segment_sum(jnp.ones((n,), h.dtype), batch, num_segments=G)
    mean = jax.ops.segment_sum(h, batch, num_segments=G) / jnp.maximum(counts, 1.0)[:, None]
    mx = jax.ops.segment_max(h, batch, num_segments=G)
    mx = jnp.where(counts[:, None] > 0, mx, 0.0)
    hg = jnp.concatenate([mean, mx], axis=1)
    hg = jax.nn.relu(hg @ lw1 + lb1)
    return hg @ lw2 + lb2

if __name__ == "__main__":
    import jax
    _d = setup_inputs()
    print(jax.jit(kernel)(*tuple(_d.values())))

</pallas_src>

<mosaic_0001>
#map = affine_map<(d0, d1) -> (0, 0)>
#map1 = affine_map<(d0, d1) -> (0)>
#map2 = affine_map<(d0, d1) -> (0, 0, 0)>
module attributes {stable_mosaic.version = 14 : i64} {
  func.func @_agg_kernel(%arg0: i32, %arg1: i32, %arg2: memref<10000x128xf32, #tpu.memory_space<hbm>>, %arg3: memref<320000xi32, #tpu.memory_space<hbm>>, %arg4: memref<16x250x80xi32, #tpu.memory_space<hbm>>, %arg5: memref<10000x128xf32, #tpu.memory_space<hbm>>, %arg6: memref<20000xi32, #tpu.memory_space<vmem>>, %arg7: memref<250x80xi32, #tpu.memory_space<vmem>>, %arg8: memref<240x128xf32, #tpu.memory_space<vmem>>, %arg9: memref<5008x128xf32, #tpu.memory_space<vmem_shared>>, %arg10: memref<!tpu.dma_semaphore, #tpu.memory_space<semaphore_mem>>) attributes {dimension_semantics = [#tpu.dimension_semantics<core_parallel>, #tpu.dimension_semantics<subcore_parallel>], iteration_bounds = array<i64: 2, 16>, scalar_prefetch = 0 : i64, scratch_operands = 5 : i64, tpu.core_type = #tpu.core_type<sc_vector_subcore>, window_params = [{transform_indices = #map}, {transform_indices = #map1}, {transform_indices = #map2}, {transform_indices = #map}]} {
    %mul3A = arith.constant 5000 : i32
    %mul3A_0 = arith.muli %arg0, %mul3A : i32
    %mul3A_1 = arith.constant 320 : i32
    %mul3A_2 = arith.muli %arg1, %mul3A_1 : i32
    %multiple_of3A = tpu.assume_multiple %mul3A_2, 8 : i32
    %mul3A_3 = arith.constant 320 : i32
    %mul3A_4 = arith.muli %arg1, %mul3A_3 : i32
    %add3A = arith.addi %mul3A_0, %mul3A_4 : i32
    %multiple_of3A_5 = tpu.assume_multiple %add3A, 8 : i32
    %add3A_6 = arith.constant 5000 : i32
    %add3A_7 = arith.addi %mul3A_0, %add3A_6 : i32
    %sub3A = arith.constant 200 : i32
    %sub3A_8 = arith.subi %add3A_7, %sub3A : i32
    %multiple_of3A_9 = tpu.assume_multiple %sub3A_8, 8 : i32
    %mul3A_10 = arith.constant 20000 : i32
    %mul3A_11 = arith.muli %arg1, %mul3A_10 : i32
    %multiple_of3A_12 = tpu.assume_multiple %mul3A_11, 8 : i32
    "tpu.region"() ({
      %run_scoped3A = tpu.sem_alloc : memref<!tpu.dma_semaphore, #tpu.memory_space<semaphore_mem>>
      %dma_start3A = tpu.memref_slice %arg3[%multiple_of3A_12] : memref<320000xi32, #tpu.memory_space<hbm>> -> memref<20000xi32, #tpu.memory_space<hbm>>
      %dma_start3A_63 = tpu.memref_slice %arg3[%multiple_of3A_12] : memref<320000xi32, #tpu.memory_space<hbm>> -> memref<20000xi32, #tpu.memory_space<hbm>>
      tpu.enqueue_dma source(%dma_start3A_63 : memref<20000xi32, #tpu.memory_space<hbm>>) target(%arg6 : memref<20000xi32, #tpu.memory_space<vmem>>) target_semaphore(%run_scoped3A : memref<!tpu.dma_semaphore, #tpu.memory_space<semaphore_mem>>)
      %dma_wait3A = tpu.memref_slice %arg3[%multiple_of3A_12] : memref<320000xi32, #tpu.memory_space<hbm>> -> memref<20000xi32, #tpu.memory_space<hbm>>
      %dma_wait3A_64 = tpu.memref_slice %arg3[%multiple_of3A_12] : memref<320000xi32, #tpu.memory_space<hbm>> -> memref<20000xi32, #tpu.memory_space<hbm>>
      tpu.wait_dma2 semaphore(%run_scoped3A : memref<!tpu.dma_semaphore, #tpu.memory_space<semaphore_mem>>) src(%dma_wait3A_64 : memref<20000xi32, #tpu.memory_space<hbm>>) dst(%arg6 : memref<20000xi32, #tpu.memory_space<vmem>>)
      tpu.yield
    }) : () -> ()
    "tpu.region"() ({
      %run_scoped3A = tpu.sem_alloc : memref<!tpu.dma_semaphore, #tpu.memory_space<semaphore_mem>>
      %dma_start3A = arith.constant 0 : i32
      %dma_start3A_63 = arith.constant 0 : i32
      %dma_start3A_64 = tpu.memref_slice %arg4[%arg1, %dma_start3A, %dma_start3A_63] : memref<16x250x80xi32, #tpu.memory_space<hbm>> -> memref<1x250x80xi32, #tpu.memory_space<hbm>>
      %dma_start3A_65 = tpu.memref_squeeze %dma_start3A_64 : memref<1x250x80xi32, #tpu.memory_space<hbm>> -> memref<250x80xi32, #tpu.memory_space<hbm>>
      %dma_start3A_66 = arith.constant 0 : i32
      %dma_start3A_67 = arith.constant 0 : i32
      %dma_start3A_68 = tpu.memref_slice %arg4[%arg1, %dma_start3A_66, %dma_start3A_67] : memref<16x250x80xi32, #tpu.memory_space<hbm>> -> memref<1x250x80xi32, #tpu.memory_space<hbm>>
      %dma_start3A_69 = tpu.memref_squeeze %dma_start3A_68 : memref<1x250x80xi32, #tpu.memory_space<hbm>> -> memref<250x80xi32, #tpu.memory_space<hbm>>
      tpu.enqueue_dma source(%dma_start3A_69 : memref<250x80xi32, #tpu.memory_space<hbm>>) target(%arg7 : memref<250x80xi32, #tpu.memory_space<vmem>>) target_semaphore(%run_scoped3A : memref<!tpu.dma_semaphore, #tpu.memory_space<semaphore_mem>>)
      %dma_wait3A = arith.constant 0 : i32
      %dma_wait3A_70 = arith.constant 0 : i32
      %dma_wait3A_71 = tpu.memref_slice %arg4[%arg1, %dma_wait3A, %dma_wait3A_70] : memref<16x250x80xi32, #tpu.memory_space<hbm>> -> memref<1x250x80xi32, #tpu.memory_space<hbm>>
      %dma_wait3A_72 = tpu.memref_squeeze %dma_wait3A_71 : memref<1x250x80xi32, #tpu.memory_space<hbm>> -> memref<250x80xi32, #tpu.memory_space<hbm>>
      %dma_wait3A_73 = arith.constant 0 : i32
      %dma_wait3A_74 = arith.constant 0 : i32
      %dma_wait3A_75 = tpu.memref_slice %arg4[%arg1, %dma_wait3A_73, %dma_wait3A_74] : memref<16x250x80xi32, #tpu.memory_space<hbm>> -> memref<1x250x80xi32, #tpu.memory_space<hbm>>
      %dma_wait3A_76 = tpu.memref_squeeze %dma_wait3A_75 : memref<1x250x80xi32, #tpu.memory_space<hbm>> -> memref<250x80xi32, #tpu.memory_space<hbm>>
      tpu.wait_dma2 semaphore(%run_scoped3A : memref<!tpu.dma_semaphore, #tpu.memory_space<semaphore_mem>>) src(%dma_wait3A_76 : memref<250x80xi32, #tpu.memory_space<hbm>>) dst(%arg7 : memref<250x80xi32, #tpu.memory_space<vmem>>)
      tpu.yield
    }) : () -> ()
    %lt3A = arith.constant 15 : i32
    %lt3A_13 = arith.cmpi slt, %arg1, %lt3A : i32
    %jit3A = arith.constant 4 : i32
    %jit3A_14 = arith.constant 2 : i32
    %select_n3A = arith.select %lt3A_13, %jit3A, %jit3A_14 : i32
    %while3A = arith.constant 0 : i32
    %while3A_15 = arith.constant 0 : i32
    %while3A_16 = arith.subi %select_n3A, %while3A_15 : i32
    %while3A_17 = arith.addi %while3A_15, %while3A_16 : i32
    %while3A_18 = arith.constant 1 : i32
    %while3A_19 = arith.divsi %while3A_16, %while3A_18 : i32
    %while3A_20 = arith.muli %while3A_19, %while3A_18 : i32
    %while3A_21 = arith.addi %while3A_15, %while3A_20 : i32
    %while3A_22 = arith.constant 1 : i32
    scf.for %while3A_63 = %while3A_15 to %while3A_21 step %while3A_22  : i32 {
      %mul3A_64 = arith.constant 80 : i32
      %mul3A_65 = arith.muli %while3A_63, %mul3A_64 : i32
      %add3A_66 = arith.addi %multiple_of3A_5, %mul3A_65 : i32
      %multiple_of3A_67 = tpu.assume_multiple %add3A_66, 8 : i32
      %mul3A_68 = arith.constant 80 : i32
      %mul3A_69 = arith.muli %while3A_63, %mul3A_68 : i32
      %add3A_70 = arith.addi %multiple_of3A, %mul3A_69 : i32
      %multiple_of3A_71 = tpu.assume_multiple %add3A_70, 8 : i32
      "tpu.region"() ({
        %run_scoped3A = tpu.sem_alloc : memref<!tpu.dma_semaphore, #tpu.memory_space<semaphore_mem>>
        %dma_start3A = arith.constant 0 : i32
        %dma_start3A_72 = arith.constant 0 : i32
        %dma_start3A_73 = tpu.memref_slice %arg8[%dma_start3A, %dma_start3A_72] : memref<240x128xf32, #tpu.memory_space<vmem>> -> memref<80x128xf32, #tpu.memory_space<vmem>>
        %dma_start3A_74 = arith.constant 0 : i32
        %dma_start3A_75 = tpu.memref_slice %arg2[%multiple_of3A_67, %dma_start3A_74] : memref<10000x128xf32, #tpu.memory_space<hbm>> -> memref<80x128xf32, #tpu.memory_space<hbm>>
        %dma_start3A_76 = arith.constant 0 : i32
        %dma_start3A_77 = arith.constant 0 : i32
        %dma_start3A_78 = tpu.memref_slice %arg8[%dma_start3A_76, %dma_start3A_77] : memref<240x128xf32, #tpu.memory_space<vmem>> -> memref<80x128xf32, #tpu.memory_space<vmem>>
        %dma_start3A_79 = arith.constant 0 : i32
        %dma_start3A_80 = tpu.memref_slice %arg2[%multiple_of3A_67, %dma_start3A_79] : memref<10000x128xf32, #tpu.memory_space<hbm>> -> memref<80x128xf32, #tpu.memory_space<hbm>>
        tpu.enqueue_dma source(%dma_start3A_80 : memref<80x128xf32, #tpu.memory_space<hbm>>) target(%dma_start3A_78 : memref<80x128xf32, #tpu.memory_space<vmem>>) target_semaphore(%run_scoped3A : memref<!tpu.dma_semaphore, #tpu.memory_space<semaphore_mem>>)
        %dma_wait3A = arith.constant 0 : i32
        %dma_wait3A_81 = arith.constant 0 : i32
        %dma_wait3A_82 = tpu.memref_slice %arg8[%dma_wait3A, %dma_wait3A_81] : memref<240x128xf32, #tpu.memory_space<vmem>> -> memref<80x128xf32, #tpu.memory_space<vmem>>
        %dma_wait3A_83 = arith.constant 0 : i32
        %dma_wait3A_84 = tpu.memref_slice %arg2[%multiple_of3A_67, %dma_wait3A_83] : memref<10000x128xf32, #tpu.memory_space<hbm>> -> memref<80x128xf32, #tpu.memory_space<hbm>>
        %dma_wait3A_85 = arith.constant 0 : i32
        %dma_wait3A_86 = arith.constant 0 : i32
        %dma_wait3A_87 = tpu.memref_slice %arg8[%dma_wait3A_85, %dma_wait3A_86] : memref<240x128xf32, #tpu.memory_space<vmem>> -> memref<80x128xf32, #tpu.memory_space<vmem>>
        %dma_wait3A_88 = arith.constant 0 : i32
        %dma_wait3A_89 = tpu.memref_slice %arg2[%multiple_of3A_67, %dma_wait3A_88] : memref<10000x128xf32, #tpu.memory_space<hbm>> -> memref<80x128xf32, #tpu.memory_space<hbm>>
        tpu.wait_dma2 semaphore(%run_scoped3A : memref<!tpu.dma_semaphore, #tpu.memory_space<semaphore_mem>>) src(%dma_wait3A_89 : memref<80x128xf32, #tpu.memory_space<hbm>>) dst(%dma_wait3A_87 : memref<80x128xf32, #tpu.memory_space<vmem>>)
        tpu.yield
      }) : () -> ()
      "tpu.region"() ({
        %run_scoped3A = tpu.sem_alloc : memref<!tpu.dma_semaphore, #tpu.memory_space<semaphore_mem>>
        %dma_start3A = arith.constant 0 : i32
        %dma_start3A_72 = arith.constant 0 : i32
        %dma_start3A_73 = tpu.memref_slice %arg8[%dma_start3A, %dma_start3A_72] : memref<240x128xf32, #tpu.memory_space<vmem>> -> memref<80x128xf32, #tpu.memory_space<vmem>>
        %dma_start3A_74 = arith.constant 0 : i32
        %dma_start3A_75 = tpu.memref_slice %arg9[%multiple_of3A_71, %dma_start3A_74] : memref<5008x128xf32, #tpu.memory_space<vmem_shared>> -> memref<80x128xf32, #tpu.memory_space<vmem_shared>>
        %dma_start3A_76 = arith.constant 0 : i32
        %dma_start3A_77 = tpu.memref_slice %arg9[%multiple_of3A_71, %dma_start3A_76] : memref<5008x128xf32, #tpu.memory_space<vmem_shared>> -> memref<80x128xf32, #tpu.memory_space<vmem_shared>>
        %dma_start3A_78 = arith.constant 0 : i32
        %dma_start3A_79 = arith.constant 0 : i32
        %dma_start3A_80 = tpu.memref_slice %arg8[%dma_start3A_78, %dma_start3A_79] : memref<240x128xf32, #tpu.memory_space<vmem>> -> memref<80x128xf32, #tpu.memory_space<vmem>>
        tpu.enqueue_dma source(%dma_start3A_80 : memref<80x128xf32, #tpu.memory_space<vmem>>) target(%dma_start3A_77 : memref<80x128xf32, #tpu.memory_space<vmem_shared>>) target_semaphore(%run_scoped3A : memref<!tpu.dma_semaphore, #tpu.memory_space<semaphore_mem>>)
        %dma_wait3A = arith.constant 0 : i32
        %dma_wait3A_81 = arith.constant 0 : i32
        %dma_wait3A_82 = tpu.memref_slice %arg8[%dma_wait3A, %dma_wait3A_81] : memref<240x128xf32, #tpu.memory_space<vmem>> -> memref<80x128xf32, #tpu.memory_space<vmem>>
        %dma_wait3A_83 = arith.constant 0 : i32
        %dma_wait3A_84 = tpu.memref_slice %arg9[%multiple_of3A_71, %dma_wait3A_83] : memref<5008x128xf32, #tpu.memory_space<vmem_shared>> -> memref<80x128xf32, #tpu.memory_space<vmem_shared>>
        %dma_wait3A_85 = arith.constant 0 : i32
        %dma_wait3A_86 = tpu.memref_slice %arg9[%multiple_of3A_71, %dma_wait3A_85] : memref<5008x128xf32, #tpu.memory_space<vmem_shared>> -> memref<80x128xf32, #tpu.memory_space<vmem_shared>>
        %dma_wait3A_87 = arith.constant 0 : i32
        %dma_wait3A_88 = arith.constant 0 : i32
        %dma_wait3A_89 = tpu.memref_slice %arg8[%dma_wait3A_87, %dma_wait3A_88] : memref<240x128xf32, #tpu.memory_space<vmem>> -> memref<80x128xf32, #tpu.memory_space<vmem>>
        tpu.wait_dma2 semaphore(%run_scoped3A : memref<!tpu.dma_semaphore, #tpu.memory_space<semaphore_mem>>) src(%dma_wait3A_89 : memref<80x128xf32, #tpu.memory_space<vmem>>) dst(%dma_wait3A_86 : memref<80x128xf32, #tpu.memory_space<vmem_shared>>)
        tpu.yield
      }) : () -> ()
    }
    %while3A_23 = arith.constant 1 : i32
    scf.for %while3A_63 = %while3A_21 to %while3A_17 step %while3A_23  : i32 {
      %mul3A_64 = arith.constant 80 : i32
      %mul3A_65 = arith.muli %while3A_63, %mul3A_64 : i32
      %add3A_66 = arith.addi %multiple_of3A_5, %mul3A_65 : i32
      %multiple_of3A_67 = tpu.assume_multiple %add3A_66, 8 : i32
      %mul3A_68 = arith.constant 80 : i32
      %mul3A_69 = arith.muli %while3A_63, %mul3A_68 : i32
      %add3A_70 = arith.addi %multiple_of3A, %mul3A_69 : i32
      %multiple_of3A_71 = tpu.assume_multiple %add3A_70, 8 : i32
      "tpu.region"() ({
        %run_scoped3A = tpu.sem_alloc : memref<!tpu.dma_semaphore, #tpu.memory_space<semaphore_mem>>
        %dma_start3A = arith.constant 0 : i32
        %dma_start3A_72 = arith.constant 0 : i32
        %dma_start3A_73 = tpu.memref_slice %arg8[%dma_start3A, %dma_start3A_72] : memref<240x128xf32, #tpu.memory_space<vmem>> -> memref<80x128xf32, #tpu.memory_space<vmem>>
        %dma_start3A_74 = arith.constant 0 : i32
        %dma_start3A_75 = tpu.memref_slice %arg2[%multiple_of3A_67, %dma_start3A_74] : memref<10000x128xf32, #tpu.memory_space<hbm>> -> memref<80x128xf32, #tpu.memory_space<hbm>>
        %dma_start3A_76 = arith.constant 0 : i32
        %dma_start3A_77 = arith.constant 0 : i32
        %dma_start3A_78 = tpu.memref_slice %arg8[%dma_start3A_76, %dma_start3A_77] : memref<240x128xf32, #tpu.memory_space<vmem>> -> memref<80x128xf32, #tpu.memory_space<vmem>>
        %dma_start3A_79 = arith.constant 0 : i32
        %dma_start3A_80 = tpu.memref_slice %arg2[%multiple_of3A_67, %dma_start3A_79] : memref<10000x128xf32, #tpu.memory_space<hbm>> -> memref<80x128xf32, #tpu.memory_space<hbm>>
        tpu.enqueue_dma source(%dma_start3A_80 : memref<80x128xf32, #tpu.memory_space<hbm>>) target(%dma_start3A_78 : memref<80x128xf32, #tpu.memory_space<vmem>>) target_semaphore(%run_scoped3A : memref<!tpu.dma_semaphore, #tpu.memory_space<semaphore_mem>>)
        %dma_wait3A = arith.constant 0 : i32
        %dma_wait3A_81 = arith.constant 0 : i32
        %dma_wait3A_82 = tpu.memref_slice %arg8[%dma_wait3A, %dma_wait3A_81] : memref<240x128xf32, #tpu.memory_space<vmem>> -> memref<80x128xf32, #tpu.memory_space<vmem>>
        %dma_wait3A_83 = arith.constant 0 : i32
        %dma_wait3A_84 = tpu.memref_slice %arg2[%multiple_of3A_67, %dma_wait3A_83] : memref<10000x128xf32, #tpu.memory_space<hbm>> -> memref<80x128xf32, #tpu.memory_space<hbm>>
        %dma_wait3A_85 = arith.constant 0 : i32
        %dma_wait3A_86 = arith.constant 0 : i32
        %dma_wait3A_87 = tpu.memref_slice %arg8[%dma_wait3A_85, %dma_wait3A_86] : memref<240x128xf32, #tpu.memory_space<vmem>> -> memref<80x128xf32, #tpu.memory_space<vmem>>
        %dma_wait3A_88 = arith.constant 0 : i32
        %dma_wait3A_89 = tpu.memref_slice %arg2[%multiple_of3A_67, %dma_wait3A_88] : memref<10000x128xf32, #tpu.memory_space<hbm>> -> memref<80x128xf32, #tpu.memory_space<hbm>>
        tpu.wait_dma2 semaphore(%run_scoped3A : memref<!tpu.dma_semaphore, #tpu.memory_space<semaphore_mem>>) src(%dma_wait3A_89 : memref<80x128xf32, #tpu.memory_space<hbm>>) dst(%dma_wait3A_87 : memref<80x128xf32, #tpu.memory_space<vmem>>)
        tpu.yield
      }) : () -> ()
      "tpu.region"() ({
        %run_scoped3A = tpu.sem_alloc : memref<!tpu.dma_semaphore, #tpu.memory_space<semaphore_mem>>
        %dma_start3A = arith.constant 0 : i32
        %dma_start3A_72 = arith.constant 0 : i32
        %dma_start3A_73 = tpu.memref_slice %arg8[%dma_start3A, %dma_start3A_72] : memref<240x128xf32, #tpu.memory_space<vmem>> -> memref<80x128xf32, #tpu.memory_space<vmem>>
        %dma_start3A_74 = arith.constant 0 : i32
        %dma_start3A_75 = tpu.memref_slice %arg9[%multiple_of3A_71, %dma_start3A_74] : memref<5008x128xf32, #tpu.memory_space<vmem_shared>> -> memref<80x128xf32, #tpu.memory_space<vmem_shared>>
        %dma_start3A_76 = arith.constant 0 : i32
        %dma_start3A_77 = tpu.memref_slice %arg9[%multiple_of3A_71, %dma_start3A_76] : memref<5008x128xf32, #tpu.memory_space<vmem_shared>> -> memref<80x128xf32, #tpu.memory_space<vmem_shared>>
        %dma_start3A_78 = arith.constant 0 : i32
        %dma_start3A_79 = arith.constant 0 : i32
        %dma_start3A_80 = tpu.memref_slice %arg8[%dma_start3A_78, %dma_start3A_79] : memref<240x128xf32, #tpu.memory_space<vmem>> -> memref<80x128xf32, #tpu.memory_space<vmem>>
        tpu.enqueue_dma source(%dma_start3A_80 : memref<80x128xf32, #tpu.memory_space<vmem>>) target(%dma_start3A_77 : memref<80x128xf32, #tpu.memory_space<vmem_shared>>) target_semaphore(%run_scoped3A : memref<!tpu.dma_semaphore, #tpu.memory_space<semaphore_mem>>)
        %dma_wait3A = arith.constant 0 : i32
        %dma_wait3A_81 = arith.constant 0 : i32
        %dma_wait3A_82 = tpu.memref_slice %arg8[%dma_wait3A, %dma_wait3A_81] : memref<240x128xf32, #tpu.memory_space<vmem>> -> memref<80x128xf32, #tpu.memory_space<vmem>>
        %dma_wait3A_83 = arith.constant 0 : i32
        %dma_wait3A_84 = tpu.memref_slice %arg9[%multiple_of3A_71, %dma_wait3A_83] : memref<5008x128xf32, #tpu.memory_space<vmem_shared>> -> memref<80x128xf32, #tpu.memory_space<vmem_shared>>
        %dma_wait3A_85 = arith.constant 0 : i32
        %dma_wait3A_86 = tpu.memref_slice %arg9[%multiple_of3A_71, %dma_wait3A_85] : memref<5008x128xf32, #tpu.memory_space<vmem_shared>> -> memref<80x128xf32, #tpu.memory_space<vmem_shared>>
        %dma_wait3A_87 = arith.constant 0 : i32
        %dma_wait3A_88 = arith.constant 0 : i32
        %dma_wait3A_89 = tpu.memref_slice %arg8[%dma_wait3A_87, %dma_wait3A_88] : memref<240x128xf32, #tpu.memory_space<vmem>> -> memref<80x128xf32, #tpu.memory_space<vmem>>
        tpu.wait_dma2 semaphore(%run_scoped3A : memref<!tpu.dma_semaphore, #tpu.memory_space<semaphore_mem>>) src(%dma_wait3A_89 : memref<80x128xf32, #tpu.memory_space<vmem>>) dst(%dma_wait3A_86 : memref<80x128xf32, #tpu.memory_space<vmem_shared>>)
        tpu.yield
      }) : () -> ()
    }
    %eq3A = arith.constant 15 : i32
    %eq3A_24 = arith.cmpi eq, %arg1, %eq3A : i32
    %convert_element_type3A = arith.extui %eq3A_24 : i1 to i32
    %cond3A = arith.constant 0 : i32
    %cond3A_25 = arith.cmpi ne, %convert_element_type3A, %cond3A : i32
    scf.if %cond3A_25 {
      %add3A_63 = arith.constant 160 : i32
      %add3A_64 = arith.addi %multiple_of3A_5, %add3A_63 : i32
      %multiple_of3A_65 = tpu.assume_multiple %add3A_64, 8 : i32
      %add3A_66 = arith.constant 160 : i32
      %add3A_67 = arith.addi %multiple_of3A, %add3A_66 : i32
      %multiple_of3A_68 = tpu.assume_multiple %add3A_67, 8 : i32
      "tpu.region"() ({
        %run_scoped3A = tpu.sem_alloc : memref<!tpu.dma_semaphore, #tpu.memory_space<semaphore_mem>>
        %dma_start3A = arith.constant 0 : i32
        %dma_start3A_69 = arith.constant 0 : i32
        %dma_start3A_70 = tpu.memref_slice %arg8[%dma_start3A, %dma_start3A_69] : memref<240x128xf32, #tpu.memory_space<vmem>> -> memref<40x128xf32, #tpu.memory_space<vmem>>
        %dma_start3A_71 = arith.constant 0 : i32
        %dma_start3A_72 = tpu.memref_slice %arg2[%multiple_of3A_65, %dma_start3A_71] : memref<10000x128xf32, #tpu.memory_space<hbm>> -> memref<40x128xf32, #tpu.memory_space<hbm>>
        %dma_start3A_73 = arith.constant 0 : i32
        %dma_start3A_74 = arith.constant 0 : i32
        %dma_start3A_75 = tpu.memref_slice %arg8[%dma_start3A_73, %dma_start3A_74] : memref<240x128xf32, #tpu.memory_space<vmem>> -> memref<40x128xf32, #tpu.memory_space<vmem>>
        %dma_start3A_76 = arith.constant 0 : i32
        %dma_start3A_77 = tpu.memref_slice %arg2[%multiple_of3A_65, %dma_start3A_76] : memref<10000x128xf32, #tpu.memory_space<hbm>> -> memref<40x128xf32, #tpu.memory_space<hbm>>
        tpu.enqueue_dma source(%dma_start3A_77 : memref<40x128xf32, #tpu.memory_space<hbm>>) target(%dma_start3A_75 : memref<40x128xf32, #tpu.memory_space<vmem>>) target_semaphore(%run_scoped3A : memref<!tpu.dma_semaphore, #tpu.memory_space<semaphore_mem>>)
        %dma_wait3A = arith.constant 0 : i32
        %dma_wait3A_78 = arith.constant 0 : i32
        %dma_wait3A_79 = tpu.memref_slice %arg8[%dma_wait3A, %dma_wait3A_78] : memref<240x128xf32, #tpu.memory_space<vmem>> -> memref<40x128xf32, #tpu.memory_space<vmem>>
        %dma_wait3A_80 = arith.constant 0 : i32
        %dma_wait3A_81 = tpu.memref_slice %arg2[%multiple_of3A_65, %dma_wait3A_80] : memref<10000x128xf32, #tpu.memory_space<hbm>> -> memref<40x128xf32, #tpu.memory_space<hbm>>
        %dma_wait3A_82 = arith.constant 0 : i32
        %dma_wait3A_83 = arith.constant 0 : i32
        %dma_wait3A_84 = tpu.memref_slice %arg8[%dma_wait3A_82, %dma_wait3A_83] : memref<240x128xf32, #tpu.memory_space<vmem>> -> memref<40x128xf32, #tpu.memory_space<vmem>>
        %dma_wait3A_85 = arith.constant 0 : i32
        %dma_wait3A_86 = tpu.memref_slice %arg2[%multiple_of3A_65, %dma_wait3A_85] : memref<10000x128xf32, #tpu.memory_space<hbm>> -> memref<40x128xf32, #tpu.memory_space<hbm>>
        tpu.wait_dma2 semaphore(%run_scoped3A : memref<!tpu.dma_semaphore, #tpu.memory_space<semaphore_mem>>) src(%dma_wait3A_86 : memref<40x128xf32, #tpu.memory_space<hbm>>) dst(%dma_wait3A_84 : memref<40x128xf32, #tpu.memory_space<vmem>>)
        tpu.yield
      }) : () -> ()
      "tpu.region"() ({
        %run_scoped3A = tpu.sem_alloc : memref<!tpu.dma_semaphore, #tpu.memory_space<semaphore_mem>>
        %dma_start3A = arith.constant 0 : i32
        %dma_start3A_69 = arith.constant 0 : i32
        %dma_start3A_70 = tpu.memref_slice %arg8[%dma_start3A, %dma_start3A_69] : memref<240x128xf32, #tpu.memory_space<vmem>> -> memref<40x128xf32, #tpu.memory_space<vmem>>
        %dma_start3A_71 = arith.constant 0 : i32
        %dma_start3A_72 = tpu.memref_slice %arg9[%multiple_of3A_68, %dma_start3A_71] : memref<5008x128xf32, #tpu.memory_space<vmem_shared>> -> memref<40x128xf32, #tpu.memory_space<vmem_shared>>
        %dma_start3A_73 = arith.constant 0 : i32
        %dma_start3A_74 = tpu.memref_slice %arg9[%multiple_of3A_68, %dma_start3A_73] : memref<5008x128xf32, #tpu.memory_space<vmem_shared>> -> memref<40x128xf32, #tpu.memory_space<vmem_shared>>
        %dma_start3A_75 = arith.constant 0 : i32
        %dma_start3A_76 = arith.constant 0 : i32
        %dma_start3A_77 = tpu.memref_slice %arg8[%dma_start3A_75, %dma_start3A_76] : memref<240x128xf32, #tpu.memory_space<vmem>> -> memref<40x128xf32, #tpu.memory_space<vmem>>
        tpu.enqueue_dma source(%dma_start3A_77 : memref<40x128xf32, #tpu.memory_space<vmem>>) target(%dma_start3A_74 : memref<40x128xf32, #tpu.memory_space<vmem_shared>>) target_semaphore(%run_scoped3A : memref<!tpu.dma_semaphore, #tpu.memory_space<semaphore_mem>>)
        %dma_wait3A = arith.constant 0 : i32
        %dma_wait3A_78 = arith.constant 0 : i32
        %dma_wait3A_79 = tpu.memref_slice %arg8[%dma_wait3A, %dma_wait3A_78] : memref<240x128xf32, #tpu.memory_space<vmem>> -> memref<40x128xf32, #tpu.memory_space<vmem>>
        %dma_wait3A_80 = arith.constant 0 : i32
        %dma_wait3A_81 = tpu.memref_slice %arg9[%multiple_of3A_68, %dma_wait3A_80] : memref<5008x128xf32, #tpu.memory_space<vmem_shared>> -> memref<40x128xf32, #tpu.memory_space<vmem_shared>>
        %dma_wait3A_82 = arith.constant 0 : i32
        %dma_wait3A_83 = tpu.memref_slice %arg9[%multiple_of3A_68, %dma_wait3A_82] : memref<5008x128xf32, #tpu.memory_space<vmem_shared>> -> memref<40x128xf32, #tpu.memory_space<vmem_shared>>
        %dma_wait3A_84 = arith.constant 0 : i32
        %dma_wait3A_85 = arith.constant 0 : i32
        %dma_wait3A_86 = tpu.memref_slice %arg8[%dma_wait3A_84, %dma_wait3A_85] : memref<240x128xf32, #tpu.memory_space<vmem>> -> memref<40x128xf32, #tpu.memory_space<vmem>>
        tpu.wait_dma2 semaphore(%run_scoped3A : memref<!tpu.dma_semaphore, #tpu.memory_space<semaphore_mem>>) src(%dma_wait3A_86 : memref<40x128xf32, #tpu.memory_space<vmem>>) dst(%dma_wait3A_83 : memref<40x128xf32, #tpu.memory_space<vmem_shared>>)
        tpu.yield
      }) : () -> ()
    } else {
    }
    %broadcast_in_dim3A = vector.broadcast %mul3A_0 : i32 to vector<16xi32>
    %broadcast_in_dim3A_26 = arith.constant 5000 : i32
    %broadcast_in_dim3A_27 = vector.broadcast %broadcast_in_dim3A_26 : i32 to vector<16xi32>
    %broadcast_in_dim3A_28 = arith.constant 5000 : i32
    %broadcast_in_dim3A_29 = vector.broadcast %broadcast_in_dim3A_28 : i32 to vector<16xi32>
    %scan3A = arith.constant 0 : i32
    %scan3A_30 = arith.constant 0 : i32
    %scan3A_31 = arith.constant 250 : i32
    %scan3A_32 = arith.addi %scan3A_30, %scan3A_31 : i32
    %scan3A_33 = arith.constant 1 : i32
    scf.for %scan3A_63 = %scan3A_30 to %scan3A_32 step %scan3A_33  : i32 {
      %get3A = arith.index_cast %scan3A_63 : i32 to index
      %get3A_64 = arith.constant 0 : index
      %get3A_65 = tpu.vector_load %arg7[%get3A, %get3A_64] {strides = array<i32>} : memref<250x80xi32, #tpu.memory_space<vmem>>, vector<1x16xi32>,
      %get3A_66 = vector.shape_cast %get3A_65 : vector<1x16xi32> to vector<16xi32>
      %sub3A_67 = arith.subi %get3A_66, %broadcast_in_dim3A : vector<16xi32>
      %ge3A = arith.constant 0 : i32
      %ge3A_68 = vector.broadcast %ge3A : i32 to vector<16xi32>
      %ge3A_69 = arith.cmpi sge, %sub3A_67, %ge3A_68 : vector<16xi32>
      %lt3A_70 = arith.cmpi slt, %sub3A_67, %broadcast_in_dim3A_29 : vector<16xi32>
      %and3A = arith.andi %ge3A_69, %lt3A_70 : vector<16xi1>
      %select_n3A_71 = arith.select %and3A, %sub3A_67, %broadcast_in_dim3A_27 : vector<16xi1>, vector<16xi32>
      %swap3A = arith.index_cast %scan3A_63 : i32 to index
      %swap3A_72 = arith.constant 0 : index
      %swap3A_73 = tpu.vector_load %arg7[%swap3A, %swap3A_72] {strides = array<i32>} : memref<250x80xi32, #tpu.memory_space<vmem>>, vector<1x16xi32>,
      %swap3A_74 = vector.shape_cast %swap3A_73 : vector<1x16xi32> to vector<16xi32>
      %swap3A_75 = vector.shape_cast %select_n3A_71 : vector<16xi32> to vector<1x16xi32>
      tpu.vector_store %arg7[%swap3A, %swap3A_72], %swap3A_75 {strides = array<i32>} : memref<250x80xi32, #tpu.memory_space<vmem>>, vector<1x16xi32>,
      %get3A_76 = arith.index_cast %scan3A_63 : i32 to index
      %get3A_77 = arith.constant 16 : index
      %get3A_78 = tpu.vector_load %arg7[%get3A_76, %get3A_77] {strides = array<i32>} : memref<250x80xi32, #tpu.memory_space<vmem>>, vector<1x16xi32>,
      %get3A_79 = vector.shape_cast %get3A_78 : vector<1x16xi32> to vector<16xi32>
      %sub3A_80 = arith.subi %get3A_79, %broadcast_in_dim3A : vector<16xi32>
      %ge3A_81 = arith.constant 0 : i32
      %ge3A_82 = vector.broadcast %ge3A_81 : i32 to vector<16xi32>
      %ge3A_83 = arith.cmpi sge, %sub3A_80, %ge3A_82 : vector<16xi32>
      %lt3A_84 = arith.cmpi slt, %sub3A_80, %broadcast_in_dim3A_29 : vector<16xi32>
      %and3A_85 = arith.andi %ge3A_83, %lt3A_84 : vector<16xi1>
      %select_n3A_86 = arith.select %and3A_85, %sub3A_80, %broadcast_in_dim3A_27 : vector<16xi1>, vector<16xi32>
      %swap3A_87 = arith.index_cast %scan3A_63 : i32 to index
      %swap3A_88 = arith.constant 16 : index
      %swap3A_89 = tpu.vector_load %arg7[%swap3A_87, %swap3A_88] {strides = array<i32>} : memref<250x80xi32, #tpu.memory_space<vmem>>, vector<1x16xi32>,
      %swap3A_90 = vector.shape_cast %swap3A_89 : vector<1x16xi32> to vector<16xi32>
      %swap3A_91 = vector.shape_cast %select_n3A_86 : vector<16xi32> to vector<1x16xi32>
      tpu.vector_store %arg7[%swap3A_87, %swap3A_88], %swap3A_91 {strides = array<i32>} : memref<250x80xi32, #tpu.memory_space<vmem>>, vector<1x16xi32>,
      %get3A_92 = arith.index_cast %scan3A_63 : i32 to index
      %get3A_93 = arith.constant 32 : index
      %get3A_94 = tpu.vector_load %arg7[%get3A_92, %get3A_93] {strides = array<i32>} : memref<250x80xi32, #tpu.memory_space<vmem>>, vector<1x16xi32>,
      %get3A_95 = vector.shape_cast %get3A_94 : vector<1x16xi32> to vector<16xi32>
      %sub3A_96 = arith.subi %get3A_95, %broadcast_in_dim3A : vector<16xi32>
      %ge3A_97 = arith.constant 0 : i32
      %ge3A_98 = vector.broadcast %ge3A_97 : i32 to vector<16xi32>
      %ge3A_99 = arith.cmpi sge, %sub3A_96, %ge3A_98 : vector<16xi32>
      %lt3A_100 = arith.cmpi slt, %sub3A_96, %broadcast_in_dim3A_29 : vector<16xi32>
      %and3A_101 = arith.andi %ge3A_99, %lt3A_100 : vector<16xi1>
      %select_n3A_102 = arith.select %and3A_101, %sub3A_96, %broadcast_in_dim3A_27 : vector<16xi1>, vector<16xi32>
      %swap3A_103 = arith.index_cast %scan3A_63 : i32 to index
      %swap3A_104 = arith.constant 32 : index
      %swap3A_105 = tpu.vector_load %arg7[%swap3A_103, %swap3A_104] {strides = array<i32>} : memref<250x80xi32, #tpu.memory_space<vmem>>, vector<1x16xi32>,
      %swap3A_106 = vector.shape_cast %swap3A_105 : vector<1x16xi32> to vector<16xi32>
      %swap3A_107 = vector.shape_cast %select_n3A_102 : vector<16xi32> to vector<1x16xi32>
      tpu.vector_store %arg7[%swap3A_103, %swap3A_104], %swap3A_107 {strides = array<i32>} : memref<250x80xi32, #tpu.memory_space<vmem>>, vector<1x16xi32>,
      %get3A_108 = arith.index_cast %scan3A_63 : i32 to index
      %get3A_109 = arith.constant 48 : index
      %get3A_110 = tpu.vector_load %arg7[%get3A_108, %get3A_109] {strides = array<i32>} : memref<250x80xi32, #tpu.memory_space<vmem>>, vector<1x16xi32>,
      %get3A_111 = vector.shape_cast %get3A_110 : vector<1x16xi32> to vector<16xi32>
      %sub3A_112 = arith.subi %get3A_111, %broadcast_in_dim3A : vector<16xi32>
      %ge3A_113 = arith.constant 0 : i32
      %ge3A_114 = vector.broadcast %ge3A_113 : i32 to vector<16xi32>
      %ge3A_115 = arith.cmpi sge, %sub3A_112, %ge3A_114 : vector<16xi32>
      %lt3A_116 = arith.cmpi slt, %sub3A_112, %broadcast_in_dim3A_29 : vector<16xi32>
      %and3A_117 = arith.andi %ge3A_115, %lt3A_116 : vector<16xi1>
      %select_n3A_118 = arith.select %and3A_117, %sub3A_112, %broadcast_in_dim3A_27 : vector<16xi1>, vector<16xi32>
      %swap3A_119 = arith.index_cast %scan3A_63 : i32 to index
      %swap3A_120 = arith.constant 48 : index
      %swap3A_121 = tpu.vector_load %arg7[%swap3A_119, %swap3A_120] {strides = array<i32>} : memref<250x80xi32, #tpu.memory_space<vmem>>, vector<1x16xi32>,
      %swap3A_122 = vector.shape_cast %swap3A_121 : vector<1x16xi32> to vector<16xi32>
      %swap3A_123 = vector.shape_cast %select_n3A_118 : vector<16xi32> to vector<1x16xi32>
      tpu.vector_store %arg7[%swap3A_119, %swap3A_120], %swap3A_123 {strides = array<i32>} : memref<250x80xi32, #tpu.memory_space<vmem>>, vector<1x16xi32>,
      %get3A_124 = arith.index_cast %scan3A_63 : i32 to index
      %get3A_125 = arith.constant 64 : index
      %get3A_126 = tpu.vector_load %arg7[%get3A_124, %get3A_125] {strides = array<i32>} : memref<250x80xi32, #tpu.memory_space<vmem>>, vector<1x16xi32>,
      %get3A_127 = vector.shape_cast %get3A_126 : vector<1x16xi32> to vector<16xi32>
      %sub3A_128 = arith.subi %get3A_127, %broadcast_in_dim3A : vector<16xi32>
      %ge3A_129 = arith.constant 0 : i32
      %ge3A_130 = vector.broadcast %ge3A_129 : i32 to vector<16xi32>
      %ge3A_131 = arith.cmpi sge, %sub3A_128, %ge3A_130 : vector<16xi32>
      %lt3A_132 = arith.cmpi slt, %sub3A_128, %broadcast_in_dim3A_29 : vector<16xi32>
      %and3A_133 = arith.andi %ge3A_131, %lt3A_132 : vector<16xi1>
      %select_n3A_134 = arith.select %and3A_133, %sub3A_128, %broadcast_in_dim3A_27 : vector<16xi1>, vector<16xi32>
      %swap3A_135 = arith.index_cast %scan3A_63 : i32 to index
      %swap3A_136 = arith.constant 64 : index
      %swap3A_137 = tpu.vector_load %arg7[%swap3A_135, %swap3A_136] {strides = array<i32>} : memref<250x80xi32, #tpu.memory_space<vmem>>, vector<1x16xi32>,
      %swap3A_138 = vector.shape_cast %swap3A_137 : vector<1x16xi32> to vector<16xi32>
      %swap3A_139 = vector.shape_cast %select_n3A_134 : vector<16xi32> to vector<1x16xi32>
      tpu.vector_store %arg7[%swap3A_135, %swap3A_136], %swap3A_139 {strides = array<i32>} : memref<250x80xi32, #tpu.memory_space<vmem>>, vector<1x16xi32>,
    }
    %scan3A_34 = arith.constant 250 : i32
    %barrier3A = arith.constant 0 : index
    tpu.barrier barrier_id(%barrier3A)
    %multiple_of3A_35 = arith.constant 0 : i32
    %multiple_of3A_36 = tpu.assume_multiple %multiple_of3A_35, 8 : i32
    %multiple_of3A_37 = arith.constant 80 : i32
    %multiple_of3A_38 = tpu.assume_multiple %multiple_of3A_37, 8 : i32
    %multiple_of3A_39 = arith.constant 160 : i32
    %multiple_of3A_40 = tpu.assume_multiple %multiple_of3A_39, 8 : i32
    %scan3A_41 = arith.constant 0 : i32
    %scan3A_42 = arith.constant 0 : i32
    %scan3A_43 = arith.constant 50 : i32
    %scan3A_44 = arith.addi %scan3A_42, %scan3A_43 : i32
    %scan3A_45 = arith.constant 1 : i32
    scf.for %scan3A_63 = %scan3A_42 to %scan3A_44 step %scan3A_45  : i32 {
      %mul3A_64 = arith.constant 5 : i32
      %mul3A_65 = arith.muli %scan3A_63, %mul3A_64 : i32
      %add3A_66 = arith.constant 0 : i32
      %add3A_67 = arith.addi %mul3A_65, %add3A_66 : i32
      %mul3A_68 = arith.constant 80 : i32
      %mul3A_69 = arith.muli %add3A_67, %mul3A_68 : i32
      %dma_start3A = arith.constant 0 : i32
      %dma_start3A_70 = tpu.memref_slice %arg8[%multiple_of3A_36, %dma_start3A] : memref<240x128xf32, #tpu.memory_space<vmem>> -> memref<80x128xf32, #tpu.memory_space<vmem>>
      %dma_start3A_71 = tpu.memref_slice %arg6[%mul3A_69] : memref<20000xi32, #tpu.memory_space<vmem>> -> memref<80xi32, #tpu.memory_space<vmem>>
      %dma_start3A_72 = arith.constant 0 : i32
      %dma_start3A_73 = arith.constant 0 : i32
      %dma_start3A_74 = tpu.memref_slice %arg2[%dma_start3A_72, %dma_start3A_73] : memref<10000x128xf32, #tpu.memory_space<hbm>> -> memref<10000x128xf32, #tpu.memory_space<hbm>>
      tpu.enqueue_indirect_dma source(%dma_start3A_74 : memref<10000x128xf32, #tpu.memory_space<hbm>>) target(%dma_start3A_70 : memref<80x128xf32, #tpu.memory_space<vmem>>) offsets(%dma_start3A_71 : memref<80xi32, #tpu.memory_space<vmem>>) semaphore(%arg10 : memref<!tpu.dma_semaphore, #tpu.memory_space<semaphore_mem>>)
      %add3A_75 = arith.constant 1 : i32
      %add3A_76 = arith.addi %mul3A_65, %add3A_75 : i32
      %mul3A_77 = arith.constant 80 : i32
      %mul3A_78 = arith.muli %add3A_76, %mul3A_77 : i32
      %dma_start3A_79 = arith.constant 0 : i32
      %dma_start3A_80 = tpu.memref_slice %arg8[%multiple_of3A_38, %dma_start3A_79] : memref<240x128xf32, #tpu.memory_space<vmem>> -> memref<80x128xf32, #tpu.memory_space<vmem>>
      %dma_start3A_81 = tpu.memref_slice %arg6[%mul3A_78] : memref<20000xi32, #tpu.memory_space<vmem>> -> memref<80xi32, #tpu.memory_space<vmem>>
      %dma_start3A_82 = arith.constant 0 : i32
      %dma_start3A_83 = arith.constant 0 : i32
      %dma_start3A_84 = tpu.memref_slice %arg2[%dma_start3A_82, %dma_start3A_83] : memref<10000x128xf32, #tpu.memory_space<hbm>> -> memref<10000x128xf32, #tpu.memory_space<hbm>>
      tpu.enqueue_indirect_dma source(%dma_start3A_84 : memref<10000x128xf32, #tpu.memory_space<hbm>>) target(%dma_start3A_80 : memref<80x128xf32, #tpu.memory_space<vmem>>) offsets(%dma_start3A_81 : memref<80xi32, #tpu.memory_space<vmem>>) semaphore(%arg10 : memref<!tpu.dma_semaphore, #tpu.memory_space<semaphore_mem>>)
      %add3A_85 = arith.constant 2 : i32
      %add3A_86 = arith.addi %mul3A_65, %add3A_85 : i32
      %mul3A_87 = arith.constant 80 : i32
      %mul3A_88 = arith.muli %add3A_86, %mul3A_87 : i32
      %dma_start3A_89 = arith.constant 0 : i32
      %dma_start3A_90 = tpu.memref_slice %arg8[%multiple_of3A_40, %dma_start3A_89] : memref<240x128xf32, #tpu.memory_space<vmem>> -> memref<80x128xf32, #tpu.memory_space<vmem>>
      %dma_start3A_91 = tpu.memref_slice %arg6[%mul3A_88] : memref<20000xi32, #tpu.memory_space<vmem>> -> memref<80xi32, #tpu.memory_space<vmem>>
      %dma_start3A_92 = arith.constant 0 : i32
      %dma_start3A_93 = arith.constant 0 : i32
      %dma_start3A_94 = tpu.memref_slice %arg2[%dma_start3A_92, %dma_start3A_93] : memref<10000x128xf32, #tpu.memory_space<hbm>> -> memref<10000x128xf32, #tpu.memory_space<hbm>>
      tpu.enqueue_indirect_dma source(%dma_start3A_94 : memref<10000x128xf32, #tpu.memory_space<hbm>>) target(%dma_start3A_90 : memref<80x128xf32, #tpu.memory_space<vmem>>) offsets(%dma_start3A_91 : memref<80xi32, #tpu.memory_space<vmem>>) semaphore(%arg10 : memref<!tpu.dma_semaphore, #tpu.memory_space<semaphore_mem>>)
      %add3A_95 = arith.constant 0 : i32
      %add3A_96 = arith.addi %mul3A_65, %add3A_95 : i32
      %mul3A_97 = arith.constant 80 : i32
      %mul3A_98 = arith.muli %add3A_96, %mul3A_97 : i32
      %dma_wait3A = arith.constant 0 : i32
      %dma_wait3A_99 = tpu.memref_slice %arg8[%multiple_of3A_36, %dma_wait3A] : memref<240x128xf32, #tpu.memory_space<vmem>> -> memref<80x128xf32, #tpu.memory_space<vmem>>
      %dma_wait3A_100 = tpu.memref_slice %arg6[%mul3A_98] : memref<20000xi32, #tpu.memory_space<vmem>> -> memref<80xi32, #tpu.memory_space<vmem>>
      %dma_wait3A_101 = arith.constant 0 : i32
      %dma_wait3A_102 = arith.constant 0 : i32
      %dma_wait3A_103 = tpu.memref_slice %arg2[%dma_wait3A_101, %dma_wait3A_102] : memref<10000x128xf32, #tpu.memory_space<hbm>> -> memref<10000x128xf32, #tpu.memory_space<hbm>>
      tpu.wait_indirect_dma semaphore(%arg10 : memref<!tpu.dma_semaphore, #tpu.memory_space<semaphore_mem>>) src(%dma_wait3A_103 : memref<10000x128xf32, #tpu.memory_space<hbm>>) dst(%dma_wait3A_99 : memref<80x128xf32, #tpu.memory_space<vmem>>)
      %add3A_104 = arith.constant 0 : i32
      %add3A_105 = arith.addi %mul3A_65, %add3A_104 : i32
      "tpu.region"() ({
        %run_scoped3A = tpu.sem_alloc : memref<!tpu.dma_semaphore, #tpu.memory_space<semaphore_mem>>
        %dma_start3A_178 = arith.constant 0 : i32
        %dma_start3A_179 = tpu.memref_slice %arg8[%multiple_of3A_36, %dma_start3A_178] : memref<240x128xf32, #tpu.memory_space<vmem>> -> memref<80x128xf32, #tpu.memory_space<vmem>>
        %dma_start3A_180 = arith.constant 0 : i32
        %dma_start3A_181 = tpu.memref_slice %arg7[%add3A_105, %dma_start3A_180] : memref<250x80xi32, #tpu.memory_space<vmem>> -> memref<1x80xi32, #tpu.memory_space<vmem>>
        %dma_start3A_182 = tpu.memref_squeeze %dma_start3A_181 : memref<1x80xi32, #tpu.memory_space<vmem>> -> memref<80xi32, #tpu.memory_space<vmem>>
        %dma_start3A_183 = arith.constant 0 : i32
        %dma_start3A_184 = arith.constant 0 : i32
        %dma_start3A_185 = tpu.memref_slice %arg9[%dma_start3A_183, %dma_start3A_184] : memref<5008x128xf32, #tpu.memory_space<vmem_shared>> -> memref<5008x128xf32, #tpu.memory_space<vmem_shared>>
        tpu.enqueue_indirect_dma source(%dma_start3A_179 : memref<80x128xf32, #tpu.memory_space<vmem>>) target(%dma_start3A_185 : memref<5008x128xf32, #tpu.memory_space<vmem_shared>>) offsets(%dma_start3A_182 : memref<80xi32, #tpu.memory_space<vmem>>) semaphore(%run_scoped3A : memref<!tpu.dma_semaphore, #tpu.memory_space<semaphore_mem>>) {add = true}
        %dma_wait3A_186 = arith.constant 0 : i32
        %dma_wait3A_187 = tpu.memref_slice %arg8[%multiple_of3A_36, %dma_wait3A_186] : memref<240x128xf32, #tpu.memory_space<vmem>> -> memref<80x128xf32, #tpu.memory_space<vmem>>
        %dma_wait3A_188 = arith.constant 0 : i32
        %dma_wait3A_189 = tpu.memref_slice %arg7[%add3A_105, %dma_wait3A_188] : memref<250x80xi32, #tpu.memory_space<vmem>> -> memref<1x80xi32, #tpu.memory_space<vmem>>
        %dma_wait3A_190 = tpu.memref_squeeze %dma_wait3A_189 : memref<1x80xi32, #tpu.memory_space<vmem>> -> memref<80xi32, #tpu.memory_space<vmem>>
        %dma_wait3A_191 = arith.constant 0 : i32
        %dma_wait3A_192 = arith.constant 0 : i32
        %dma_wait3A_193 = tpu.memref_slice %arg9[%dma_wait3A_191, %dma_wait3A_192] : memref<5008x128xf32, #tpu.memory_space<vmem_shared>> -> memref<5008x128xf32, #tpu.memory_space<vmem_shared>>
        tpu.wait_indirect_dma semaphore(%run_scoped3A : memref<!tpu.dma_semaphore, #tpu.memory_space<semaphore_mem>>) src(%dma_wait3A_187 : memref<80x128xf32, #tpu.memory_space<vmem>>) dst(%dma_wait3A_193 : memref<5008x128xf32, #tpu.memory_space<vmem_shared>>)
        tpu.yield
      }) : () -> ()
      %add3A_106 = arith.constant 0 : i32
      %add3A_107 = arith.addi %mul3A_65, %add3A_106 : i32
      %add3A_108 = arith.constant 3 : i32
      %add3A_109 = arith.addi %add3A_107, %add3A_108 : i32
      %mul3A_110 = arith.constant 80 : i32
      %mul3A_111 = arith.muli %add3A_109, %mul3A_110 : i32
      %dma_start3A_112 = arith.constant 0 : i32
      %dma_start3A_113 = tpu.memref_slice %arg8[%multiple_of3A_36, %dma_start3A_112] : memref<240x128xf32, #tpu.memory_space<vmem>> -> memref<80x128xf32, #tpu.memory_space<vmem>>
      %dma_start3A_114 = tpu.memref_slice %arg6[%mul3A_111] : memref<20000xi32, #tpu.memory_space<vmem>> -> memref<80xi32, #tpu.memory_space<vmem>>
      %dma_start3A_115 = arith.constant 0 : i32
      %dma_start3A_116 = arith.constant 0 : i32
      %dma_start3A_117 = tpu.memref_slice %arg2[%dma_start3A_115, %dma_start3A_116] : memref<10000x128xf32, #tpu.memory_space<hbm>> -> memref<10000x128xf32, #tpu.memory_space<hbm>>
      tpu.enqueue_indirect_dma source(%dma_start3A_117 : memref<10000x128xf32, #tpu.memory_space<hbm>>) target(%dma_start3A_113 : memref<80x128xf32, #tpu.memory_space<vmem>>) offsets(%dma_start3A_114 : memref<80xi32, #tpu.memory_space<vmem>>) semaphore(%arg10 : memref<!tpu.dma_semaphore, #tpu.memory_space<semaphore_mem>>)
      %add3A_118 = arith.constant 1 : i32
      %add3A_119 = arith.addi %mul3A_65, %add3A_118 : i32
      %mul3A_120 = arith.constant 80 : i32
      %mul3A_121 = arith.muli %add3A_119, %mul3A_120 : i32
      %dma_wait3A_122 = arith.constant 0 : i32
      %dma_wait3A_123 = tpu.memref_slice %arg8[%multiple_of3A_38, %dma_wait3A_122] : memref<240x128xf32, #tpu.memory_space<vmem>> -> memref<80x128xf32, #tpu.memory_space<vmem>>
      %dma_wait3A_124 = tpu.memref_slice %arg6[%mul3A_121] : memref<20000xi32, #tpu.memory_space<vmem>> -> memref<80xi32, #tpu.memory_space<vmem>>
      %dma_wait3A_125 = arith.constant 0 : i32
      %dma_wait3A_126 = arith.constant 0 : i32
      %dma_wait3A_127 = tpu.memref_slice %arg2[%dma_wait3A_125, %dma_wait3A_126] : memref<10000x128xf32, #tpu.memory_space<hbm>> -> memref<10000x128xf32, #tpu.memory_space<hbm>>
      tpu.wait_indirect_dma semaphore(%arg10 : memref<!tpu.dma_semaphore, #tpu.memory_space<semaphore_mem>>) src(%dma_wait3A_127 : memref<10000x128xf32, #tpu.memory_space<hbm>>) dst(%dma_wait3A_123 : memref<80x128xf32, #tpu.memory_space<vmem>>)
      %add3A_128 = arith.constant 1 : i32
      %add3A_129 = arith.addi %mul3A_65, %add3A_128 : i32
      "tpu.region"() ({
        %run_scoped3A = tpu.sem_alloc : memref<!tpu.dma_semaphore, #tpu.memory_space<semaphore_mem>>
        %dma_start3A_178 = arith.constant 0 : i32
        %dma_start3A_179 = tpu.memref_slice %arg8[%multiple_of3A_38, %dma_start3A_178] : memref<240x128xf32, #tpu.memory_space<vmem>> -> memref<80x128xf32, #tpu.memory_space<vmem>>
        %dma_start3A_180 = arith.constant 0 : i32
        %dma_start3A_181 = tpu.memref_slice %arg7[%add3A_129, %dma_start3A_180] : memref<250x80xi32, #tpu.memory_space<vmem>> -> memref<1x80xi32, #tpu.memory_space<vmem>>
        %dma_start3A_182 = tpu.memref_squeeze %dma_start3A_181 : memref<1x80xi32, #tpu.memory_space<vmem>> -> memref<80xi32, #tpu.memory_space<vmem>>
        %dma_start3A_183 = arith.constant 0 : i32
        %dma_start3A_184 = arith.constant 0 : i32
        %dma_start3A_185 = tpu.memref_slice %arg9[%dma_start3A_183, %dma_start3A_184] : memref<5008x128xf32, #tpu.memory_space<vmem_shared>> -> memref<5008x128xf32, #tpu.memory_space<vmem_shared>>
        tpu.enqueue_indirect_dma source(%dma_start3A_179 : memref<80x128xf32, #tpu.memory_space<vmem>>) target(%dma_start3A_185 : memref<5008x128xf32, #tpu.memory_space<vmem_shared>>) offsets(%dma_start3A_182 : memref<80xi32, #tpu.memory_space<vmem>>) semaphore(%run_scoped3A : memref<!tpu.dma_semaphore, #tpu.memory_space<semaphore_mem>>) {add = true}
        %dma_wait3A_186 = arith.constant 0 : i32
        %dma_wait3A_187 = tpu.memref_slice %arg8[%multiple_of3A_38, %dma_wait3A_186] : memref<240x128xf32, #tpu.memory_space<vmem>> -> memref<80x128xf32, #tpu.memory_space<vmem>>
        %dma_wait3A_188 = arith.constant 0 : i32
        %dma_wait3A_189 = tpu.memref_slice %arg7[%add3A_129, %dma_wait3A_188] : memref<250x80xi32, #tpu.memory_space<vmem>> -> memref<1x80xi32, #tpu.memory_space<vmem>>
        %dma_wait3A_190 = tpu.memref_squeeze %dma_wait3A_189 : memref<1x80xi32, #tpu.memory_space<vmem>> -> memref<80xi32, #tpu.memory_space<vmem>>
        %dma_wait3A_191 = arith.constant 0 : i32
        %dma_wait3A_192 = arith.constant 0 : i32
        %dma_wait3A_193 = tpu.memref_slice %arg9[%dma_wait3A_191, %dma_wait3A_192] : memref<5008x128xf32, #tpu.memory_space<vmem_shared>> -> memref<5008x128xf32, #tpu.memory_space<vmem_shared>>
        tpu.wait_indirect_dma semaphore(%run_scoped3A : memref<!tpu.dma_semaphore, #tpu.memory_space<semaphore_mem>>) src(%dma_wait3A_187 : memref<80x128xf32, #tpu.memory_space<vmem>>) dst(%dma_wait3A_193 : memref<5008x128xf32, #tpu.memory_space<vmem_shared>>)
        tpu.yield
      }) : () -> ()
      %add3A_130 = arith.constant 1 : i32
      %add3A_131 = arith.addi %mul3A_65, %add3A_130 : i32
      %add3A_132 = arith.constant 3 : i32
      %add3A_133 = arith.addi %add3A_131, %add3A_132 : i32
      %mul3A_134 = arith.constant 80 : i32
      %mul3A_135 = arith.muli %add3A_133, %mul3A_134 : i32
      %dma_start3A_136 = arith.constant 0 : i32
      %dma_start3A_137 = tpu.memref_slice %arg8[%multiple_of3A_38, %dma_start3A_136] : memref<240x128xf32, #tpu.memory_space<vmem>> -> memref<80x128xf32, #tpu.memory_space<vmem>>
      %dma_start3A_138 = tpu.memref_slice %arg6[%mul3A_135] : memref<20000xi32, #tpu.memory_space<vmem>> -> memref<80xi32, #tpu.memory_space<vmem>>
      %dma_start3A_139 = arith.constant 0 : i32
      %dma_start3A_140 = arith.constant 0 : i32
      %dma_start3A_141 = tpu.memref_slice %arg2[%dma_start3A_139, %dma_start3A_140] : memref<10000x128xf32, #tpu.memory_space<hbm>> -> memref<10000x128xf32, #tpu.memory_space<hbm>>
      tpu.enqueue_indirect_dma source(%dma_start3A_141 : memref<10000x128xf32, #tpu.memory_space<hbm>>) target(%dma_start3A_137 : memref<80x128xf32, #tpu.memory_space<vmem>>) offsets(%dma_start3A_138 : memref<80xi32, #tpu.memory_space<vmem>>) semaphore(%arg10 : memref<!tpu.dma_semaphore, #tpu.memory_space<semaphore_mem>>)
      %add3A_142 = arith.constant 2 : i32
      %add3A_143 = arith.addi %mul3A_65, %add3A_142 : i32
      %mul3A_144 = arith.constant 80 : i32
      %mul3A_145 = arith.muli %add3A_143, %mul3A_144 : i32
      %dma_wait3A_146 = arith.constant 0 : i32
      %dma_wait3A_147 = tpu.memref_slice %arg8[%multiple_of3A_40, %dma_wait3A_146] : memref<240x128xf32, #tpu.memory_space<vmem>> -> memref<80x128xf32, #tpu.memory_space<vmem>>
      %dma_wait3A_148 = tpu.memref_slice %arg6[%mul3A_145] : memref<20000xi32, #tpu.memory_space<vmem>> -> memref<80xi32, #tpu.memory_space<vmem>>
      %dma_wait3A_149 = arith.constant 0 : i32
      %dma_wait3A_150 = arith.constant 0 : i32
      %dma_wait3A_151 = tpu.memref_slice %arg2[%dma_wait3A_149, %dma_wait3A_150] : memref<10000x128xf32, #tpu.memory_space<hbm>> -> memref<10000x128xf32, #tpu.memory_space<hbm>>
      tpu.wait_indirect_dma semaphore(%arg10 : memref<!tpu.dma_semaphore, #tpu.memory_space<semaphore_mem>>) src(%dma_wait3A_151 : memref<10000x128xf32, #tpu.memory_space<hbm>>) dst(%dma_wait3A_147 : memref<80x128xf32, #tpu.memory_space<vmem>>)
      %add3A_152 = arith.constant 2 : i32
      %add3A_153 = arith.addi %mul3A_65, %add3A_152 : i32
      "tpu.region"() ({
        %run_scoped3A = tpu.sem_alloc : memref<!tpu.dma_semaphore, #tpu.memory_space<semaphore_mem>>
        %dma_start3A_178 = arith.constant 0 : i32
        %dma_start3A_179 = tpu.memref_slice %arg8[%multiple_of3A_40, %dma_start3A_178] : memref<240x128xf32, #tpu.memory_space<vmem>> -> memref<80x128xf32, #tpu.memory_space<vmem>>
        %dma_start3A_180 = arith.constant 0 : i32
        %dma_start3A_181 = tpu.memref_slice %arg7[%add3A_153, %dma_start3A_180] : memref<250x80xi32, #tpu.memory_space<vmem>> -> memref<1x80xi32, #tpu.memory_space<vmem>>
        %dma_start3A_182 = tpu.memref_squeeze %dma_start3A_181 : memref<1x80xi32, #tpu.memory_space<vmem>> -> memref<80xi32, #tpu.memory_space<vmem>>
        %dma_start3A_183 = arith.constant 0 : i32
        %dma_start3A_184 = arith.constant 0 : i32
        %dma_start3A_185 = tpu.memref_slice %arg9[%dma_start3A_183, %dma_start3A_184] : memref<5008x128xf32, #tpu.memory_space<vmem_shared>> -> memref<5008x128xf32, #tpu.memory_space<vmem_shared>>
        tpu.enqueue_indirect_dma source(%dma_start3A_179 : memref<80x128xf32, #tpu.memory_space<vmem>>) target(%dma_start3A_185 : memref<5008x128xf32, #tpu.memory_space<vmem_shared>>) offsets(%dma_start3A_182 : memref<80xi32, #tpu.memory_space<vmem>>) semaphore(%run_scoped3A : memref<!tpu.dma_semaphore, #tpu.memory_space<semaphore_mem>>) {add = true}
        %dma_wait3A_186 = arith.constant 0 : i32
        %dma_wait3A_187 = tpu.memref_slice %arg8[%multiple_of3A_40, %dma_wait3A_186] : memref<240x128xf32, #tpu.memory_space<vmem>> -> memref<80x128xf32, #tpu.memory_space<vmem>>
        %dma_wait3A_188 = arith.constant 0 : i32
        %dma_wait3A_189 = tpu.memref_slice %arg7[%add3A_153, %dma_wait3A_188] : memref<250x80xi32, #tpu.memory_space<vmem>> -> memref<1x80xi32, #tpu.memory_space<vmem>>
        %dma_wait3A_190 = tpu.memref_squeeze %dma_wait3A_189 : memref<1x80xi32, #tpu.memory_space<vmem>> -> memref<80xi32, #tpu.memory_space<vmem>>
        %dma_wait3A_191 = arith.constant 0 : i32
        %dma_wait3A_192 = arith.constant 0 : i32
        %dma_wait3A_193 = tpu.memref_slice %arg9[%dma_wait3A_191, %dma_wait3A_192] : memref<5008x128xf32, #tpu.memory_space<vmem_shared>> -> memref<5008x128xf32, #tpu.memory_space<vmem_shared>>
        tpu.wait_indirect_dma semaphore(%run_scoped3A : memref<!tpu.dma_semaphore, #tpu.memory_space<semaphore_mem>>) src(%dma_wait3A_187 : memref<80x128xf32, #tpu.memory_space<vmem>>) dst(%dma_wait3A_193 : memref<5008x128xf32, #tpu.memory_space<vmem_shared>>)
        tpu.yield
      }) : () -> ()
      %add3A_154 = arith.constant 3 : i32
      %add3A_155 = arith.addi %mul3A_65, %add3A_154 : i32
      %mul3A_156 = arith.constant 80 : i32
      %mul3A_157 = arith.muli %add3A_155, %mul3A_156 : i32
      %dma_wait3A_158 = arith.constant 0 : i32
      %dma_wait3A_159 = tpu.memref_slice %arg8[%multiple_of3A_36, %dma_wait3A_158] : memref<240x128xf32, #tpu.memory_space<vmem>> -> memref<80x128xf32, #tpu.memory_space<vmem>>
      %dma_wait3A_160 = tpu.memref_slice %arg6[%mul3A_157] : memref<20000xi32, #tpu.memory_space<vmem>> -> memref<80xi32, #tpu.memory_space<vmem>>
      %dma_wait3A_161 = arith.constant 0 : i32
      %dma_wait3A_162 = arith.constant 0 : i32
      %dma_wait3A_163 = tpu.memref_slice %arg2[%dma_wait3A_161, %dma_wait3A_162] : memref<10000x128xf32, #tpu.memory_space<hbm>> -> memref<10000x128xf32, #tpu.memory_space<hbm>>
      tpu.wait_indirect_dma semaphore(%arg10 : memref<!tpu.dma_semaphore, #tpu.memory_space<semaphore_mem>>) src(%dma_wait3A_163 : memref<10000x128xf32, #tpu.memory_space<hbm>>) dst(%dma_wait3A_159 : memref<80x128xf32, #tpu.memory_space<vmem>>)
      %add3A_164 = arith.constant 3 : i32
      %add3A_165 = arith.addi %mul3A_65, %add3A_164 : i32
      "tpu.region"() ({
        %run_scoped3A = tpu.sem_alloc : memref<!tpu.dma_semaphore, #tpu.memory_space<semaphore_mem>>
        %dma_start3A_178 = arith.constant 0 : i32
        %dma_start3A_179 = tpu.memref_slice %arg8[%multiple_of3A_36, %dma_start3A_178] : memref<240x128xf32, #tpu.memory_space<vmem>> -> memref<80x128xf32, #tpu.memory_space<vmem>>
        %dma_start3A_180 = arith.constant 0 : i32
        %dma_start3A_181 = tpu.memref_slice %arg7[%add3A_165, %dma_start3A_180] : memref<250x80xi32, #tpu.memory_space<vmem>> -> memref<1x80xi32, #tpu.memory_space<vmem>>
        %dma_start3A_182 = tpu.memref_squeeze %dma_start3A_181 : memref<1x80xi32, #tpu.memory_space<vmem>> -> memref<80xi32, #tpu.memory_space<vmem>>
        %dma_start3A_183 = arith.constant 0 : i32
        %dma_start3A_184 = arith.constant 0 : i32
        %dma_start3A_185 = tpu.memref_slice %arg9[%dma_start3A_183, %dma_start3A_184] : memref<5008x128xf32, #tpu.memory_space<vmem_shared>> -> memref<5008x128xf32, #tpu.memory_space<vmem_shared>>
        tpu.enqueue_indirect_dma source(%dma_start3A_179 : memref<80x128xf32, #tpu.memory_space<vmem>>) target(%dma_start3A_185 : memref<5008x128xf32, #tpu.memory_space<vmem_shared>>) offsets(%dma_start3A_182 : memref<80xi32, #tpu.memory_space<vmem>>) semaphore(%run_scoped3A : memref<!tpu.dma_semaphore, #tpu.memory_space<semaphore_mem>>) {add = true}
        %dma_wait3A_186 = arith.constant 0 : i32
        %dma_wait3A_187 = tpu.memref_slice %arg8[%multiple_of3A_36, %dma_wait3A_186] : memref<240x128xf32, #tpu.memory_space<vmem>> -> memref<80x128xf32, #tpu.memory_space<vmem>>
        %dma_wait3A_188 = arith.constant 0 : i32
        %dma_wait3A_189 = tpu.memref_slice %arg7[%add3A_165, %dma_wait3A_188] : memref<250x80xi32, #tpu.memory_space<vmem>> -> memref<1x80xi32, #tpu.memory_space<vmem>>
        %dma_wait3A_190 = tpu.memref_squeeze %dma_wait3A_189 : memref<1x80xi32, #tpu.memory_space<vmem>> -> memref<80xi32, #tpu.memory_space<vmem>>
        %dma_wait3A_191 = arith.constant 0 : i32
        %dma_wait3A_192 = arith.constant 0 : i32
        %dma_wait3A_193 = tpu.memref_slice %arg9[%dma_wait3A_191, %dma_wait3A_192] : memref<5008x128xf32, #tpu.memory_space<vmem_shared>> -> memref<5008x128xf32, #tpu.memory_space<vmem_shared>>
        tpu.wait_indirect_dma semaphore(%run_scoped3A : memref<!tpu.dma_semaphore, #tpu.memory_space<semaphore_mem>>) src(%dma_wait3A_187 : memref<80x128xf32, #tpu.memory_space<vmem>>) dst(%dma_wait3A_193 : memref<5008x128xf32, #tpu.memory_space<vmem_shared>>)
        tpu.yield
      }) : () -> ()
      %add3A_166 = arith.constant 4 : i32
      %add3A_167 = arith.addi %mul3A_65, %add3A_166 : i32
      %mul3A_168 = arith.constant 80 : i32
      %mul3A_169 = arith.muli %add3A_167, %mul3A_168 : i32
      %dma_wait3A_170 = arith.constant 0 : i32
      %dma_wait3A_171 = tpu.memref_slice %arg8[%multiple_of3A_38, %dma_wait3A_170] : memref<240x128xf32, #tpu.memory_space<vmem>> -> memref<80x128xf32, #tpu.memory_space<vmem>>
      %dma_wait3A_172 = tpu.memref_slice %arg6[%mul3A_169] : memref<20000xi32, #tpu.memory_space<vmem>> -> memref<80xi32, #tpu.memory_space<vmem>>
      %dma_wait3A_173 = arith.constant 0 : i32
      %dma_wait3A_174 = arith.constant 0 : i32
      %dma_wait3A_175 = tpu.memref_slice %arg2[%dma_wait3A_173, %dma_wait3A_174] : memref<10000x128xf32, #tpu.memory_space<hbm>> -> memref<10000x128xf32, #tpu.memory_space<hbm>>
      tpu.wait_indirect_dma semaphore(%arg10 : memref<!tpu.dma_semaphore, #tpu.memory_space<semaphore_mem>>) src(%dma_wait3A_175 : memref<10000x128xf32, #tpu.memory_space<hbm>>) dst(%dma_wait3A_171 : memref<80x128xf32, #tpu.memory_space<vmem>>)
      %add3A_176 = arith.constant 4 : i32
      %add3A_177 = arith.addi %mul3A_65, %add3A_176 : i32
      "tpu.region"() ({
        %run_scoped3A = tpu.sem_alloc : memref<!tpu.dma_semaphore, #tpu.memory_space<semaphore_mem>>
        %dma_start3A_178 = arith.constant 0 : i32
        %dma_start3A_179 = tpu.memref_slice %arg8[%multiple_of3A_38, %dma_start3A_178] : memref<240x128xf32, #tpu.memory_space<vmem>> -> memref<80x128xf32, #tpu.memory_space<vmem>>
        %dma_start3A_180 = arith.constant 0 : i32
        %dma_start3A_181 = tpu.memref_slice %arg7[%add3A_177, %dma_start3A_180] : memref<250x80xi32, #tpu.memory_space<vmem>> -> memref<1x80xi32, #tpu.memory_space<vmem>>
        %dma_start3A_182 = tpu.memref_squeeze %dma_start3A_181 : memref<1x80xi32, #tpu.memory_space<vmem>> -> memref<80xi32, #tpu.memory_space<vmem>>
        %dma_start3A_183 = arith.constant 0 : i32
        %dma_start3A_184 = arith.constant 0 : i32
        %dma_start3A_185 = tpu.memref_slice %arg9[%dma_start3A_183, %dma_start3A_184] : memref<5008x128xf32, #tpu.memory_space<vmem_shared>> -> memref<5008x128xf32, #tpu.memory_space<vmem_shared>>
        tpu.enqueue_indirect_dma source(%dma_start3A_179 : memref<80x128xf32, #tpu.memory_space<vmem>>) target(%dma_start3A_185 : memref<5008x128xf32, #tpu.memory_space<vmem_shared>>) offsets(%dma_start3A_182 : memref<80xi32, #tpu.memory_space<vmem>>) semaphore(%run_scoped3A : memref<!tpu.dma_semaphore, #tpu.memory_space<semaphore_mem>>) {add = true}
        %dma_wait3A_186 = arith.constant 0 : i32
        %dma_wait3A_187 = tpu.memref_slice %arg8[%multiple_of3A_38, %dma_wait3A_186] : memref<240x128xf32, #tpu.memory_space<vmem>> -> memref<80x128xf32, #tpu.memory_space<vmem>>
        %dma_wait3A_188 = arith.constant 0 : i32
        %dma_wait3A_189 = tpu.memref_slice %arg7[%add3A_177, %dma_wait3A_188] : memref<250x80xi32, #tpu.memory_space<vmem>> -> memref<1x80xi32, #tpu.memory_space<vmem>>
        %dma_wait3A_190 = tpu.memref_squeeze %dma_wait3A_189 : memref<1x80xi32, #tpu.memory_space<vmem>> -> memref<80xi32, #tpu.memory_space<vmem>>
        %dma_wait3A_191 = arith.constant 0 : i32
        %dma_wait3A_192 = arith.constant 0 : i32
        %dma_wait3A_193 = tpu.memref_slice %arg9[%dma_wait3A_191, %dma_wait3A_192] : memref<5008x128xf32, #tpu.memory_space<vmem_shared>> -> memref<5008x128xf32, #tpu.memory_space<vmem_shared>>
        tpu.wait_indirect_dma semaphore(%run_scoped3A : memref<!tpu.dma_semaphore, #tpu.memory_space<semaphore_mem>>) src(%dma_wait3A_187 : memref<80x128xf32, #tpu.memory_space<vmem>>) dst(%dma_wait3A_193 : memref<5008x128xf32, #tpu.memory_space<vmem_shared>>)
        tpu.yield
      }) : () -> ()
    }
    %scan3A_46 = arith.constant 50 : i32
    %barrier3A_47 = arith.constant 0 : index
    tpu.barrier barrier_id(%barrier3A_47)
    %while3A_48 = arith.constant 0 : i32
    %while3A_49 = arith.constant 0 : i32
    %while3A_50 = arith.subi %select_n3A, %while3A_49 : i32
    %while3A_51 = arith.addi %while3A_49, %while3A_50 : i32
    %while3A_52 = arith.constant 1 : i32
    %while3A_53 = arith.divsi %while3A_50, %while3A_52 : i32
    %while3A_54 = arith.muli %while3A_53, %while3A_52 : i32
    %while3A_55 = arith.addi %while3A_49, %while3A_54 : i32
    %while3A_56 = arith.constant 1 : i32
    scf.for %while3A_63 = %while3A_49 to %while3A_55 step %while3A_56  : i32 {
      %mul3A_64 = arith.constant 80 : i32
      %mul3A_65 = arith.muli %while3A_63, %mul3A_64 : i32
      %add3A_66 = arith.addi %multiple_of3A_5, %mul3A_65 : i32
      %multiple_of3A_67 = tpu.assume_multiple %add3A_66, 8 : i32
      %mul3A_68 = arith.constant 80 : i32
      %mul3A_69 = arith.muli %while3A_63, %mul3A_68 : i32
      %add3A_70 = arith.addi %multiple_of3A, %mul3A_69 : i32
      %multiple_of3A_71 = tpu.assume_multiple %add3A_70, 8 : i32
      "tpu.region"() ({
        %run_scoped3A = tpu.sem_alloc : memref<!tpu.dma_semaphore, #tpu.memory_space<semaphore_mem>>
        %dma_start3A = arith.constant 0 : i32
        %dma_start3A_72 = arith.constant 0 : i32
        %dma_start3A_73 = tpu.memref_slice %arg8[%dma_start3A, %dma_start3A_72] : memref<240x128xf32, #tpu.memory_space<vmem>> -> memref<80x128xf32, #tpu.memory_space<vmem>>
        %dma_start3A_74 = arith.constant 0 : i32
        %dma_start3A_75 = tpu.memref_slice %arg9[%multiple_of3A_71, %dma_start3A_74] : memref<5008x128xf32, #tpu.memory_space<vmem_shared>> -> memref<80x128xf32, #tpu.memory_space<vmem_shared>>
        %dma_start3A_76 = arith.constant 0 : i32
        %dma_start3A_77 = arith.constant 0 : i32
        %dma_start3A_78 = tpu.memref_slice %arg8[%dma_start3A_76, %dma_start3A_77] : memref<240x128xf32, #tpu.memory_space<vmem>> -> memref<80x128xf32, #tpu.memory_space<vmem>>
        %dma_start3A_79 = arith.constant 0 : i32
        %dma_start3A_80 = tpu.memref_slice %arg9[%multiple_of3A_71, %dma_start3A_79] : memref<5008x128xf32, #tpu.memory_space<vmem_shared>> -> memref<80x128xf32, #tpu.memory_space<vmem_shared>>
        tpu.enqueue_dma source(%dma_start3A_80 : memref<80x128xf32, #tpu.memory_space<vmem_shared>>) target(%dma_start3A_78 : memref<80x128xf32, #tpu.memory_space<vmem>>) target_semaphore(%run_scoped3A : memref<!tpu.dma_semaphore, #tpu.memory_space<semaphore_mem>>)
        %dma_wait3A = arith.constant 0 : i32
        %dma_wait3A_81 = arith.constant 0 : i32
        %dma_wait3A_82 = tpu.memref_slice %arg8[%dma_wait3A, %dma_wait3A_81] : memref<240x128xf32, #tpu.memory_space<vmem>> -> memref<80x128xf32, #tpu.memory_space<vmem>>
        %dma_wait3A_83 = arith.constant 0 : i32
        %dma_wait3A_84 = tpu.memref_slice %arg9[%multiple_of3A_71, %dma_wait3A_83] : memref<5008x128xf32, #tpu.memory_space<vmem_shared>> -> memref<80x128xf32, #tpu.memory_space<vmem_shared>>
        %dma_wait3A_85 = arith.constant 0 : i32
        %dma_wait3A_86 = arith.constant 0 : i32
        %dma_wait3A_87 = tpu.memref_slice %arg8[%dma_wait3A_85, %dma_wait3A_86] : memref<240x128xf32, #tpu.memory_space<vmem>> -> memref<80x128xf32, #tpu.memory_space<vmem>>
        %dma_wait3A_88 = arith.constant 0 : i32
        %dma_wait3A_89 = tpu.memref_slice %arg9[%multiple_of3A_71, %dma_wait3A_88] : memref<5008x128xf32, #tpu.memory_space<vmem_shared>> -> memref<80x128xf32, #tpu.memory_space<vmem_shared>>
        tpu.wait_dma2 semaphore(%run_scoped3A : memref<!tpu.dma_semaphore, #tpu.memory_space<semaphore_mem>>) src(%dma_wait3A_89 : memref<80x128xf32, #tpu.memory_space<vmem_shared>>) dst(%dma_wait3A_87 : memref<80x128xf32, #tpu.memory_space<vmem>>)
        tpu.yield
      }) : () -> ()
      "tpu.region"() ({
        %run_scoped3A = tpu.sem_alloc : memref<!tpu.dma_semaphore, #tpu.memory_space<semaphore_mem>>
        %dma_start3A = arith.constant 0 : i32
        %dma_start3A_72 = arith.constant 0 : i32
        %dma_start3A_73 = tpu.memref_slice %arg8[%dma_start3A, %dma_start3A_72] : memref<240x128xf32, #tpu.memory_space<vmem>> -> memref<80x128xf32, #tpu.memory_space<vmem>>
        %dma_start3A_74 = arith.constant 0 : i32
        %dma_start3A_75 = tpu.memref_slice %arg5[%multiple_of3A_67, %dma_start3A_74] : memref<10000x128xf32, #tpu.memory_space<hbm>> -> memref<80x128xf32, #tpu.memory_space<hbm>>
        %dma_start3A_76 = arith.constant 0 : i32
        %dma_start3A_77 = tpu.memref_slice %arg5[%multiple_of3A_67, %dma_start3A_76] : memref<10000x128xf32, #tpu.memory_space<hbm>> -> memref<80x128xf32, #tpu.memory_space<hbm>>
        %dma_start3A_78 = arith.constant 0 : i32
        %dma_start3A_79 = arith.constant 0 : i32
        %dma_start3A_80 = tpu.memref_slice %arg8[%dma_start3A_78, %dma_start3A_79] : memref<240x128xf32, #tpu.memory_space<vmem>> -> memref<80x128xf32, #tpu.memory_space<vmem>>
        tpu.enqueue_dma source(%dma_start3A_80 : memref<80x128xf32, #tpu.memory_space<vmem>>) target(%dma_start3A_77 : memref<80x128xf32, #tpu.memory_space<hbm>>) target_semaphore(%run_scoped3A : memref<!tpu.dma_semaphore, #tpu.memory_space<semaphore_mem>>)
        %dma_wait3A = arith.constant 0 : i32
        %dma_wait3A_81 = arith.constant 0 : i32
        %dma_wait3A_82 = tpu.memref_slice %arg8[%dma_wait3A, %dma_wait3A_81] : memref<240x128xf32, #tpu.memory_space<vmem>> -> memref<80x128xf32, #tpu.memory_space<vmem>>
        %dma_wait3A_83 = arith.constant 0 : i32
        %dma_wait3A_84 = tpu.memref_slice %arg5[%multiple_of3A_67, %dma_wait3A_83] : memref<10000x128xf32, #tpu.memory_space<hbm>> -> memref<80x128xf32, #tpu.memory_space<hbm>>
        %dma_wait3A_85 = arith.constant 0 : i32
        %dma_wait3A_86 = tpu.memref_slice %arg5[%multiple_of3A_67, %dma_wait3A_85] : memref<10000x128xf32, #tpu.memory_space<hbm>> -> memref<80x128xf32, #tpu.memory_space<hbm>>
        %dma_wait3A_87 = arith.constant 0 : i32
        %dma_wait3A_88 = arith.constant 0 : i32
        %dma_wait3A_89 = tpu.memref_slice %arg8[%dma_wait3A_87, %dma_wait3A_88] : memref<240x128xf32, #tpu.memory_space<vmem>> -> memref<80x128xf32, #tpu.memory_space<vmem>>
        tpu.wait_dma2 semaphore(%run_scoped3A : memref<!tpu.dma_semaphore, #tpu.memory_space<semaphore_mem>>) src(%dma_wait3A_89 : memref<80x128xf32, #tpu.memory_space<vmem>>) dst(%dma_wait3A_86 : memref<80x128xf32, #tpu.memory_space<hbm>>)
        tpu.yield
      }) : () -> ()
    }
    %while3A_57 = arith.constant 1 : i32
    scf.for %while3A_63 = %while3A_55 to %while3A_51 step %while3A_57  : i32 {
      %mul3A_64 = arith.constant 80 : i32
      %mul3A_65 = arith.muli %while3A_63, %mul3A_64 : i32
      %add3A_66 = arith.addi %multiple_of3A_5, %mul3A_65 : i32
      %multiple_of3A_67 = tpu.assume_multiple %add3A_66, 8 : i32
      %mul3A_68 = arith.constant 80 : i32
      %mul3A_69 = arith.muli %while3A_63, %mul3A_68 : i32
      %add3A_70 = arith.addi %multiple_of3A, %mul3A_69 : i32
      %multiple_of3A_71 = tpu.assume_multiple %add3A_70, 8 : i32
      "tpu.region"() ({
        %run_scoped3A = tpu.sem_alloc : memref<!tpu.dma_semaphore, #tpu.memory_space<semaphore_mem>>
        %dma_start3A = arith.constant 0 : i32
        %dma_start3A_72 = arith.constant 0 : i32
        %dma_start3A_73 = tpu.memref_slice %arg8[%dma_start3A, %dma_start3A_72] : memref<240x128xf32, #tpu.memory_space<vmem>> -> memref<80x128xf32, #tpu.memory_space<vmem>>
        %dma_start3A_74 = arith.constant 0 : i32
        %dma_start3A_75 = tpu.memref_slice %arg9[%multiple_of3A_71, %dma_start3A_74] : memref<5008x128xf32, #tpu.memory_space<vmem_shared>> -> memref<80x128xf32, #tpu.memory_space<vmem_shared>>
        %dma_start3A_76 = arith.constant 0 : i32
        %dma_start3A_77 = arith.constant 0 : i32
        %dma_start3A_78 = tpu.memref_slice %arg8[%dma_start3A_76, %dma_start3A_77] : memref<240x128xf32, #tpu.memory_space<vmem>> -> memref<80x128xf32, #tpu.memory_space<vmem>>
        %dma_start3A_79 = arith.constant 0 : i32
        %dma_start3A_80 = tpu.memref_slice %arg9[%multiple_of3A_71, %dma_start3A_79] : memref<5008x128xf32, #tpu.memory_space<vmem_shared>> -> memref<80x128xf32, #tpu.memory_space<vmem_shared>>
        tpu.enqueue_dma source(%dma_start3A_80 : memref<80x128xf32, #tpu.memory_space<vmem_shared>>) target(%dma_start3A_78 : memref<80x128xf32, #tpu.memory_space<vmem>>) target_semaphore(%run_scoped3A : memref<!tpu.dma_semaphore, #tpu.memory_space<semaphore_mem>>)
        %dma_wait3A = arith.constant 0 : i32
        %dma_wait3A_81 = arith.constant 0 : i32
        %dma_wait3A_82 = tpu.memref_slice %arg8[%dma_wait3A, %dma_wait3A_81] : memref<240x128xf32, #tpu.memory_space<vmem>> -> memref<80x128xf32, #tpu.memory_space<vmem>>
        %dma_wait3A_83 = arith.constant 0 : i32
        %dma_wait3A_84 = tpu.memref_slice %arg9[%multiple_of3A_71, %dma_wait3A_83] : memref<5008x128xf32, #tpu.memory_space<vmem_shared>> -> memref<80x128xf32, #tpu.memory_space<vmem_shared>>
        %dma_wait3A_85 = arith.constant 0 : i32
        %dma_wait3A_86 = arith.constant 0 : i32
        %dma_wait3A_87 = tpu.memref_slice %arg8[%dma_wait3A_85, %dma_wait3A_86] : memref<240x128xf32, #tpu.memory_space<vmem>> -> memref<80x128xf32, #tpu.memory_space<vmem>>
        %dma_wait3A_88 = arith.constant 0 : i32
        %dma_wait3A_89 = tpu.memref_slice %arg9[%multiple_of3A_71, %dma_wait3A_88] : memref<5008x128xf32, #tpu.memory_space<vmem_shared>> -> memref<80x128xf32, #tpu.memory_space<vmem_shared>>
        tpu.wait_dma2 semaphore(%run_scoped3A : memref<!tpu.dma_semaphore, #tpu.memory_space<semaphore_mem>>) src(%dma_wait3A_89 : memref<80x128xf32, #tpu.memory_space<vmem_shared>>) dst(%dma_wait3A_87 : memref<80x128xf32, #tpu.memory_space<vmem>>)
        tpu.yield
      }) : () -> ()
      "tpu.region"() ({
        %run_scoped3A = tpu.sem_alloc : memref<!tpu.dma_semaphore, #tpu.memory_space<semaphore_mem>>
        %dma_start3A = arith.constant 0 : i32
        %dma_start3A_72 = arith.constant 0 : i32
        %dma_start3A_73 = tpu.memref_slice %arg8[%dma_start3A, %dma_start3A_72] : memref<240x128xf32, #tpu.memory_space<vmem>> -> memref<80x128xf32, #tpu.memory_space<vmem>>
        %dma_start3A_74 = arith.constant 0 : i32
        %dma_start3A_75 = tpu.memref_slice %arg5[%multiple_of3A_67, %dma_start3A_74] : memref<10000x128xf32, #tpu.memory_space<hbm>> -> memref<80x128xf32, #tpu.memory_space<hbm>>
        %dma_start3A_76 = arith.constant 0 : i32
        %dma_start3A_77 = tpu.memref_slice %arg5[%multiple_of3A_67, %dma_start3A_76] : memref<10000x128xf32, #tpu.memory_space<hbm>> -> memref<80x128xf32, #tpu.memory_space<hbm>>
        %dma_start3A_78 = arith.constant 0 : i32
        %dma_start3A_79 = arith.constant 0 : i32
        %dma_start3A_80 = tpu.memref_slice %arg8[%dma_start3A_78, %dma_start3A_79] : memref<240x128xf32, #tpu.memory_space<vmem>> -> memref<80x128xf32, #tpu.memory_space<vmem>>
        tpu.enqueue_dma source(%dma_start3A_80 : memref<80x128xf32, #tpu.memory_space<vmem>>) target(%dma_start3A_77 : memref<80x128xf32, #tpu.memory_space<hbm>>) target_semaphore(%run_scoped3A : memref<!tpu.dma_semaphore, #tpu.memory_space<semaphore_mem>>)
        %dma_wait3A = arith.constant 0 : i32
        %dma_wait3A_81 = arith.constant 0 : i32
        %dma_wait3A_82 = tpu.memref_slice %arg8[%dma_wait3A, %dma_wait3A_81] : memref<240x128xf32, #tpu.memory_space<vmem>> -> memref<80x128xf32, #tpu.memory_space<vmem>>
        %dma_wait3A_83 = arith.constant 0 : i32
        %dma_wait3A_84 = tpu.memref_slice %arg5[%multiple_of3A_67, %dma_wait3A_83] : memref<10000x128xf32, #tpu.memory_space<hbm>> -> memref<80x128xf32, #tpu.memory_space<hbm>>
        %dma_wait3A_85 = arith.constant 0 : i32
        %dma_wait3A_86 = tpu.memref_slice %arg5[%multiple_of3A_67, %dma_wait3A_85] : memref<10000x128xf32, #tpu.memory_space<hbm>> -> memref<80x128xf32, #tpu.memory_space<hbm>>
        %dma_wait3A_87 = arith.constant 0 : i32
        %dma_wait3A_88 = arith.constant 0 : i32
        %dma_wait3A_89 = tpu.memref_slice %arg8[%dma_wait3A_87, %dma_wait3A_88] : memref<240x128xf32, #tpu.memory_space<vmem>> -> memref<80x128xf32, #tpu.memory_space<vmem>>
        tpu.wait_dma2 semaphore(%run_scoped3A : memref<!tpu.dma_semaphore, #tpu.memory_space<semaphore_mem>>) src(%dma_wait3A_89 : memref<80x128xf32, #tpu.memory_space<vmem>>) dst(%dma_wait3A_86 : memref<80x128xf32, #tpu.memory_space<hbm>>)
        tpu.yield
      }) : () -> ()
    }
    %eq3A_58 = arith.constant 15 : i32
    %eq3A_59 = arith.cmpi eq, %arg1, %eq3A_58 : i32
    %convert_element_type3A_60 = arith.extui %eq3A_59 : i1 to i32
    %cond3A_61 = arith.constant 0 : i32
    %cond3A_62 = arith.cmpi ne, %convert_element_type3A_60, %cond3A_61 : i32
    scf.if %cond3A_62 {
      %add3A_63 = arith.constant 160 : i32
      %add3A_64 = arith.addi %multiple_of3A_5, %add3A_63 : i32
      %multiple_of3A_65 = tpu.assume_multiple %add3A_64, 8 : i32
      %add3A_66 = arith.constant 160 : i32
      %add3A_67 = arith.addi %multiple_of3A, %add3A_66 : i32
      %multiple_of3A_68 = tpu.assume_multiple %add3A_67, 8 : i32
      "tpu.region"() ({
        %run_scoped3A = tpu.sem_alloc : memref<!tpu.dma_semaphore, #tpu.memory_space<semaphore_mem>>
        %dma_start3A = arith.constant 0 : i32
        %dma_start3A_69 = arith.constant 0 : i32
        %dma_start3A_70 = tpu.memref_slice %arg8[%dma_start3A, %dma_start3A_69] : memref<240x128xf32, #tpu.memory_space<vmem>> -> memref<40x128xf32, #tpu.memory_space<vmem>>
        %dma_start3A_71 = arith.constant 0 : i32
        %dma_start3A_72 = tpu.memref_slice %arg9[%multiple_of3A_68, %dma_start3A_71] : memref<5008x128xf32, #tpu.memory_space<vmem_shared>> -> memref<40x128xf32, #tpu.memory_space<vmem_shared>>
        %dma_start3A_73 = arith.constant 0 : i32
        %dma_start3A_74 = arith.constant 0 : i32
        %dma_start3A_75 = tpu.memref_slice %arg8[%dma_start3A_73, %dma_start3A_74] : memref<240x128xf32, #tpu.memory_space<vmem>> -> memref<40x128xf32, #tpu.memory_space<vmem>>
        %dma_start3A_76 = arith.constant 0 : i32
        %dma_start3A_77 = tpu.memref_slice %arg9[%multiple_of3A_68, %dma_start3A_76] : memref<5008x128xf32, #tpu.memory_space<vmem_shared>> -> memref<40x128xf32, #tpu.memory_space<vmem_shared>>
        tpu.enqueue_dma source(%dma_start3A_77 : memref<40x128xf32, #tpu.memory_space<vmem_shared>>) target(%dma_start3A_75 : memref<40x128xf32, #tpu.memory_space<vmem>>) target_semaphore(%run_scoped3A : memref<!tpu.dma_semaphore, #tpu.memory_space<semaphore_mem>>)
        %dma_wait3A = arith.constant 0 : i32
        %dma_wait3A_78 = arith.constant 0 : i32
        %dma_wait3A_79 = tpu.memref_slice %arg8[%dma_wait3A, %dma_wait3A_78] : memref<240x128xf32, #tpu.memory_space<vmem>> -> memref<40x128xf32, #tpu.memory_space<vmem>>
        %dma_wait3A_80 = arith.constant 0 : i32
        %dma_wait3A_81 = tpu.memref_slice %arg9[%multiple_of3A_68, %dma_wait3A_80] : memref<5008x128xf32, #tpu.memory_space<vmem_shared>> -> memref<40x128xf32, #tpu.memory_space<vmem_shared>>
        %dma_wait3A_82 = arith.constant 0 : i32
        %dma_wait3A_83 = arith.constant 0 : i32
        %dma_wait3A_84 = tpu.memref_slice %arg8[%dma_wait3A_82, %dma_wait3A_83] : memref<240x128xf32, #tpu.memory_space<vmem>> -> memref<40x128xf32, #tpu.memory_space<vmem>>
        %dma_wait3A_85 = arith.constant 0 : i32
        %dma_wait3A_86 = tpu.memref_slice %arg9[%multiple_of3A_68, %dma_wait3A_85] : memref<5008x128xf32, #tpu.memory_space<vmem_shared>> -> memref<40x128xf32, #tpu.memory_space<vmem_shared>>
        tpu.wait_dma2 semaphore(%run_scoped3A : memref<!tpu.dma_semaphore, #tpu.memory_space<semaphore_mem>>) src(%dma_wait3A_86 : memref<40x128xf32, #tpu.memory_space<vmem_shared>>) dst(%dma_wait3A_84 : memref<40x128xf32, #tpu.memory_space<vmem>>)
        tpu.yield
      }) : () -> ()
      "tpu.region"() ({
        %run_scoped3A = tpu.sem_alloc : memref<!tpu.dma_semaphore, #tpu.memory_space<semaphore_mem>>
        %dma_start3A = arith.constant 0 : i32
        %dma_start3A_69 = arith.constant 0 : i32
        %dma_start3A_70 = tpu.memref_slice %arg8[%dma_start3A, %dma_start3A_69] : memref<240x128xf32, #tpu.memory_space<vmem>> -> memref<40x128xf32, #tpu.memory_space<vmem>>
        %dma_start3A_71 = arith.constant 0 : i32
        %dma_start3A_72 = tpu.memref_slice %arg5[%multiple_of3A_65, %dma_start3A_71] : memref<10000x128xf32, #tpu.memory_space<hbm>> -> memref<40x128xf32, #tpu.memory_space<hbm>>
        %dma_start3A_73 = arith.constant 0 : i32
        %dma_start3A_74 = tpu.memref_slice %arg5[%multiple_of3A_65, %dma_start3A_73] : memref<10000x128xf32, #tpu.memory_space<hbm>> -> memref<40x128xf32, #tpu.memory_space<hbm>>
        %dma_start3A_75 = arith.constant 0 : i32
        %dma_start3A_76 = arith.constant 0 : i32
        %dma_start3A_77 = tpu.memref_slice %arg8[%dma_start3A_75, %dma_start3A_76] : memref<240x128xf32, #tpu.memory_space<vmem>> -> memref<40x128xf32, #tpu.memory_space<vmem>>
        tpu.enqueue_dma source(%dma_start3A_77 : memref<40x128xf32, #tpu.memory_space<vmem>>) target(%dma_start3A_74 : memref<40x128xf32, #tpu.memory_space<hbm>>) target_semaphore(%run_scoped3A : memref<!tpu.dma_semaphore, #tpu.memory_space<semaphore_mem>>)
        %dma_wait3A = arith.constant 0 : i32
        %dma_wait3A_78 = arith.constant 0 : i32
        %dma_wait3A_79 = tpu.memref_slice %arg8[%dma_wait3A, %dma_wait3A_78] : memref<240x128xf32, #tpu.memory_space<vmem>> -> memref<40x128xf32, #tpu.memory_space<vmem>>
        %dma_wait3A_80 = arith.constant 0 : i32
        %dma_wait3A_81 = tpu.memref_slice %arg5[%multiple_of3A_65, %dma_wait3A_80] : memref<10000x128xf32, #tpu.memory_space<hbm>> -> memref<40x128xf32, #tpu.memory_space<hbm>>
        %dma_wait3A_82 = arith.constant 0 : i32
        %dma_wait3A_83 = tpu.memref_slice %arg5[%multiple_of3A_65, %dma_wait3A_82] : memref<10000x128xf32, #tpu.memory_space<hbm>> -> memref<40x128xf32, #tpu.memory_space<hbm>>
        %dma_wait3A_84 = arith.constant 0 : i32
        %dma_wait3A_85 = arith.constant 0 : i32
        %dma_wait3A_86 = tpu.memref_slice %arg8[%dma_wait3A_84, %dma_wait3A_85] : memref<240x128xf32, #tpu.memory_space<vmem>> -> memref<40x128xf32, #tpu.memory_space<vmem>>
        tpu.wait_dma2 semaphore(%run_scoped3A : memref<!tpu.dma_semaphore, #tpu.memory_space<semaphore_mem>>) src(%dma_wait3A_86 : memref<40x128xf32, #tpu.memory_space<vmem>>) dst(%dma_wait3A_83 : memref<40x128xf32, #tpu.memory_space<hbm>>)
        tpu.yield
      }) : () -> ()
    } else {
    }
    return
  }
}

module attributes {stable_mosaic.version = 14 : i64} {
  func.func @_prep_body(%arg0: i32, %arg1: memref<400x128xf32, #tpu.memory_space<vmem>>, %arg2: memref<400x128xf32, #tpu.memory_space<vmem>>, %arg3: memref<128x128xf32, #tpu.memory_space<vmem>>, %arg4: memref<400x128xf32, #tpu.memory_space<vmem>>, %arg5: memref<400x128xf32, #tpu.memory_space<vmem>>) attributes {dimension_semantics = [#tpu.dimension_semantics<arbitrary>], iteration_bounds = array<i64: 25>, scalar_prefetch = 0 : i64, scratch_operands = 0 : i64, tpu.core_type = #tpu.core_type<tc>, window_params = [{transform_indices = @transform_0, window_bounds = array<i64: 400, 128>}, {transform_indices = @transform_1, window_bounds = array<i64: 400, 128>}, {pipeline_mode = #tpu.pipeline_mode<synchronous>, transform_indices = @transform_2, window_bounds = array<i64: 128, 128>}, {transform_indices = @transform_3, window_bounds = array<i64: 400, 128>}, {transform_indices = @transform_4, window_bounds = array<i64: 400, 128>}]} {
    %get3A = arith.constant 0 : index
    %get3A_0 = arith.constant 0 : index
    %get3A_1 = vector.load %arg1[%get3A, %get3A_0] : memref<400x128xf32, #tpu.memory_space<vmem>>, vector<400x128xf32>
    %rsqrt3A = math.rsqrt %get3A_1 : vector<400x128xf32>
    %get3A_2 = arith.constant 0 : index
    %get3A_3 = arith.constant 0 : index
    %get3A_4 = vector.load %arg2[%get3A_2, %get3A_3] : memref<400x128xf32, #tpu.memory_space<vmem>>, vector<400x128xf32>
    %get3A_5 = arith.constant 0 : index
    %get3A_6 = arith.constant 0 : index
    %get3A_7 = vector.load %arg3[%get3A_5, %get3A_6] : memref<128x128xf32, #tpu.memory_space<vmem>>, vector<128x128xf32>
    %dot_general3A = arith.constant dense<0.000000e+00> : vector<400x128xf32>
    %dot_general3A_8 = tpu.matmul %get3A_4, %get3A_7, %dot_general3A {dimension_numbers = #tpu.dot_dimension_numbers<[1], [0], [0], [1], [0, 0, 1, 1], [], []>, transpose_lhs_hint = false} : vector<400x128xf32>, vector<128x128xf32>, vector<400x128xf32> -> vector<400x128xf32>
    %mul3A = arith.mulf %dot_general3A_8, %rsqrt3A : vector<400x128xf32>
    %swap3A = arith.constant 0 : index
    %swap3A_9 = arith.constant 0 : index
    %swap3A_10 = vector.load %arg5[%swap3A, %swap3A_9] : memref<400x128xf32, #tpu.memory_space<vmem>>, vector<400x128xf32>
    tpu.vector_store %arg5[%swap3A, %swap3A_9], %mul3A {strides = array<i32>} : memref<400x128xf32, #tpu.memory_space<vmem>>, vector<400x128xf32>,
    %swap3A_11 = arith.constant 0 : index
    %swap3A_12 = arith.constant 0 : index
    %swap3A_13 = vector.load %arg4[%swap3A_11, %swap3A_12] : memref<400x128xf32, #tpu.memory_space<vmem>>, vector<400x128xf32>
    tpu.vector_store %arg4[%swap3A_11, %swap3A_12], %rsqrt3A {strides = array<i32>} : memref<400x128xf32, #tpu.memory_space<vmem>>, vector<400x128xf32>,
    return
  }
  func.func @transform_0(%arg0: i32) -> (i32, i32) {
    %c0_i32 = arith.constant 0 : i32
    %c0_i32_0 = arith.constant 0 : i32
    return %arg0, %c0_i32 : i32, i32
  }
  func.func @transform_1(%arg0: i32) -> (i32, i32) {
    %c0_i32 = arith.constant 0 : i32
    %c0_i32_0 = arith.constant 0 : i32
    return %arg0, %c0_i32 : i32, i32
  }
  func.func @transform_2(%arg0: i32) -> (i32, i32) {
    %c0_i32 = arith.constant 0 : i32
    %c0_i32_0 = arith.constant 0 : i32
    %c0_i32_1 = arith.constant 0 : i32
    return %c0_i32, %c0_i32_0 : i32, i32
  }
  func.func @transform_3(%arg0: i32) -> (i32, i32) {
    %c0_i32 = arith.constant 0 : i32
    %c0_i32_0 = arith.constant 0 : i32
    return %arg0, %c0_i32 : i32, i32
  }
  func.func @transform_4(%arg0: i32) -> (i32, i32) {
    %c0_i32 = arith.constant 0 : i32
    %c0_i32_0 = arith.constant 0 : i32
    return %arg0, %c0_i32 : i32, i32
  }
}

module attributes {stable_mosaic.version = 14 : i64} {
  func.func @_comb_body(%arg0: i32, %arg1: memref<400x128xf32, #tpu.memory_space<vmem>>, %arg2: memref<400x128xf32, #tpu.memory_space<vmem>>, %arg3: memref<128xf32, #tpu.memory_space<vmem>>, %arg4: memref<400x128xf32, #tpu.memory_space<vmem>>, %arg5: memref<8x128xf32, #tpu.memory_space<vmem>>) attributes {dimension_semantics = [#tpu.dimension_semantics<arbitrary>], iteration_bounds = array<i64: 25>, scalar_prefetch = 0 : i64, scratch_operands = 0 : i64, tpu.core_type = #tpu.core_type<tc>, window_params = [{transform_indices = @transform_0, window_bounds = array<i64: 400, 128>}, {transform_indices = @transform_1, window_bounds = array<i64: 400, 128>}, {pipeline_mode = #tpu.pipeline_mode<synchronous>, transform_indices = @transform_2, window_bounds = array<i64: 128>}, {transform_indices = @transform_3, window_bounds = array<i64: 400, 128>}, {pipeline_mode = #tpu.pipeline_mode<synchronous>, transform_indices = @transform_4, window_bounds = array<i64: 8, 128>}]} {
    %get3A = arith.constant 0 : index
    %get3A_0 = arith.constant 0 : index
    %get3A_1 = vector.load %arg2[%get3A, %get3A_0] : memref<400x128xf32, #tpu.memory_space<vmem>>, vector<400x128xf32>
    %get3A_2 = arith.constant 0 : index
    %get3A_3 = arith.constant 0 : index
    %get3A_4 = vector.load %arg1[%get3A_2, %get3A_3] : memref<400x128xf32, #tpu.memory_space<vmem>>, vector<400x128xf32>
    %mul3A = arith.mulf %get3A_1, %get3A_4 : vector<400x128xf32>
    %get3A_5 = arith.constant 0 : index
    %get3A_6 = vector.load %arg3[%get3A_5] : memref<128xf32, #tpu.memory_space<vmem>>, vector<128xf32>
    %broadcast_in_dim3A = vector.shape_cast %get3A_6 : vector<128xf32> to vector<1x128xf32>
    %add3A = vector.broadcast %broadcast_in_dim3A : vector<1x128xf32> to vector<400x128xf32>
    %add3A_7 = arith.addf %mul3A, %add3A : vector<400x128xf32>
    %swap3A = arith.constant 0 : index
    %swap3A_8 = arith.constant 0 : index
    %swap3A_9 = vector.load %arg4[%swap3A, %swap3A_8] : memref<400x128xf32, #tpu.memory_space<vmem>>, vector<400x128xf32>
    tpu.vector_store %arg4[%swap3A, %swap3A_8], %add3A_7 {strides = array<i32>} : memref<400x128xf32, #tpu.memory_space<vmem>>, vector<400x128xf32>,
    %eq3A = arith.constant 0 : i32
    %eq3A_10 = arith.cmpi eq, %arg0, %eq3A : i32
    %convert_element_type3A = arith.extui %eq3A_10 : i1 to i32
    %cond3A = arith.constant 0 : i32
    %cond3A_11 = arith.cmpi ne, %convert_element_type3A, %cond3A : i32
    scf.if %cond3A_11 {
      %broadcast_in_dim3A_32 = arith.constant 0.000000e+00 : f32
      %broadcast_in_dim3A_33 = vector.broadcast %broadcast_in_dim3A_32 : f32 to vector<8x128xf32>
      %swap3A_34 = arith.constant 0 : index
      %swap3A_35 = arith.constant 0 : index
      %swap3A_36 = vector.load %arg5[%swap3A_34, %swap3A_35] : memref<8x128xf32, #tpu.memory_space<vmem>>, vector<8x128xf32>
      tpu.vector_store %arg5[%swap3A_34, %swap3A_35], %broadcast_in_dim3A_33 {strides = array<i32>} : memref<8x128xf32, #tpu.memory_space<vmem>>, vector<8x128xf32>,
    } else {
    }
    %get3A_12 = arith.constant 0 : index
    %get3A_13 = arith.constant 0 : index
    %get3A_14 = vector.load %arg5[%get3A_12, %get3A_13] : memref<8x128xf32, #tpu.memory_space<vmem>>, vector<1x128xf32>
    %reduce_sum3A = arith.constant dense<0.000000e+00> : vector<128xf32>
    %reduce_sum3A_15 = vector.multi_reduction <add>, %add3A_7, %reduce_sum3A [0] : vector<400x128xf32> to vector<128xf32>
    %broadcast_in_dim3A_16 = vector.shape_cast %reduce_sum3A_15 : vector<128xf32> to vector<1x128xf32>
    %add3A_17 = arith.addf %get3A_14, %broadcast_in_dim3A_16 : vector<1x128xf32>
    %swap3A_18 = arith.constant 0 : index
    %swap3A_19 = arith.constant 0 : index
    %swap3A_20 = vector.load %arg5[%swap3A_18, %swap3A_19] : memref<8x128xf32, #tpu.memory_space<vmem>>, vector<1x128xf32>
    tpu.vector_store %arg5[%swap3A_18, %swap3A_19], %add3A_17 {strides = array<i32>} : memref<8x128xf32, #tpu.memory_space<vmem>>, vector<1x128xf32>,
    %get3A_21 = arith.constant 1 : index
    %get3A_22 = arith.constant 0 : index
    %get3A_23 = vector.load %arg5[%get3A_21, %get3A_22] : memref<8x128xf32, #tpu.memory_space<vmem>>, vector<1x128xf32>
    %mul3A_24 = arith.mulf %add3A_7, %add3A_7 : vector<400x128xf32>
    %reduce_sum3A_25 = arith.constant dense<0.000000e+00> : vector<128xf32>
    %reduce_sum3A_26 = vector.multi_reduction <add>, %mul3A_24, %reduce_sum3A_25 [0] : vector<400x128xf32> to vector<128xf32>
    %broadcast_in_dim3A_27 = vector.shape_cast %reduce_sum3A_26 : vector<128xf32> to vector<1x128xf32>
    %add3A_28 = arith.addf %get3A_23, %broadcast_in_dim3A_27 : vector<1x128xf32>
    %swap3A_29 = arith.constant 1 : index
    %swap3A_30 = arith.constant 0 : index
    %swap3A_31 = vector.load %arg5[%swap3A_29, %swap3A_30] : memref<8x128xf32, #tpu.memory_space<vmem>>, vector<1x128xf32>
    tpu.vector_store %arg5[%swap3A_29, %swap3A_30], %add3A_28 {strides = array<i32>} : memref<8x128xf32, #tpu.memory_space<vmem>>, vector<1x128xf32>,
    return
  }
  func.func @transform_0(%arg0: i32) -> (i32, i32) {
    %c0_i32 = arith.constant 0 : i32
    %c0_i32_0 = arith.constant 0 : i32
    return %arg0, %c0_i32 : i32, i32
  }
  func.func @transform_1(%arg0: i32) -> (i32, i32) {
    %c0_i32 = arith.constant 0 : i32
    %c0_i32_0 = arith.constant 0 : i32
    return %arg0, %c0_i32 : i32, i32
  }
  func.func @transform_2(%arg0: i32) -> i32 {
    %c0_i32 = arith.constant 0 : i32
    %c0_i32_0 = arith.constant 0 : i32
    return %c0_i32 : i32
  }
  func.func @transform_3(%arg0: i32) -> (i32, i32) {
    %c0_i32 = arith.constant 0 : i32
    %c0_i32_0 = arith.constant 0 : i32
    return %arg0, %c0_i32 : i32, i32
  }
  func.func @transform_4(%arg0: i32) -> (i32, i32) {
    %c0_i32 = arith.constant 0 : i32
    %c0_i32_0 = arith.constant 0 : i32
    %c0_i32_1 = arith.constant 0 : i32
    return %c0_i32, %c0_i32_0 : i32, i32
  }
}

module attributes {stable_mosaic.version = 14 : i64} {
  func.func @_nm_body(%arg0: i32, %arg1: memref<400x128xf32, #tpu.memory_space<vmem>>, %arg2: memref<8x128xf32, #tpu.memory_space<vmem>>, %arg3: memref<128xf32, #tpu.memory_space<vmem>>, %arg4: memref<128xf32, #tpu.memory_space<vmem>>, %arg5: memref<128x128xf32, #tpu.memory_space<vmem>>, %arg6: memref<400x128xf32, #tpu.memory_space<vmem>>, %arg7: memref<400x128xf32, #tpu.memory_space<vmem>>) attributes {dimension_semantics = [#tpu.dimension_semantics<arbitrary>], iteration_bounds = array<i64: 25>, scalar_prefetch = 0 : i64, scratch_operands = 0 : i64, tpu.core_type = #tpu.core_type<tc>, window_params = [{transform_indices = @transform_0, window_bounds = array<i64: 400, 128>}, {pipeline_mode = #tpu.pipeline_mode<synchronous>, transform_indices = @transform_1, window_bounds = array<i64: 8, 128>}, {pipeline_mode = #tpu.pipeline_mode<synchronous>, transform_indices = @transform_2, window_bounds = array<i64: 128>}, {pipeline_mode = #tpu.pipeline_mode<synchronous>, transform_indices = @transform_3, window_bounds = array<i64: 128>}, {pipeline_mode = #tpu.pipeline_mode<synchronous>, transform_indices = @transform_4, window_bounds = array<i64: 128, 128>}, {transform_indices = @transform_5, window_bounds = array<i64: 400, 128>}, {transform_indices = @transform_6, window_bounds = array<i64: 400, 128>}]} {
    %get3A = arith.constant 0 : index
    %get3A_0 = arith.constant 0 : index
    %get3A_1 = vector.load %arg2[%get3A, %get3A_0] : memref<8x128xf32, #tpu.memory_space<vmem>>, vector<8x128xf32>
    %slice3A = vector.extract_strided_slice %get3A_1 {offsets = [0, 0], sizes = [1, 128], strides = [1, 1]} : vector<8x128xf32> to vector<1x128xf32>
    %mul3A = arith.constant 9.99999974E-5 : f32
    %mul3A_2 = vector.broadcast %mul3A : f32 to vector<1x128xf32>
    %mul3A_3 = arith.mulf %slice3A, %mul3A_2 : vector<1x128xf32>
    %slice3A_4 = vector.extract_strided_slice %get3A_1 {offsets = [1, 0], sizes = [1, 128], strides = [1, 1]} : vector<8x128xf32> to vector<1x128xf32>
    %mul3A_5 = arith.constant 9.99999974E-5 : f32
    %mul3A_6 = vector.broadcast %mul3A_5 : f32 to vector<1x128xf32>
    %mul3A_7 = arith.mulf %slice3A_4, %mul3A_6 : vector<1x128xf32>
    %mul3A_8 = arith.mulf %mul3A_3, %mul3A_3 : vector<1x128xf32>
    %sub3A = arith.subf %mul3A_7, %mul3A_8 : vector<1x128xf32>
    %add3A = arith.constant 9.99999974E-6 : f32
    %add3A_9 = vector.broadcast %add3A : f32 to vector<1x128xf32>
    %add3A_10 = arith.addf %sub3A, %add3A_9 : vector<1x128xf32>
    %rsqrt3A = math.rsqrt %add3A_10 : vector<1x128xf32>
    %get3A_11 = arith.constant 0 : index
    %get3A_12 = arith.constant 0 : index
    %get3A_13 = vector.load %arg1[%get3A_11, %get3A_12] : memref<400x128xf32, #tpu.memory_space<vmem>>, vector<400x128xf32>
    %sub3A_14 = vector.broadcast %mul3A_3 : vector<1x128xf32> to vector<400x128xf32>
    %sub3A_15 = arith.subf %get3A_13, %sub3A_14 : vector<400x128xf32>
    %mul3A_16 = vector.broadcast %rsqrt3A : vector<1x128xf32> to vector<400x128xf32>
    %mul3A_17 = arith.mulf %sub3A_15, %mul3A_16 : vector<400x128xf32>
    %get3A_18 = arith.constant 0 : index
    %get3A_19 = vector.load %arg3[%get3A_18] : memref<128xf32, #tpu.memory_space<vmem>>, vector<128xf32>
    %broadcast_in_dim3A = vector.shape_cast %get3A_19 : vector<128xf32> to vector<1x128xf32>
    %mul3A_20 = vector.broadcast %broadcast_in_dim3A : vector<1x128xf32> to vector<400x128xf32>
    %mul3A_21 = arith.mulf %mul3A_17, %mul3A_20 : vector<400x128xf32>
    %get3A_22 = arith.constant 0 : index
    %get3A_23 = vector.load %arg4[%get3A_22] : memref<128xf32, #tpu.memory_space<vmem>>, vector<128xf32>
    %broadcast_in_dim3A_24 = vector.shape_cast %get3A_23 : vector<128xf32> to vector<1x128xf32>
    %add3A_25 = vector.broadcast %broadcast_in_dim3A_24 : vector<1x128xf32> to vector<400x128xf32>
    %add3A_26 = arith.addf %mul3A_21, %add3A_25 : vector<400x128xf32>
    %max3A = arith.constant 0.000000e+00 : f32
    %max3A_27 = vector.broadcast %max3A : f32 to vector<400x128xf32>
    %max3A_28 = arith.maximumf %add3A_26, %max3A_27 : vector<400x128xf32>
    %get3A_29 = arith.constant 0 : index
    %get3A_30 = arith.constant 0 : index
    %get3A_31 = vector.load %arg5[%get3A_29, %get3A_30] : memref<128x128xf32, #tpu.memory_space<vmem>>, vector<128x128xf32>
    %dot_general3A = arith.constant dense<0.000000e+00> : vector<400x128xf32>
    %dot_general3A_32 = tpu.matmul %max3A_28, %get3A_31, %dot_general3A {dimension_numbers = #tpu.dot_dimension_numbers<[1], [0], [0], [1], [0, 0, 1, 1], [], []>, transpose_lhs_hint = false} : vector<400x128xf32>, vector<128x128xf32>, vector<400x128xf32> -> vector<400x128xf32>
    %get3A_33 = arith.constant 0 : index
    %get3A_34 = arith.constant 0 : index
    %get3A_35 = vector.load %arg6[%get3A_33, %get3A_34] : memref<400x128xf32, #tpu.memory_space<vmem>>, vector<400x128xf32>
    %mul3A_36 = arith.mulf %dot_general3A_32, %get3A_35 : vector<400x128xf32>
    %swap3A = arith.constant 0 : index
    %swap3A_37 = arith.constant 0 : index
    %swap3A_38 = vector.load %arg7[%swap3A, %swap3A_37] : memref<400x128xf32, #tpu.memory_space<vmem>>, vector<400x128xf32>
    tpu.vector_store %arg7[%swap3A, %swap3A_37], %mul3A_36 {strides = array<i32>} : memref<400x128xf32, #tpu.memory_space<vmem>>, vector<400x128xf32>,
    return
  }
  func.func @transform_0(%arg0: i32) -> (i32, i32) {
    %c0_i32 = arith.constant 0 : i32
    %c0_i32_0 = arith.constant 0 : i32
    return %arg0, %c0_i32 : i32, i32
  }
  func.func @transform_1(%arg0: i32) -> (i32, i32) {
    %c0_i32 = arith.constant 0 : i32
    %c0_i32_0 = arith.constant 0 : i32
    %c0_i32_1 = arith.constant 0 : i32
    return %c0_i32, %c0_i32_0 : i32, i32
  }
  func.func @transform_2(%arg0: i32) -> i32 {
    %c0_i32 = arith.constant 0 : i32
    %c0_i32_0 = arith.constant 0 : i32
    return %c0_i32 : i32
  }
  func.func @transform_3(%arg0: i32) -> i32 {
    %c0_i32 = arith.constant 0 : i32
    %c0_i32_0 = arith.constant 0 : i32
    return %c0_i32 : i32
  }
  func.func @transform_4(%arg0: i32) -> (i32, i32) {
    %c0_i32 = arith.constant 0 : i32
    %c0_i32_0 = arith.constant 0 : i32
    %c0_i32_1 = arith.constant 0 : i32
    return %c0_i32, %c0_i32_0 : i32, i32
  }
  func.func @transform_5(%arg0: i32) -> (i32, i32) {
    %c0_i32 = arith.constant 0 : i32
    %c0_i32_0 = arith.constant 0 : i32
    return %arg0, %c0_i32 : i32, i32
  }
  func.func @transform_6(%arg0: i32) -> (i32, i32) {
    %c0_i32 = arith.constant 0 : i32
    %c0_i32_0 = arith.constant 0 : i32
    return %arg0, %c0_i32 : i32, i32
  }
}

module attributes {stable_mosaic.version = 14 : i64} {
  func.func @_fin_body(%arg0: i32, %arg1: memref<400x128xf32, #tpu.memory_space<vmem>>, %arg2: memref<400x128xf32, #tpu.memory_space<vmem>>, %arg3: memref<128xf32, #tpu.memory_space<vmem>>, %arg4: memref<400x128xf32, #tpu.memory_space<vmem>>) attributes {dimension_semantics = [#tpu.dimension_semantics<arbitrary>], iteration_bounds = array<i64: 25>, scalar_prefetch = 0 : i64, scratch_operands = 0 : i64, tpu.core_type = #tpu.core_type<tc>, window_params = [{transform_indices = @transform_0, window_bounds = array<i64: 400, 128>}, {transform_indices = @transform_1, window_bounds = array<i64: 400, 128>}, {pipeline_mode = #tpu.pipeline_mode<synchronous>, transform_indices = @transform_2, window_bounds = array<i64: 128>}, {transform_indices = @transform_3, window_bounds = array<i64: 400, 128>}]} {
    %get3A = arith.constant 0 : index
    %get3A_0 = arith.constant 0 : index
    %get3A_1 = vector.load %arg2[%get3A, %get3A_0] : memref<400x128xf32, #tpu.memory_space<vmem>>, vector<400x128xf32>
    %get3A_2 = arith.constant 0 : index
    %get3A_3 = arith.constant 0 : index
    %get3A_4 = vector.load %arg1[%get3A_2, %get3A_3] : memref<400x128xf32, #tpu.memory_space<vmem>>, vector<400x128xf32>
    %mul3A = arith.mulf %get3A_1, %get3A_4 : vector<400x128xf32>
    %get3A_5 = arith.constant 0 : index
    %get3A_6 = vector.load %arg3[%get3A_5] : memref<128xf32, #tpu.memory_space<vmem>>, vector<128xf32>
    %broadcast_in_dim3A = vector.shape_cast %get3A_6 : vector<128xf32> to vector<1x128xf32>
    %add3A = vector.broadcast %broadcast_in_dim3A : vector<1x128xf32> to vector<400x128xf32>
    %add3A_7 = arith.addf %mul3A, %add3A : vector<400x128xf32>
    %max3A = arith.constant 0.000000e+00 : f32
    %max3A_8 = vector.broadcast %max3A : f32 to vector<400x128xf32>
    %max3A_9 = arith.maximumf %add3A_7, %max3A_8 : vector<400x128xf32>
    %swap3A = arith.constant 0 : index
    %swap3A_10 = arith.constant 0 : index
    %swap3A_11 = vector.load %arg4[%swap3A, %swap3A_10] : memref<400x128xf32, #tpu.memory_space<vmem>>, vector<400x128xf32>
    tpu.vector_store %arg4[%swap3A, %swap3A_10], %max3A_9 {strides = array<i32>} : memref<400x128xf32, #tpu.memory_space<vmem>>, vector<400x128xf32>,
    return
  }
  func.func @transform_0(%arg0: i32) -> (i32, i32) {
    %c0_i32 = arith.constant 0 : i32
    %c0_i32_0 = arith.constant 0 : i32
    return %arg0, %c0_i32 : i32, i32
  }
  func.func @transform_1(%arg0: i32) -> (i32, i32) {
    %c0_i32 = arith.constant 0 : i32
    %c0_i32_0 = arith.constant 0 : i32
    return %arg0, %c0_i32 : i32, i32
  }
  func.func @transform_2(%arg0: i32) -> i32 {
    %c0_i32 = arith.constant 0 : i32
    %c0_i32_0 = arith.constant 0 : i32
    return %c0_i32 : i32
  }
  func.func @transform_3(%arg0: i32) -> (i32, i32) {
    %c0_i32 = arith.constant 0 : i32
    %c0_i32_0 = arith.constant 0 : i32
    return %arg0, %c0_i32 : i32, i32
  }
}

module attributes {stable_mosaic.version = 14 : i64} {
  func.func @_pool_body(%arg0: i32, %arg1: memref<1x1x400xi32, #tpu.memory_space<vmem>>, %arg2: memref<400x128xf32, #tpu.memory_space<vmem>>, %arg3: memref<64x128xf32, #tpu.memory_space<vmem>>, %arg4: memref<64x128xf32, #tpu.memory_space<vmem>>, %arg5: memref<64x128xf32, #tpu.memory_space<vmem>>) attributes {dimension_semantics = [#tpu.dimension_semantics<arbitrary>], iteration_bounds = array<i64: 25>, scalar_prefetch = 0 : i64, scratch_operands = 0 : i64, tpu.core_type = #tpu.core_type<tc>, window_params = [{transform_indices = @transform_0, window_bounds = array<i64: 1, 1, 400>}, {transform_indices = @transform_1, window_bounds = array<i64: 400, 128>}, {pipeline_mode = #tpu.pipeline_mode<synchronous>, transform_indices = @transform_2, window_bounds = array<i64: 64, 128>}, {pipeline_mode = #tpu.pipeline_mode<synchronous>, transform_indices = @transform_3, window_bounds = array<i64: 64, 128>}, {pipeline_mode = #tpu.pipeline_mode<synchronous>, transform_indices = @transform_4, window_bounds = array<i64: 64, 128>}]} {
    %eq3A = arith.constant 0 : i32
    %eq3A_0 = arith.cmpi eq, %arg0, %eq3A : i32
    %convert_element_type3A = arith.extui %eq3A_0 : i1 to i32
    %cond3A = arith.constant 0 : i32
    %cond3A_1 = arith.cmpi ne, %convert_element_type3A, %cond3A : i32
    scf.if %cond3A_1 {
      %broadcast_in_dim3A_548 = arith.constant 0.000000e+00 : f32
      %broadcast_in_dim3A_549 = vector.broadcast %broadcast_in_dim3A_548 : f32 to vector<64x128xf32>
      %swap3A_550 = arith.constant 0 : index
      %swap3A_551 = arith.constant 0 : index
      %swap3A_552 = vector.load %arg3[%swap3A_550, %swap3A_551] : memref<64x128xf32, #tpu.memory_space<vmem>>, vector<64x128xf32>
      tpu.vector_store %arg3[%swap3A_550, %swap3A_551], %broadcast_in_dim3A_549 {strides = array<i32>} : memref<64x128xf32, #tpu.memory_space<vmem>>, vector<64x128xf32>,
      %broadcast_in_dim3A_553 = arith.constant 0.000000e+00 : f32
      %broadcast_in_dim3A_554 = vector.broadcast %broadcast_in_dim3A_553 : f32 to vector<64x128xf32>
      %swap3A_555 = arith.constant 0 : index
      %swap3A_556 = arith.constant 0 : index
      %swap3A_557 = vector.load %arg5[%swap3A_555, %swap3A_556] : memref<64x128xf32, #tpu.memory_space<vmem>>, vector<64x128xf32>
      tpu.vector_store %arg5[%swap3A_555, %swap3A_556], %broadcast_in_dim3A_554 {strides = array<i32>} : memref<64x128xf32, #tpu.memory_space<vmem>>, vector<64x128xf32>,
      %broadcast_in_dim3A_558 = arith.constant -1.000000e+30 : f32
      %broadcast_in_dim3A_559 = vector.broadcast %broadcast_in_dim3A_558 : f32 to vector<64x128xf32>
      %swap3A_560 = arith.constant 0 : index
      %swap3A_561 = arith.constant 0 : index
      %swap3A_562 = vector.load %arg4[%swap3A_560, %swap3A_561] : memref<64x128xf32, #tpu.memory_space<vmem>>, vector<64x128xf32>
      tpu.vector_store %arg4[%swap3A_560, %swap3A_561], %broadcast_in_dim3A_559 {strides = array<i32>} : memref<64x128xf32, #tpu.memory_space<vmem>>, vector<64x128xf32>,
    } else {
    }
    %get3A = arith.constant 0 : index
    %get3A_2 = arith.constant 0 : index
    %get3A_3 = arith.constant 0 : index
    %get3A_4 = vector.load %arg1[%get3A, %get3A_2, %get3A_3] : memref<1x1x400xi32, #tpu.memory_space<vmem>>, vector<1x1x400xi32>
    %get3A_5 = vector.shape_cast %get3A_4 : vector<1x1x400xi32> to vector<400xi32>
    %get3A_6 = arith.constant 0 : index
    %get3A_7 = arith.constant 0 : index
    %get3A_8 = vector.load %arg2[%get3A_6, %get3A_7] : memref<400x128xf32, #tpu.memory_space<vmem>>, vector<400x128xf32>
    %broadcast_in_dim3A = vector.shape_cast %get3A_5 : vector<400xi32> to vector<400x1xi32>
    %iota3A = tpu.iota {dimensions = array<i32: 1>} : vector<1x64xi32>
    %eq3A_9 = vector.broadcast %broadcast_in_dim3A : vector<400x1xi32> to vector<400x64xi32>
    %eq3A_10 = vector.broadcast %iota3A : vector<1x64xi32> to vector<400x64xi32>
    %eq3A_11 = arith.cmpi eq, %eq3A_9, %eq3A_10 : vector<400x64xi32>
    %convert_element_type3A_12 = arith.extui %eq3A_11 : vector<400x64xi1> to vector<400x64xi32>
    %convert_element_type3A_13 = arith.sitofp %convert_element_type3A_12 : vector<400x64xi32> to vector<400x64xf32>
    %get3A_14 = arith.constant 0 : index
    %get3A_15 = arith.constant 0 : index
    %get3A_16 = vector.load %arg3[%get3A_14, %get3A_15] : memref<64x128xf32, #tpu.memory_space<vmem>>, vector<64x128xf32>
    %dot_general3A = arith.constant dense<0.000000e+00> : vector<64x128xf32>
    %dot_general3A_17 = tpu.matmul %convert_element_type3A_13, %get3A_8, %dot_general3A {dimension_numbers = #tpu.dot_dimension_numbers<[0], [0], [1], [1], [0, 1, 1, 1], [], []>, transpose_lhs_hint = false} : vector<400x64xf32>, vector<400x128xf32>, vector<64x128xf32> -> vector<64x128xf32>
    %add3A = arith.addf %get3A_16, %dot_general3A_17 : vector<64x128xf32>
    %swap3A = arith.constant 0 : index
    %swap3A_18 = arith.constant 0 : index
    %swap3A_19 = vector.load %arg3[%swap3A, %swap3A_18] : memref<64x128xf32, #tpu.memory_space<vmem>>, vector<64x128xf32>
    tpu.vector_store %arg3[%swap3A, %swap3A_18], %add3A {strides = array<i32>} : memref<64x128xf32, #tpu.memory_space<vmem>>, vector<64x128xf32>,
    %get3A_20 = arith.constant 0 : index
    %get3A_21 = arith.constant 0 : index
    %get3A_22 = vector.load %arg5[%get3A_20, %get3A_21] : memref<64x128xf32, #tpu.memory_space<vmem>>, vector<64x128xf32>
    %reduce_sum3A = arith.constant dense<0.000000e+00> : vector<64xf32>
    %reduce_sum3A_23 = vector.multi_reduction <add>, %convert_element_type3A_13, %reduce_sum3A [0] : vector<400x64xf32> to vector<64xf32>
    %broadcast_in_dim3A_24 = vector.shape_cast %reduce_sum3A_23 : vector<64xf32> to vector<64x1xf32>
    %broadcast_in_dim3A_25 = vector.shape_cast %broadcast_in_dim3A_24 : vector<64x1xf32> to vector<64x1xf32>
    %broadcast_in_dim3A_26 = vector.broadcast %broadcast_in_dim3A_25 : vector<64x1xf32> to vector<64x128xf32>
    %add3A_27 = arith.addf %get3A_22, %broadcast_in_dim3A_26 : vector<64x128xf32>
    %swap3A_28 = arith.constant 0 : index
    %swap3A_29 = arith.constant 0 : index
    %swap3A_30 = vector.load %arg5[%swap3A_28, %swap3A_29] : memref<64x128xf32, #tpu.memory_space<vmem>>, vector<64x128xf32>
    tpu.vector_store %arg5[%swap3A_28, %swap3A_29], %add3A_27 {strides = array<i32>} : memref<64x128xf32, #tpu.memory_space<vmem>>, vector<64x128xf32>,
    %reduce_min3A = vector.shape_cast %get3A_5 : vector<400xi32> to vector<1x400xi32>
    %reduce_min3A_31 = arith.constant dense<2147483647> : vector<1xi32>
    %reduce_min3A_32 = vector.multi_reduction <minsi>, %reduce_min3A, %reduce_min3A_31 [1] : vector<1x400xi32> to vector<1xi32>
    %reduce_min3A_33 = vector.shape_cast %reduce_min3A_32 : vector<1xi32> to vector<1x1xi32>
    %reduce_min3A_34 = vector.extract %reduce_min3A_33[0, 0] : i32 from vector<1x1xi32>
    %reduce_max3A = vector.shape_cast %get3A_5 : vector<400xi32> to vector<1x400xi32>
    %reduce_max3A_35 = arith.constant dense<-2147483648> : vector<1xi32>
    %reduce_max3A_36 = vector.multi_reduction <maxsi>, %reduce_max3A, %reduce_max3A_35 [1] : vector<1x400xi32> to vector<1xi32>
    %reduce_max3A_37 = vector.shape_cast %reduce_max3A_36 : vector<1xi32> to vector<1x1xi32>
    %reduce_max3A_38 = vector.extract %reduce_max3A_37[0, 0] : i32 from vector<1x1xi32>
    %le3A = arith.constant 0 : i32
    %le3A_39 = arith.cmpi sle, %reduce_min3A_34, %le3A : i32
    %ge3A = arith.constant 0 : i32
    %ge3A_40 = arith.cmpi sge, %reduce_max3A_38, %ge3A : i32
    %and3A = arith.andi %le3A_39, %ge3A_40 : i1
    %convert_element_type3A_41 = arith.extui %and3A : i1 to i32
    %cond3A_42 = arith.constant 0 : i32
    %cond3A_43 = arith.cmpi ne, %convert_element_type3A_41, %cond3A_42 : i32
    scf.if %cond3A_43 {
      %broadcast_in_dim3A_548 = vector.shape_cast %get3A_5 : vector<400xi32> to vector<400x1xi32>
      %eq3A_549 = arith.constant 0 : i32
      %eq3A_550 = vector.broadcast %eq3A_549 : i32 to vector<400x1xi32>
      %eq3A_551 = arith.cmpi eq, %broadcast_in_dim3A_548, %eq3A_550 : vector<400x1xi32>
      %jit3A = arith.constant -1.000000e+30 : f32
      %broadcast_in_dim3A_552 = vector.shape_cast %eq3A_551 : vector<400x1xi1> to vector<400x1xi1>
      %broadcast_in_dim3A_553 = vector.broadcast %broadcast_in_dim3A_552 : vector<400x1xi1> to vector<400x128xi1>
      %broadcast_in_dim3A_554 = vector.broadcast %jit3A : f32 to vector<400x128xf32>
      %select_n3A = arith.select %broadcast_in_dim3A_553, %get3A_8, %broadcast_in_dim3A_554 : vector<400x128xi1>, vector<400x128xf32>
      %get3A_555 = arith.constant 0 : index
      %get3A_556 = arith.constant 0 : index
      %get3A_557 = vector.load %arg4[%get3A_555, %get3A_556] : memref<64x128xf32, #tpu.memory_space<vmem>>, vector<1x128xf32>
      %reduce_max3A_558 = arith.constant dense<0xFF800000> : vector<128xf32>
      %reduce_max3A_559 = vector.multi_reduction <maximumf>, %select_n3A, %reduce_max3A_558 [0] : vector<400x128xf32> to vector<128xf32>
      %broadcast_in_dim3A_560 = vector.shape_cast %reduce_max3A_559 : vector<128xf32> to vector<1x128xf32>
      %max3A = arith.maximumf %get3A_557, %broadcast_in_dim3A_560 : vector<1x128xf32>
      %swap3A_561 = arith.constant 0 : index
      %swap3A_562 = arith.constant 0 : index
      %swap3A_563 = vector.load %arg4[%swap3A_561, %swap3A_562] : memref<64x128xf32, #tpu.memory_space<vmem>>, vector<1x128xf32>
      tpu.vector_store %arg4[%swap3A_561, %swap3A_562], %max3A {strides = array<i32>} : memref<64x128xf32, #tpu.memory_space<vmem>>, vector<1x128xf32>,
    } else {
    }
    %le3A_44 = arith.constant 1 : i32
    %le3A_45 = arith.cmpi sle, %reduce_min3A_34, %le3A_44 : i32
    %ge3A_46 = arith.constant 1 : i32
    %ge3A_47 = arith.cmpi sge, %reduce_max3A_38, %ge3A_46 : i32
    %and3A_48 = arith.andi %le3A_45, %ge3A_47 : i1
    %convert_element_type3A_49 = arith.extui %and3A_48 : i1 to i32
    %cond3A_50 = arith.constant 0 : i32
    %cond3A_51 = arith.cmpi ne, %convert_element_type3A_49, %cond3A_50 : i32
    scf.if %cond3A_51 {
      %broadcast_in_dim3A_548 = vector.shape_cast %get3A_5 : vector<400xi32> to vector<400x1xi32>
      %eq3A_549 = arith.constant 1 : i32
      %eq3A_550 = vector.broadcast %eq3A_549 : i32 to vector<400x1xi32>
      %eq3A_551 = arith.cmpi eq, %broadcast_in_dim3A_548, %eq3A_550 : vector<400x1xi32>
      %jit3A = arith.constant -1.000000e+30 : f32
      %broadcast_in_dim3A_552 = vector.shape_cast %eq3A_551 : vector<400x1xi1> to vector<400x1xi1>
      %broadcast_in_dim3A_553 = vector.broadcast %broadcast_in_dim3A_552 : vector<400x1xi1> to vector<400x128xi1>
      %broadcast_in_dim3A_554 = vector.broadcast %jit3A : f32 to vector<400x128xf32>
      %select_n3A = arith.select %broadcast_in_dim3A_553, %get3A_8, %broadcast_in_dim3A_554 : vector<400x128xi1>, vector<400x128xf32>
      %get3A_555 = arith.constant 1 : index
      %get3A_556 = arith.constant 0 : index
      %get3A_557 = vector.load %arg4[%get3A_555, %get3A_556] : memref<64x128xf32, #tpu.memory_space<vmem>>, vector<1x128xf32>
      %reduce_max3A_558 = arith.constant dense<0xFF800000> : vector<128xf32>
      %reduce_max3A_559 = vector.multi_reduction <maximumf>, %select_n3A, %reduce_max3A_558 [0] : vector<400x128xf32> to vector<128xf32>
      %broadcast_in_dim3A_560 = vector.shape_cast %reduce_max3A_559 : vector<128xf32> to vector<1x128xf32>
      %max3A = arith.maximumf %get3A_557, %broadcast_in_dim3A_560 : vector<1x128xf32>
      %swap3A_561 = arith.constant 1 : index
      %swap3A_562 = arith.constant 0 : index
      %swap3A_563 = vector.load %arg4[%swap3A_561, %swap3A_562] : memref<64x128xf32, #tpu.memory_space<vmem>>, vector<1x128xf32>
      tpu.vector_store %arg4[%swap3A_561, %swap3A_562], %max3A {strides = array<i32>} : memref<64x128xf32, #tpu.memory_space<vmem>>, vector<1x128xf32>,
    } else {
    }
    %le3A_52 = arith.constant 2 : i32
    %le3A_53 = arith.cmpi sle, %reduce_min3A_34, %le3A_52 : i32
    %ge3A_54 = arith.constant 2 : i32
    %ge3A_55 = arith.cmpi sge, %reduce_max3A_38, %ge3A_54 : i32
    %and3A_56 = arith.andi %le3A_53, %ge3A_55 : i1
    %convert_element_type3A_57 = arith.extui %and3A_56 : i1 to i32
    %cond3A_58 = arith.constant 0 : i32
    %cond3A_59 = arith.cmpi ne, %convert_element_type3A_57, %cond3A_58 : i32
    scf.if %cond3A_59 {
      %broadcast_in_dim3A_548 = vector.shape_cast %get3A_5 : vector<400xi32> to vector<400x1xi32>
      %eq3A_549 = arith.constant 2 : i32
      %eq3A_550 = vector.broadcast %eq3A_549 : i32 to vector<400x1xi32>
      %eq3A_551 = arith.cmpi eq, %broadcast_in_dim3A_548, %eq3A_550 : vector<400x1xi32>
      %jit3A = arith.constant -1.000000e+30 : f32
      %broadcast_in_dim3A_552 = vector.shape_cast %eq3A_551 : vector<400x1xi1> to vector<400x1xi1>
      %broadcast_in_dim3A_553 = vector.broadcast %broadcast_in_dim3A_552 : vector<400x1xi1> to vector<400x128xi1>
      %broadcast_in_dim3A_554 = vector.broadcast %jit3A : f32 to vector<400x128xf32>
      %select_n3A = arith.select %broadcast_in_dim3A_553, %get3A_8, %broadcast_in_dim3A_554 : vector<400x128xi1>, vector<400x128xf32>
      %get3A_555 = arith.constant 2 : index
      %get3A_556 = arith.constant 0 : index
      %get3A_557 = vector.load %arg4[%get3A_555, %get3A_556] : memref<64x128xf32, #tpu.memory_space<vmem>>, vector<1x128xf32>
      %reduce_max3A_558 = arith.constant dense<0xFF800000> : vector<128xf32>
      %reduce_max3A_559 = vector.multi_reduction <maximumf>, %select_n3A, %reduce_max3A_558 [0] : vector<400x128xf32> to vector<128xf32>
      %broadcast_in_dim3A_560 = vector.shape_cast %reduce_max3A_559 : vector<128xf32> to vector<1x128xf32>
      %max3A = arith.maximumf %get3A_557, %broadcast_in_dim3A_560 : vector<1x128xf32>
      %swap3A_561 = arith.constant 2 : index
      %swap3A_562 = arith.constant 0 : index
      %swap3A_563 = vector.load %arg4[%swap3A_561, %swap3A_562] : memref<64x128xf32, #tpu.memory_space<vmem>>, vector<1x128xf32>
      tpu.vector_store %arg4[%swap3A_561, %swap3A_562], %max3A {strides = array<i32>} : memref<64x128xf32, #tpu.memory_space<vmem>>, vector<1x128xf32>,
    } else {
    }
    %le3A_60 = arith.constant 3 : i32
    %le3A_61 = arith.cmpi sle, %reduce_min3A_34, %le3A_60 : i32
    %ge3A_62 = arith.constant 3 : i32
    %ge3A_63 = arith.cmpi sge, %reduce_max3A_38, %ge3A_62 : i32
    %and3A_64 = arith.andi %le3A_61, %ge3A_63 : i1
    %convert_element_type3A_65 = arith.extui %and3A_64 : i1 to i32
    %cond3A_66 = arith.constant 0 : i32
    %cond3A_67 = arith.cmpi ne, %convert_element_type3A_65, %cond3A_66 : i32
    scf.if %cond3A_67 {
      %broadcast_in_dim3A_548 = vector.shape_cast %get3A_5 : vector<400xi32> to vector<400x1xi32>
      %eq3A_549 = arith.constant 3 : i32
      %eq3A_550 = vector.broadcast %eq3A_549 : i32 to vector<400x1xi32>
      %eq3A_551 = arith.cmpi eq, %broadcast_in_dim3A_548, %eq3A_550 : vector<400x1xi32>
      %jit3A = arith.constant -1.000000e+30 : f32
      %broadcast_in_dim3A_552 = vector.shape_cast %eq3A_551 : vector<400x1xi1> to vector<400x1xi1>
      %broadcast_in_dim3A_553 = vector.broadcast %broadcast_in_dim3A_552 : vector<400x1xi1> to vector<400x128xi1>
      %broadcast_in_dim3A_554 = vector.broadcast %jit3A : f32 to vector<400x128xf32>
      %select_n3A = arith.select %broadcast_in_dim3A_553, %get3A_8, %broadcast_in_dim3A_554 : vector<400x128xi1>, vector<400x128xf32>
      %get3A_555 = arith.constant 3 : index
      %get3A_556 = arith.constant 0 : index
      %get3A_557 = vector.load %arg4[%get3A_555, %get3A_556] : memref<64x128xf32, #tpu.memory_space<vmem>>, vector<1x128xf32>
      %reduce_max3A_558 = arith.constant dense<0xFF800000> : vector<128xf32>
      %reduce_max3A_559 = vector.multi_reduction <maximumf>, %select_n3A, %reduce_max3A_558 [0] : vector<400x128xf32> to vector<128xf32>
      %broadcast_in_dim3A_560 = vector.shape_cast %reduce_max3A_559 : vector<128xf32> to vector<1x128xf32>
      %max3A = arith.maximumf %get3A_557, %broadcast_in_dim3A_560 : vector<1x128xf32>
      %swap3A_561 = arith.constant 3 : index
      %swap3A_562 = arith.constant 0 : index
      %swap3A_563 = vector.load %arg4[%swap3A_561, %swap3A_562] : memref<64x128xf32, #tpu.memory_space<vmem>>, vector<1x128xf32>
      tpu.vector_store %arg4[%swap3A_561, %swap3A_562], %max3A {strides = array<i32>} : memref<64x128xf32, #tpu.memory_space<vmem>>, vector<1x128xf32>,
    } else {
    }
    %le3A_68 = arith.constant 4 : i32
    %le3A_69 = arith.cmpi sle, %reduce_min3A_34, %le3A_68 : i32
    %ge3A_70 = arith.constant 4 : i32
    %ge3A_71 = arith.cmpi sge, %reduce_max3A_38, %ge3A_70 : i32
    %and3A_72 = arith.andi %le3A_69, %ge3A_71 : i1
    %convert_element_type3A_73 = arith.extui %and3A_72 : i1 to i32
    %cond3A_74 = arith.constant 0 : i32
    %cond3A_75 = arith.cmpi ne, %convert_element_type3A_73, %cond3A_74 : i32
    scf.if %cond3A_75 {
      %broadcast_in_dim3A_548 = vector.shape_cast %get3A_5 : vector<400xi32> to vector<400x1xi32>
      %eq3A_549 = arith.constant 4 : i32
      %eq3A_550 = vector.broadcast %eq3A_549 : i32 to vector<400x1xi32>
      %eq3A_551 = arith.cmpi eq, %broadcast_in_dim3A_548, %eq3A_550 : vector<400x1xi32>
      %jit3A = arith.constant -1.000000e+30 : f32
      %broadcast_in_dim3A_552 = vector.shape_cast %eq3A_551 : vector<400x1xi1> to vector<400x1xi1>
      %broadcast_in_dim3A_553 = vector.broadcast %broadcast_in_dim3A_552 : vector<400x1xi1> to vector<400x128xi1>
      %broadcast_in_dim3A_554 = vector.broadcast %jit3A : f32 to vector<400x128xf32>
      %select_n3A = arith.select %broadcast_in_dim3A_553, %get3A_8, %broadcast_in_dim3A_554 : vector<400x128xi1>, vector<400x128xf32>
      %get3A_555 = arith.constant 4 : index
      %get3A_556 = arith.constant 0 : index
      %get3A_557 = vector.load %arg4[%get3A_555, %get3A_556] : memref<64x128xf32, #tpu.memory_space<vmem>>, vector<1x128xf32>
      %reduce_max3A_558 = arith.constant dense<0xFF800000> : vector<128xf32>
      %reduce_max3A_559 = vector.multi_reduction <maximumf>, %select_n3A, %reduce_max3A_558 [0] : vector<400x128xf32> to vector<128xf32>
      %broadcast_in_dim3A_560 = vector.shape_cast %reduce_max3A_559 : vector<128xf32> to vector<1x128xf32>
      %max3A = arith.maximumf %get3A_557, %broadcast_in_dim3A_560 : vector<1x128xf32>
      %swap3A_561 = arith.constant 4 : index
      %swap3A_562 = arith.constant 0 : index
      %swap3A_563 = vector.load %arg4[%swap3A_561, %swap3A_562] : memref<64x128xf32, #tpu.memory_space<vmem>>, vector<1x128xf32>
      tpu.vector_store %arg4[%swap3A_561, %swap3A_562], %max3A {strides = array<i32>} : memref<64x128xf32, #tpu.memory_space<vmem>>, vector<1x128xf32>,
    } else {
    }
    %le3A_76 = arith.constant 5 : i32
    %le3A_77 = arith.cmpi sle, %reduce_min3A_34, %le3A_76 : i32
    %ge3A_78 = arith.constant 5 : i32
    %ge3A_79 = arith.cmpi sge, %reduce_max3A_38, %ge3A_78 : i32
    %and3A_80 = arith.andi %le3A_77, %ge3A_79 : i1
    %convert_element_type3A_81 = arith.extui %and3A_80 : i1 to i32
    %cond3A_82 = arith.constant 0 : i32
    %cond3A_83 = arith.cmpi ne, %convert_element_type3A_81, %cond3A_82 : i32
    scf.if %cond3A_83 {
      %broadcast_in_dim3A_548 = vector.shape_cast %get3A_5 : vector<400xi32> to vector<400x1xi32>
      %eq3A_549 = arith.constant 5 : i32
      %eq3A_550 = vector.broadcast %eq3A_549 : i32 to vector<400x1xi32>
      %eq3A_551 = arith.cmpi eq, %broadcast_in_dim3A_548, %eq3A_550 : vector<400x1xi32>
      %jit3A = arith.constant -1.000000e+30 : f32
      %broadcast_in_dim3A_552 = vector.shape_cast %eq3A_551 : vector<400x1xi1> to vector<400x1xi1>
      %broadcast_in_dim3A_553 = vector.broadcast %broadcast_in_dim3A_552 : vector<400x1xi1> to vector<400x128xi1>
      %broadcast_in_dim3A_554 = vector.broadcast %jit3A : f32 to vector<400x128xf32>
      %select_n3A = arith.select %broadcast_in_dim3A_553, %get3A_8, %broadcast_in_dim3A_554 : vector<400x128xi1>, vector<400x128xf32>
      %get3A_555 = arith.constant 5 : index
      %get3A_556 = arith.constant 0 : index
      %get3A_557 = vector.load %arg4[%get3A_555, %get3A_556] : memref<64x128xf32, #tpu.memory_space<vmem>>, vector<1x128xf32>
      %reduce_max3A_558 = arith.constant dense<0xFF800000> : vector<128xf32>
      %reduce_max3A_559 = vector.multi_reduction <maximumf>, %select_n3A, %reduce_max3A_558 [0] : vector<400x128xf32> to vector<128xf32>
      %broadcast_in_dim3A_560 = vector.shape_cast %reduce_max3A_559 : vector<128xf32> to vector<1x128xf32>
      %max3A = arith.maximumf %get3A_557, %broadcast_in_dim3A_560 : vector<1x128xf32>
      %swap3A_561 = arith.constant 5 : index
      %swap3A_562 = arith.constant 0 : index
      %swap3A_563 = vector.load %arg4[%swap3A_561, %swap3A_562] : memref<64x128xf32, #tpu.memory_space<vmem>>, vector<1x128xf32>
      tpu.vector_store %arg4[%swap3A_561, %swap3A_562], %max3A {strides = array<i32>} : memref<64x128xf32, #tpu.memory_space<vmem>>, vector<1x128xf32>,
    } else {
    }
    %le3A_84 = arith.constant 6 : i32
    %le3A_85 = arith.cmpi sle, %reduce_min3A_34, %le3A_84 : i32
    %ge3A_86 = arith.constant 6 : i32
    %ge3A_87 = arith.cmpi sge, %reduce_max3A_38, %ge3A_86 : i32
    %and3A_88 = arith.andi %le3A_85, %ge3A_87 : i1
    %convert_element_type3A_89 = arith.extui %and3A_88 : i1 to i32
    %cond3A_90 = arith.constant 0 : i32
    %cond3A_91 = arith.cmpi ne, %convert_element_type3A_89, %cond3A_90 : i32
    scf.if %cond3A_91 {
      %broadcast_in_dim3A_548 = vector.shape_cast %get3A_5 : vector<400xi32> to vector<400x1xi32>
      %eq3A_549 = arith.constant 6 : i32
      %eq3A_550 = vector.broadcast %eq3A_549 : i32 to vector<400x1xi32>
      %eq3A_551 = arith.cmpi eq, %broadcast_in_dim3A_548, %eq3A_550 : vector<400x1xi32>
      %jit3A = arith.constant -1.000000e+30 : f32
      %broadcast_in_dim3A_552 = vector.shape_cast %eq3A_551 : vector<400x1xi1> to vector<400x1xi1>
      %broadcast_in_dim3A_553 = vector.broadcast %broadcast_in_dim3A_552 : vector<400x1xi1> to vector<400x128xi1>
      %broadcast_in_dim3A_554 = vector.broadcast %jit3A : f32 to vector<400x128xf32>
      %select_n3A = arith.select %broadcast_in_dim3A_553, %get3A_8, %broadcast_in_dim3A_554 : vector<400x128xi1>, vector<400x128xf32>
      %get3A_555 = arith.constant 6 : index
      %get3A_556 = arith.constant 0 : index
      %get3A_557 = vector.load %arg4[%get3A_555, %get3A_556] : memref<64x128xf32, #tpu.memory_space<vmem>>, vector<1x128xf32>
      %reduce_max3A_558 = arith.constant dense<0xFF800000> : vector<128xf32>
      %reduce_max3A_559 = vector.multi_reduction <maximumf>, %select_n3A, %reduce_max3A_558 [0] : vector<400x128xf32> to vector<128xf32>
      %broadcast_in_dim3A_560 = vector.shape_cast %reduce_max3A_559 : vector<128xf32> to vector<1x128xf32>
      %max3A = arith.maximumf %get3A_557, %broadcast_in_dim3A_560 : vector<1x128xf32>
      %swap3A_561 = arith.constant 6 : index
      %swap3A_562 = arith.constant 0 : index
      %swap3A_563 = vector.load %arg4[%swap3A_561, %swap3A_562] : memref<64x128xf32, #tpu.memory_space<vmem>>, vector<1x128xf32>
      tpu.vector_store %arg4[%swap3A_561, %swap3A_562], %max3A {strides = array<i32>} : memref<64x128xf32, #tpu.memory_space<vmem>>, vector<1x128xf32>,
    } else {
    }
    %le3A_92 = arith.constant 7 : i32
    %le3A_93 = arith.cmpi sle, %reduce_min3A_34, %le3A_92 : i32
    %ge3A_94 = arith.constant 7 : i32
    %ge3A_95 = arith.cmpi sge, %reduce_max3A_38, %ge3A_94 : i32
    %and3A_96 = arith.andi %le3A_93, %ge3A_95 : i1
    %convert_element_type3A_97 = arith.extui %and3A_96 : i1 to i32
    %cond3A_98 = arith.constant 0 : i32
    %cond3A_99 = arith.cmpi ne, %convert_element_type3A_97, %cond3A_98 : i32
    scf.if %cond3A_99 {
      %broadcast_in_dim3A_548 = vector.shape_cast %get3A_5 : vector<400xi32> to vector<400x1xi32>
      %eq3A_549 = arith.constant 7 : i32
      %eq3A_550 = vector.broadcast %eq3A_549 : i32 to vector<400x1xi32>
      %eq3A_551 = arith.cmpi eq, %broadcast_in_dim3A_548, %eq3A_550 : vector<400x1xi32>
      %jit3A = arith.constant -1.000000e+30 : f32
      %broadcast_in_dim3A_552 = vector.shape_cast %eq3A_551 : vector<400x1xi1> to vector<400x1xi1>
      %broadcast_in_dim3A_553 = vector.broadcast %broadcast_in_dim3A_552 : vector<400x1xi1> to vector<400x128xi1>
      %broadcast_in_dim3A_554 = vector.broadcast %jit3A : f32 to vector<400x128xf32>
      %select_n3A = arith.select %broadcast_in_dim3A_553, %get3A_8, %broadcast_in_dim3A_554 : vector<400x128xi1>, vector<400x128xf32>
      %get3A_555 = arith.constant 7 : index
      %get3A_556 = arith.constant 0 : index
      %get3A_557 = vector.load %arg4[%get3A_555, %get3A_556] : memref<64x128xf32, #tpu.memory_space<vmem>>, vector<1x128xf32>
      %reduce_max3A_558 = arith.constant dense<0xFF800000> : vector<128xf32>
      %reduce_max3A_559 = vector.multi_reduction <maximumf>, %select_n3A, %reduce_max3A_558 [0] : vector<400x128xf32> to vector<128xf32>
      %broadcast_in_dim3A_560 = vector.shape_cast %reduce_max3A_559 : vector<128xf32> to vector<1x128xf32>
      %max3A = arith.maximumf %get3A_557, %broadcast_in_dim3A_560 : vector<1x128xf32>
      %swap3A_561 = arith.constant 7 : index
      %swap3A_562 = arith.constant 0 : index
      %swap3A_563 = vector.load %arg4[%swap3A_561, %swap3A_562] : memref<64x128xf32, #tpu.memory_space<vmem>>, vector<1x128xf32>
      tpu.vector_store %arg4[%swap3A_561, %swap3A_562], %max3A {strides = array<i32>} : memref<64x128xf32, #tpu.memory_space<vmem>>, vector<1x128xf32>,
    } else {
    }
    %le3A_100 = arith.constant 8 : i32
    %le3A_101 = arith.cmpi sle, %reduce_min3A_34, %le3A_100 : i32
    %ge3A_102 = arith.constant 8 : i32
    %ge3A_103 = arith.cmpi sge, %reduce_max3A_38, %ge3A_102 : i32
    %and3A_104 = arith.andi %le3A_101, %ge3A_103 : i1
    %convert_element_type3A_105 = arith.extui %and3A_104 : i1 to i32
    %cond3A_106 = arith.constant 0 : i32
    %cond3A_107 = arith.cmpi ne, %convert_element_type3A_105, %cond3A_106 : i32
    scf.if %cond3A_107 {
      %broadcast_in_dim3A_548 = vector.shape_cast %get3A_5 : vector<400xi32> to vector<400x1xi32>
      %eq3A_549 = arith.constant 8 : i32
      %eq3A_550 = vector.broadcast %eq3A_549 : i32 to vector<400x1xi32>
      %eq3A_551 = arith.cmpi eq, %broadcast_in_dim3A_548, %eq3A_550 : vector<400x1xi32>
      %jit3A = arith.constant -1.000000e+30 : f32
      %broadcast_in_dim3A_552 = vector.shape_cast %eq3A_551 : vector<400x1xi1> to vector<400x1xi1>
      %broadcast_in_dim3A_553 = vector.broadcast %broadcast_in_dim3A_552 : vector<400x1xi1> to vector<400x128xi1>
      %broadcast_in_dim3A_554 = vector.broadcast %jit3A : f32 to vector<400x128xf32>
      %select_n3A = arith.select %broadcast_in_dim3A_553, %get3A_8, %broadcast_in_dim3A_554 : vector<400x128xi1>, vector<400x128xf32>
      %get3A_555 = arith.constant 8 : index
      %get3A_556 = arith.constant 0 : index
      %get3A_557 = vector.load %arg4[%get3A_555, %get3A_556] : memref<64x128xf32, #tpu.memory_space<vmem>>, vector<1x128xf32>
      %reduce_max3A_558 = arith.constant dense<0xFF800000> : vector<128xf32>
      %reduce_max3A_559 = vector.multi_reduction <maximumf>, %select_n3A, %reduce_max3A_558 [0] : vector<400x128xf32> to vector<128xf32>
      %broadcast_in_dim3A_560 = vector.shape_cast %reduce_max3A_559 : vector<128xf32> to vector<1x128xf32>
      %max3A = arith.maximumf %get3A_557, %broadcast_in_dim3A_560 : vector<1x128xf32>
      %swap3A_561 = arith.constant 8 : index
      %swap3A_562 = arith.constant 0 : index
      %swap3A_563 = vector.load %arg4[%swap3A_561, %swap3A_562] : memref<64x128xf32, #tpu.memory_space<vmem>>, vector<1x128xf32>
      tpu.vector_store %arg4[%swap3A_561, %swap3A_562], %max3A {strides = array<i32>} : memref<64x128xf32, #tpu.memory_space<vmem>>, vector<1x128xf32>,
    } else {
    }
    %le3A_108 = arith.constant 9 : i32
    %le3A_109 = arith.cmpi sle, %reduce_min3A_34, %le3A_108 : i32
    %ge3A_110 = arith.constant 9 : i32
    %ge3A_111 = arith.cmpi sge, %reduce_max3A_38, %ge3A_110 : i32
    %and3A_112 = arith.andi %le3A_109, %ge3A_111 : i1
    %convert_element_type3A_113 = arith.extui %and3A_112 : i1 to i32
    %cond3A_114 = arith.constant 0 : i32
    %cond3A_115 = arith.cmpi ne, %convert_element_type3A_113, %cond3A_114 : i32
    scf.if %cond3A_115 {
      %broadcast_in_dim3A_548 = vector.shape_cast %get3A_5 : vector<400xi32> to vector<400x1xi32>
      %eq3A_549 = arith.constant 9 : i32
      %eq3A_550 = vector.broadcast %eq3A_549 : i32 to vector<400x1xi32>
      %eq3A_551 = arith.cmpi eq, %broadcast_in_dim3A_548, %eq3A_550 : vector<400x1xi32>
      %jit3A = arith.constant -1.000000e+30 : f32
      %broadcast_in_dim3A_552 = vector.shape_cast %eq3A_551 : vector<400x1xi1> to vector<400x1xi1>
      %broadcast_in_dim3A_553 = vector.broadcast %broadcast_in_dim3A_552 : vector<400x1xi1> to vector<400x128xi1>
      %broadcast_in_dim3A_554 = vector.broadcast %jit3A : f32 to vector<400x128xf32>
      %select_n3A = arith.select %broadcast_in_dim3A_553, %get3A_8, %broadcast_in_dim3A_554 : vector<400x128xi1>, vector<400x128xf32>
      %get3A_555 = arith.constant 9 : index
      %get3A_556 = arith.constant 0 : index
      %get3A_557 = vector.load %arg4[%get3A_555, %get3A_556] : memref<64x128xf32, #tpu.memory_space<vmem>>, vector<1x128xf32>
      %reduce_max3A_558 = arith.constant dense<0xFF800000> : vector<128xf32>
      %reduce_max3A_559 = vector.multi_reduction <maximumf>, %select_n3A, %reduce_max3A_558 [0] : vector<400x128xf32> to vector<128xf32>
      %broadcast_in_dim3A_560 = vector.shape_cast %reduce_max3A_559 : vector<128xf32> to vector<1x128xf32>
      %max3A = arith.maximumf %get3A_557, %broadcast_in_dim3A_560 : vector<1x128xf32>
      %swap3A_561 = arith.constant 9 : index
      %swap3A_562 = arith.constant 0 : index
      %swap3A_563 = vector.load %arg4[%swap3A_561, %swap3A_562] : memref<64x128xf32, #tpu.memory_space<vmem>>, vector<1x128xf32>
      tpu.vector_store %arg4[%swap3A_561, %swap3A_562], %max3A {strides = array<i32>} : memref<64x128xf32, #tpu.memory_space<vmem>>, vector<1x128xf32>,
    } else {
    }
    %le3A_116 = arith.constant 10 : i32
    %le3A_117 = arith.cmpi sle, %reduce_min3A_34, %le3A_116 : i32
    %ge3A_118 = arith.constant 10 : i32
    %ge3A_119 = arith.cmpi sge, %reduce_max3A_38, %ge3A_118 : i32
    %and3A_120 = arith.andi %le3A_117, %ge3A_119 : i1
    %convert_element_type3A_121 = arith.extui %and3A_120 : i1 to i32
    %cond3A_122 = arith.constant 0 : i32
    %cond3A_123 = arith.cmpi ne, %convert_element_type3A_121, %cond3A_122 : i32
    scf.if %cond3A_123 {
      %broadcast_in_dim3A_548 = vector.shape_cast %get3A_5 : vector<400xi32> to vector<400x1xi32>
      %eq3A_549 = arith.constant 10 : i32
      %eq3A_550 = vector.broadcast %eq3A_549 : i32 to vector<400x1xi32>
      %eq3A_551 = arith.cmpi eq, %broadcast_in_dim3A_548, %eq3A_550 : vector<400x1xi32>
      %jit3A = arith.constant -1.000000e+30 : f32
      %broadcast_in_dim3A_552 = vector.shape_cast %eq3A_551 : vector<400x1xi1> to vector<400x1xi1>
      %broadcast_in_dim3A_553 = vector.broadcast %broadcast_in_dim3A_552 : vector<400x1xi1> to vector<400x128xi1>
      %broadcast_in_dim3A_554 = vector.broadcast %jit3A : f32 to vector<400x128xf32>
      %select_n3A = arith.select %broadcast_in_dim3A_553, %get3A_8, %broadcast_in_dim3A_554 : vector<400x128xi1>, vector<400x128xf32>
      %get3A_555 = arith.constant 10 : index
      %get3A_556 = arith.constant 0 : index
      %get3A_557 = vector.load %arg4[%get3A_555, %get3A_556] : memref<64x128xf32, #tpu.memory_space<vmem>>, vector<1x128xf32>
      %reduce_max3A_558 = arith.constant dense<0xFF800000> : vector<128xf32>
      %reduce_max3A_559 = vector.multi_reduction <maximumf>, %select_n3A, %reduce_max3A_558 [0] : vector<400x128xf32> to vector<128xf32>
      %broadcast_in_dim3A_560 = vector.shape_cast %reduce_max3A_559 : vector<128xf32> to vector<1x128xf32>
      %max3A = arith.maximumf %get3A_557, %broadcast_in_dim3A_560 : vector<1x128xf32>
      %swap3A_561 = arith.constant 10 : index
      %swap3A_562 = arith.constant 0 : index
      %swap3A_563 = vector.load %arg4[%swap3A_561, %swap3A_562] : memref<64x128xf32, #tpu.memory_space<vmem>>, vector<1x128xf32>
      tpu.vector_store %arg4[%swap3A_561, %swap3A_562], %max3A {strides = array<i32>} : memref<64x128xf32, #tpu.memory_space<vmem>>, vector<1x128xf32>,
    } else {
    }
    %le3A_124 = arith.constant 11 : i32
    %le3A_125 = arith.cmpi sle, %reduce_min3A_34, %le3A_124 : i32
    %ge3A_126 = arith.constant 11 : i32
    %ge3A_127 = arith.cmpi sge, %reduce_max3A_38, %ge3A_126 : i32
    %and3A_128 = arith.andi %le3A_125, %ge3A_127 : i1
    %convert_element_type3A_129 = arith.extui %and3A_128 : i1 to i32
    %cond3A_130 = arith.constant 0 : i32
    %cond3A_131 = arith.cmpi ne, %convert_element_type3A_129, %cond3A_130 : i32
    scf.if %cond3A_131 {
      %broadcast_in_dim3A_548 = vector.shape_cast %get3A_5 : vector<400xi32> to vector<400x1xi32>
      %eq3A_549 = arith.constant 11 : i32
      %eq3A_550 = vector.broadcast %eq3A_549 : i32 to vector<400x1xi32>
      %eq3A_551 = arith.cmpi eq, %broadcast_in_dim3A_548, %eq3A_550 : vector<400x1xi32>
      %jit3A = arith.constant -1.000000e+30 : f32
      %broadcast_in_dim3A_552 = vector.shape_cast %eq3A_551 : vector<400x1xi1> to vector<400x1xi1>
      %broadcast_in_dim3A_553 = vector.broadcast %broadcast_in_dim3A_552 : vector<400x1xi1> to vector<400x128xi1>
      %broadcast_in_dim3A_554 = vector.broadcast %jit3A : f32 to vector<400x128xf32>
      %select_n3A = arith.select %broadcast_in_dim3A_553, %get3A_8, %broadcast_in_dim3A_554 : vector<400x128xi1>, vector<400x128xf32>
      %get3A_555 = arith.constant 11 : index
      %get3A_556 = arith.constant 0 : index
      %get3A_557 = vector.load %arg4[%get3A_555, %get3A_556] : memref<64x128xf32, #tpu.memory_space<vmem>>, vector<1x128xf32>
      %reduce_max3A_558 = arith.constant dense<0xFF800000> : vector<128xf32>
      %reduce_max3A_559 = vector.multi_reduction <maximumf>, %select_n3A, %reduce_max3A_558 [0] : vector<400x128xf32> to vector<128xf32>
      %broadcast_in_dim3A_560 = vector.shape_cast %reduce_max3A_559 : vector<128xf32> to vector<1x128xf32>
      %max3A = arith.maximumf %get3A_557, %broadcast_in_dim3A_560 : vector<1x128xf32>
      %swap3A_561 = arith.constant 11 : index
      %swap3A_562 = arith.constant 0 : index
      %swap3A_563 = vector.load %arg4[%swap3A_561, %swap3A_562] : memref<64x128xf32, #tpu.memory_space<vmem>>, vector<1x128xf32>
      tpu.vector_store %arg4[%swap3A_561, %swap3A_562], %max3A {strides = array<i32>} : memref<64x128xf32, #tpu.memory_space<vmem>>, vector<1x128xf32>,
    } else {
    }
    %le3A_132 = arith.constant 12 : i32
    %le3A_133 = arith.cmpi sle, %reduce_min3A_34, %le3A_132 : i32
    %ge3A_134 = arith.constant 12 : i32
    %ge3A_135 = arith.cmpi sge, %reduce_max3A_38, %ge3A_134 : i32
    %and3A_136 = arith.andi %le3A_133, %ge3A_135 : i1
    %convert_element_type3A_137 = arith.extui %and3A_136 : i1 to i32
    %cond3A_138 = arith.constant 0 : i32
    %cond3A_139 = arith.cmpi ne, %convert_element_type3A_137, %cond3A_138 : i32
    scf.if %cond3A_139 {
      %broadcast_in_dim3A_548 = vector.shape_cast %get3A_5 : vector<400xi32> to vector<400x1xi32>
      %eq3A_549 = arith.constant 12 : i32
      %eq3A_550 = vector.broadcast %eq3A_549 : i32 to vector<400x1xi32>
      %eq3A_551 = arith.cmpi eq, %broadcast_in_dim3A_548, %eq3A_550 : vector<400x1xi32>
      %jit3A = arith.constant -1.000000e+30 : f32
      %broadcast_in_dim3A_552 = vector.shape_cast %eq3A_551 : vector<400x1xi1> to vector<400x1xi1>
      %broadcast_in_dim3A_553 = vector.broadcast %broadcast_in_dim3A_552 : vector<400x1xi1> to vector<400x128xi1>
      %broadcast_in_dim3A_554 = vector.broadcast %jit3A : f32 to vector<400x128xf32>
      %select_n3A = arith.select %broadcast_in_dim3A_553, %get3A_8, %broadcast_in_dim3A_554 : vector<400x128xi1>, vector<400x128xf32>
      %get3A_555 = arith.constant 12 : index
      %get3A_556 = arith.constant 0 : index
      %get3A_557 = vector.load %arg4[%get3A_555, %get3A_556] : memref<64x128xf32, #tpu.memory_space<vmem>>, vector<1x128xf32>
      %reduce_max3A_558 = arith.constant dense<0xFF800000> : vector<128xf32>
      %reduce_max3A_559 = vector.multi_reduction <maximumf>, %select_n3A, %reduce_max3A_558 [0] : vector<400x128xf32> to vector<128xf32>
      %broadcast_in_dim3A_560 = vector.shape_cast %reduce_max3A_559 : vector<128xf32> to vector<1x128xf32>
      %max3A = arith.maximumf %get3A_557, %broadcast_in_dim3A_560 : vector<1x128xf32>
      %swap3A_561 = arith.constant 12 : index
      %swap3A_562 = arith.constant 0 : index
      %swap3A_563 = vector.load %arg4[%swap3A_561, %swap3A_562] : memref<64x128xf32, #tpu.memory_space<vmem>>, vector<1x128xf32>
      tpu.vector_store %arg4[%swap3A_561, %swap3A_562], %max3A {strides = array<i32>} : memref<64x128xf32, #tpu.memory_space<vmem>>, vector<1x128xf32>,
    } else {
    }
    %le3A_140 = arith.constant 13 : i32
    %le3A_141 = arith.cmpi sle, %reduce_min3A_34, %le3A_140 : i32
    %ge3A_142 = arith.constant 13 : i32
    %ge3A_143 = arith.cmpi sge, %reduce_max3A_38, %ge3A_142 : i32
    %and3A_144 = arith.andi %le3A_141, %ge3A_143 : i1
    %convert_element_type3A_145 = arith.extui %and3A_144 : i1 to i32
    %cond3A_146 = arith.constant 0 : i32
    %cond3A_147 = arith.cmpi ne, %convert_element_type3A_145, %cond3A_146 : i32
    scf.if %cond3A_147 {
      %broadcast_in_dim3A_548 = vector.shape_cast %get3A_5 : vector<400xi32> to vector<400x1xi32>
      %eq3A_549 = arith.constant 13 : i32
      %eq3A_550 = vector.broadcast %eq3A_549 : i32 to vector<400x1xi32>
      %eq3A_551 = arith.cmpi eq, %broadcast_in_dim3A_548, %eq3A_550 : vector<400x1xi32>
      %jit3A = arith.constant -1.000000e+30 : f32
      %broadcast_in_dim3A_552 = vector.shape_cast %eq3A_551 : vector<400x1xi1> to vector<400x1xi1>
      %broadcast_in_dim3A_553 = vector.broadcast %broadcast_in_dim3A_552 : vector<400x1xi1> to vector<400x128xi1>
      %broadcast_in_dim3A_554 = vector.broadcast %jit3A : f32 to vector<400x128xf32>
      %select_n3A = arith.select %broadcast_in_dim3A_553, %get3A_8, %broadcast_in_dim3A_554 : vector<400x128xi1>, vector<400x128xf32>
      %get3A_555 = arith.constant 13 : index
      %get3A_556 = arith.constant 0 : index
      %get3A_557 = vector.load %arg4[%get3A_555, %get3A_556] : memref<64x128xf32, #tpu.memory_space<vmem>>, vector<1x128xf32>
      %reduce_max3A_558 = arith.constant dense<0xFF800000> : vector<128xf32>
      %reduce_max3A_559 = vector.multi_reduction <maximumf>, %select_n3A, %reduce_max3A_558 [0] : vector<400x128xf32> to vector<128xf32>
      %broadcast_in_dim3A_560 = vector.shape_cast %reduce_max3A_559 : vector<128xf32> to vector<1x128xf32>
      %max3A = arith.maximumf %get3A_557, %broadcast_in_dim3A_560 : vector<1x128xf32>
      %swap3A_561 = arith.constant 13 : index
      %swap3A_562 = arith.constant 0 : index
      %swap3A_563 = vector.load %arg4[%swap3A_561, %swap3A_562] : memref<64x128xf32, #tpu.memory_space<vmem>>, vector<1x128xf32>
      tpu.vector_store %arg4[%swap3A_561, %swap3A_562], %max3A {strides = array<i32>} : memref<64x128xf32, #tpu.memory_space<vmem>>, vector<1x128xf32>,
    } else {
    }
    %le3A_148 = arith.constant 14 : i32
    %le3A_149 = arith.cmpi sle, %reduce_min3A_34, %le3A_148 : i32
    %ge3A_150 = arith.constant 14 : i32
    %ge3A_151 = arith.cmpi sge, %reduce_max3A_38, %ge3A_150 : i32
    %and3A_152 = arith.andi %le3A_149, %ge3A_151 : i1
    %convert_element_type3A_153 = arith.extui %and3A_152 : i1 to i32
    %cond3A_154 = arith.constant 0 : i32
    %cond3A_155 = arith.cmpi ne, %convert_element_type3A_153, %cond3A_154 : i32
    scf.if %cond3A_155 {
      %broadcast_in_dim3A_548 = vector.shape_cast %get3A_5 : vector<400xi32> to vector<400x1xi32>
      %eq3A_549 = arith.constant 14 : i32
      %eq3A_550 = vector.broadcast %eq3A_549 : i32 to vector<400x1xi32>
      %eq3A_551 = arith.cmpi eq, %broadcast_in_dim3A_548, %eq3A_550 : vector<400x1xi32>
      %jit3A = arith.constant -1.000000e+30 : f32
      %broadcast_in_dim3A_552 = vector.shape_cast %eq3A_551 : vector<400x1xi1> to vector<400x1xi1>
      %broadcast_in_dim3A_553 = vector.broadcast %broadcast_in_dim3A_552 : vector<400x1xi1> to vector<400x128xi1>
      %broadcast_in_dim3A_554 = vector.broadcast %jit3A : f32 to vector<400x128xf32>
      %select_n3A = arith.select %broadcast_in_dim3A_553, %get3A_8, %broadcast_in_dim3A_554 : vector<400x128xi1>, vector<400x128xf32>
      %get3A_555 = arith.constant 14 : index
      %get3A_556 = arith.constant 0 : index
      %get3A_557 = vector.load %arg4[%get3A_555, %get3A_556] : memref<64x128xf32, #tpu.memory_space<vmem>>, vector<1x128xf32>
      %reduce_max3A_558 = arith.constant dense<0xFF800000> : vector<128xf32>
      %reduce_max3A_559 = vector.multi_reduction <maximumf>, %select_n3A, %reduce_max3A_558 [0] : vector<400x128xf32> to vector<128xf32>
      %broadcast_in_dim3A_560 = vector.shape_cast %reduce_max3A_559 : vector<128xf32> to vector<1x128xf32>
      %max3A = arith.maximumf %get3A_557, %broadcast_in_dim3A_560 : vector<1x128xf32>
      %swap3A_561 = arith.constant 14 : index
      %swap3A_562 = arith.constant 0 : index
      %swap3A_563 = vector.load %arg4[%swap3A_561, %swap3A_562] : memref<64x128xf32, #tpu.memory_space<vmem>>, vector<1x128xf32>
      tpu.vector_store %arg4[%swap3A_561, %swap3A_562], %max3A {strides = array<i32>} : memref<64x128xf32, #tpu.memory_space<vmem>>, vector<1x128xf32>,
    } else {
    }
    %le3A_156 = arith.constant 15 : i32
    %le3A_157 = arith.cmpi sle, %reduce_min3A_34, %le3A_156 : i32
    %ge3A_158 = arith.constant 15 : i32
    %ge3A_159 = arith.cmpi sge, %reduce_max3A_38, %ge3A_158 : i32
    %and3A_160 = arith.andi %le3A_157, %ge3A_159 : i1
    %convert_element_type3A_161 = arith.extui %and3A_160 : i1 to i32
    %cond3A_162 = arith.constant 0 : i32
    %cond3A_163 = arith.cmpi ne, %convert_element_type3A_161, %cond3A_162 : i32
    scf.if %cond3A_163 {
      %broadcast_in_dim3A_548 = vector.shape_cast %get3A_5 : vector<400xi32> to vector<400x1xi32>
      %eq3A_549 = arith.constant 15 : i32
      %eq3A_550 = vector.broadcast %eq3A_549 : i32 to vector<400x1xi32>
      %eq3A_551 = arith.cmpi eq, %broadcast_in_dim3A_548, %eq3A_550 : vector<400x1xi32>
      %jit3A = arith.constant -1.000000e+30 : f32
      %broadcast_in_dim3A_552 = vector.shape_cast %eq3A_551 : vector<400x1xi1> to vector<400x1xi1>
      %broadcast_in_dim3A_553 = vector.broadcast %broadcast_in_dim3A_552 : vector<400x1xi1> to vector<400x128xi1>
      %broadcast_in_dim3A_554 = vector.broadcast %jit3A : f32 to vector<400x128xf32>
      %select_n3A = arith.select %broadcast_in_dim3A_553, %get3A_8, %broadcast_in_dim3A_554 : vector<400x128xi1>, vector<400x128xf32>
      %get3A_555 = arith.constant 15 : index
      %get3A_556 = arith.constant 0 : index
      %get3A_557 = vector.load %arg4[%get3A_555, %get3A_556] : memref<64x128xf32, #tpu.memory_space<vmem>>, vector<1x128xf32>
      %reduce_max3A_558 = arith.constant dense<0xFF800000> : vector<128xf32>
      %reduce_max3A_559 = vector.multi_reduction <maximumf>, %select_n3A, %reduce_max3A_558 [0] : vector<400x128xf32> to vector<128xf32>
      %broadcast_in_dim3A_560 = vector.shape_cast %reduce_max3A_559 : vector<128xf32> to vector<1x128xf32>
      %max3A = arith.maximumf %get3A_557, %broadcast_in_dim3A_560 : vector<1x128xf32>
      %swap3A_561 = arith.constant 15 : index
      %swap3A_562 = arith.constant 0 : index
      %swap3A_563 = vector.load %arg4[%swap3A_561, %swap3A_562] : memref<64x128xf32, #tpu.memory_space<vmem>>, vector<1x128xf32>
      tpu.vector_store %arg4[%swap3A_561, %swap3A_562], %max3A {strides = array<i32>} : memref<64x128xf32, #tpu.memory_space<vmem>>, vector<1x128xf32>,
    } else {
    }
    %le3A_164 = arith.constant 16 : i32
    %le3A_165 = arith.cmpi sle, %reduce_min3A_34, %le3A_164 : i32
    %ge3A_166 = arith.constant 16 : i32
    %ge3A_167 = arith.cmpi sge, %reduce_max3A_38, %ge3A_166 : i32
    %and3A_168 = arith.andi %le3A_165, %ge3A_167 : i1
    %convert_element_type3A_169 = arith.extui %and3A_168 : i1 to i32
    %cond3A_170 = arith.constant 0 : i32
    %cond3A_171 = arith.cmpi ne, %convert_element_type3A_169, %cond3A_170 : i32
    scf.if %cond3A_171 {
      %broadcast_in_dim3A_548 = vector.shape_cast %get3A_5 : vector<400xi32> to vector<400x1xi32>
      %eq3A_549 = arith.constant 16 : i32
      %eq3A_550 = vector.broadcast %eq3A_549 : i32 to vector<400x1xi32>
      %eq3A_551 = arith.cmpi eq, %broadcast_in_dim3A_548, %eq3A_550 : vector<400x1xi32>
      %jit3A = arith.constant -1.000000e+30 : f32
      %broadcast_in_dim3A_552 = vector.shape_cast %eq3A_551 : vector<400x1xi1> to vector<400x1xi1>
      %broadcast_in_dim3A_553 = vector.broadcast %broadcast_in_dim3A_552 : vector<400x1xi1> to vector<400x128xi1>
      %broadcast_in_dim3A_554 = vector.broadcast %jit3A : f32 to vector<400x128xf32>
      %select_n3A = arith.select %broadcast_in_dim3A_553, %get3A_8, %broadcast_in_dim3A_554 : vector<400x128xi1>, vector<400x128xf32>
      %get3A_555 = arith.constant 16 : index
      %get3A_556 = arith.constant 0 : index
      %get3A_557 = vector.load %arg4[%get3A_555, %get3A_556] : memref<64x128xf32, #tpu.memory_space<vmem>>, vector<1x128xf32>
      %reduce_max3A_558 = arith.constant dense<0xFF800000> : vector<128xf32>
      %reduce_max3A_559 = vector.multi_reduction <maximumf>, %select_n3A, %reduce_max3A_558 [0] : vector<400x128xf32> to vector<128xf32>
      %broadcast_in_dim3A_560 = vector.shape_cast %reduce_max3A_559 : vector<128xf32> to vector<1x128xf32>
      %max3A = arith.maximumf %get3A_557, %broadcast_in_dim3A_560 : vector<1x128xf32>
      %swap3A_561 = arith.constant 16 : index
      %swap3A_562 = arith.constant 0 : index
      %swap3A_563 = vector.load %arg4[%swap3A_561, %swap3A_562] : memref<64x128xf32, #tpu.memory_space<vmem>>, vector<1x128xf32>
      tpu.vector_store %arg4[%swap3A_561, %swap3A_562], %max3A {strides = array<i32>} : memref<64x128xf32, #tpu.memory_space<vmem>>, vector<1x128xf32>,
    } else {
    }
    %le3A_172 = arith.constant 17 : i32
    %le3A_173 = arith.cmpi sle, %reduce_min3A_34, %le3A_172 : i32
    %ge3A_174 = arith.constant 17 : i32
    %ge3A_175 = arith.cmpi sge, %reduce_max3A_38, %ge3A_174 : i32
    %and3A_176 = arith.andi %le3A_173, %ge3A_175 : i1
    %convert_element_type3A_177 = arith.extui %and3A_176 : i1 to i32
    %cond3A_178 = arith.constant 0 : i32
    %cond3A_179 = arith.cmpi ne, %convert_element_type3A_177, %cond3A_178 : i32
    scf.if %cond3A_179 {
      %broadcast_in_dim3A_548 = vector.shape_cast %get3A_5 : vector<400xi32> to vector<400x1xi32>
      %eq3A_549 = arith.constant 17 : i32
      %eq3A_550 = vector.broadcast %eq3A_549 : i32 to vector<400x1xi32>
      %eq3A_551 = arith.cmpi eq, %broadcast_in_dim3A_548, %eq3A_550 : vector<400x1xi32>
      %jit3A = arith.constant -1.000000e+30 : f32
      %broadcast_in_dim3A_552 = vector.shape_cast %eq3A_551 : vector<400x1xi1> to vector<400x1xi1>
      %broadcast_in_dim3A_553 = vector.broadcast %broadcast_in_dim3A_552 : vector<400x1xi1> to vector<400x128xi1>
      %broadcast_in_dim3A_554 = vector.broadcast %jit3A : f32 to vector<400x128xf32>
      %select_n3A = arith.select %broadcast_in_dim3A_553, %get3A_8, %broadcast_in_dim3A_554 : vector<400x128xi1>, vector<400x128xf32>
      %get3A_555 = arith.constant 17 : index
      %get3A_556 = arith.constant 0 : index
      %get3A_557 = vector.load %arg4[%get3A_555, %get3A_556] : memref<64x128xf32, #tpu.memory_space<vmem>>, vector<1x128xf32>
      %reduce_max3A_558 = arith.constant dense<0xFF800000> : vector<128xf32>
      %reduce_max3A_559 = vector.multi_reduction <maximumf>, %select_n3A, %reduce_max3A_558 [0] : vector<400x128xf32> to vector<128xf32>
      %broadcast_in_dim3A_560 = vector.shape_cast %reduce_max3A_559 : vector<128xf32> to vector<1x128xf32>
      %max3A = arith.maximumf %get3A_557, %broadcast_in_dim3A_560 : vector<1x128xf32>
      %swap3A_561 = arith.constant 17 : index
      %swap3A_562 = arith.constant 0 : index
      %swap3A_563 = vector.load %arg4[%swap3A_561, %swap3A_562] : memref<64x128xf32, #tpu.memory_space<vmem>>, vector<1x128xf32>
      tpu.vector_store %arg4[%swap3A_561, %swap3A_562], %max3A {strides = array<i32>} : memref<64x128xf32, #tpu.memory_space<vmem>>, vector<1x128xf32>,
    } else {
    }
    %le3A_180 = arith.constant 18 : i32
    %le3A_181 = arith.cmpi sle, %reduce_min3A_34, %le3A_180 : i32
    %ge3A_182 = arith.constant 18 : i32
    %ge3A_183 = arith.cmpi sge, %reduce_max3A_38, %ge3A_182 : i32
    %and3A_184 = arith.andi %le3A_181, %ge3A_183 : i1
    %convert_element_type3A_185 = arith.extui %and3A_184 : i1 to i32
    %cond3A_186 = arith.constant 0 : i32
    %cond3A_187 = arith.cmpi ne, %convert_element_type3A_185, %cond3A_186 : i32
    scf.if %cond3A_187 {
      %broadcast_in_dim3A_548 = vector.shape_cast %get3A_5 : vector<400xi32> to vector<400x1xi32>
      %eq3A_549 = arith.constant 18 : i32
      %eq3A_550 = vector.broadcast %eq3A_549 : i32 to vector<400x1xi32>
      %eq3A_551 = arith.cmpi eq, %broadcast_in_dim3A_548, %eq3A_550 : vector<400x1xi32>
      %jit3A = arith.constant -1.000000e+30 : f32
      %broadcast_in_dim3A_552 = vector.shape_cast %eq3A_551 : vector<400x1xi1> to vector<400x1xi1>
      %broadcast_in_dim3A_553 = vector.broadcast %broadcast_in_dim3A_552 : vector<400x1xi1> to vector<400x128xi1>
      %broadcast_in_dim3A_554 = vector.broadcast %jit3A : f32 to vector<400x128xf32>
      %select_n3A = arith.select %broadcast_in_dim3A_553, %get3A_8, %broadcast_in_dim3A_554 : vector<400x128xi1>, vector<400x128xf32>
      %get3A_555 = arith.constant 18 : index
      %get3A_556 = arith.constant 0 : index
      %get3A_557 = vector.load %arg4[%get3A_555, %get3A_556] : memref<64x128xf32, #tpu.memory_space<vmem>>, vector<1x128xf32>
      %reduce_max3A_558 = arith.constant dense<0xFF800000> : vector<128xf32>
      %reduce_max3A_559 = vector.multi_reduction <maximumf>, %select_n3A, %reduce_max3A_558 [0] : vector<400x128xf32> to vector<128xf32>
      %broadcast_in_dim3A_560 = vector.shape_cast %reduce_max3A_559 : vector<128xf32> to vector<1x128xf32>
      %max3A = arith.maximumf %get3A_557, %broadcast_in_dim3A_560 : vector<1x128xf32>
      %swap3A_561 = arith.constant 18 : index
      %swap3A_562 = arith.constant 0 : index
      %swap3A_563 = vector.load %arg4[%swap3A_561, %swap3A_562] : memref<64x128xf32, #tpu.memory_space<vmem>>, vector<1x128xf32>
      tpu.vector_store %arg4[%swap3A_561, %swap3A_562], %max3A {strides = array<i32>} : memref<64x128xf32, #tpu.memory_space<vmem>>, vector<1x128xf32>,
    } else {
    }
    %le3A_188 = arith.constant 19 : i32
    %le3A_189 = arith.cmpi sle, %reduce_min3A_34, %le3A_188 : i32
    %ge3A_190 = arith.constant 19 : i32
    %ge3A_191 = arith.cmpi sge, %reduce_max3A_38, %ge3A_190 : i32
    %and3A_192 = arith.andi %le3A_189, %ge3A_191 : i1
    %convert_element_type3A_193 = arith.extui %and3A_192 : i1 to i32
    %cond3A_194 = arith.constant 0 : i32
    %cond3A_195 = arith.cmpi ne, %convert_element_type3A_193, %cond3A_194 : i32
    scf.if %cond3A_195 {
      %broadcast_in_dim3A_548 = vector.shape_cast %get3A_5 : vector<400xi32> to vector<400x1xi32>
      %eq3A_549 = arith.constant 19 : i32
      %eq3A_550 = vector.broadcast %eq3A_549 : i32 to vector<400x1xi32>
      %eq3A_551 = arith.cmpi eq, %broadcast_in_dim3A_548, %eq3A_550 : vector<400x1xi32>
      %jit3A = arith.constant -1.000000e+30 : f32
      %broadcast_in_dim3A_552 = vector.shape_cast %eq3A_551 : vector<400x1xi1> to vector<400x1xi1>
      %broadcast_in_dim3A_553 = vector.broadcast %broadcast_in_dim3A_552 : vector<400x1xi1> to vector<400x128xi1>
      %broadcast_in_dim3A_554 = vector.broadcast %jit3A : f32 to vector<400x128xf32>
      %select_n3A = arith.select %broadcast_in_dim3A_553, %get3A_8, %broadcast_in_dim3A_554 : vector<400x128xi1>, vector<400x128xf32>
      %get3A_555 = arith.constant 19 : index
      %get3A_556 = arith.constant 0 : index
      %get3A_557 = vector.load %arg4[%get3A_555, %get3A_556] : memref<64x128xf32, #tpu.memory_space<vmem>>, vector<1x128xf32>
      %reduce_max3A_558 = arith.constant dense<0xFF800000> : vector<128xf32>
      %reduce_max3A_559 = vector.multi_reduction <maximumf>, %select_n3A, %reduce_max3A_558 [0] : vector<400x128xf32> to vector<128xf32>
      %broadcast_in_dim3A_560 = vector.shape_cast %reduce_max3A_559 : vector<128xf32> to vector<1x128xf32>
      %max3A = arith.maximumf %get3A_557, %broadcast_in_dim3A_560 : vector<1x128xf32>
      %swap3A_561 = arith.constant 19 : index
      %swap3A_562 = arith.constant 0 : index
      %swap3A_563 = vector.load %arg4[%swap3A_561, %swap3A_562] : memref<64x128xf32, #tpu.memory_space<vmem>>, vector<1x128xf32>
      tpu.vector_store %arg4[%swap3A_561, %swap3A_562], %max3A {strides = array<i32>} : memref<64x128xf32, #tpu.memory_space<vmem>>, vector<1x128xf32>,
    } else {
    }
    %le3A_196 = arith.constant 20 : i32
    %le3A_197 = arith.cmpi sle, %reduce_min3A_34, %le3A_196 : i32
    %ge3A_198 = arith.constant 20 : i32
    %ge3A_199 = arith.cmpi sge, %reduce_max3A_38, %ge3A_198 : i32
    %and3A_200 = arith.andi %le3A_197, %ge3A_199 : i1
    %convert_element_type3A_201 = arith.extui %and3A_200 : i1 to i32
    %cond3A_202 = arith.constant 0 : i32
    %cond3A_203 = arith.cmpi ne, %convert_element_type3A_201, %cond3A_202 : i32
    scf.if %cond3A_203 {
      %broadcast_in_dim3A_548 = vector.shape_cast %get3A_5 : vector<400xi32> to vector<400x1xi32>
      %eq3A_549 = arith.constant 20 : i32
      %eq3A_550 = vector.broadcast %eq3A_549 : i32 to vector<400x1xi32>
      %eq3A_551 = arith.cmpi eq, %broadcast_in_dim3A_548, %eq3A_550 : vector<400x1xi32>
      %jit3A = arith.constant -1.000000e+30 : f32
      %broadcast_in_dim3A_552 = vector.shape_cast %eq3A_551 : vector<400x1xi1> to vector<400x1xi1>
      %broadcast_in_dim3A_553 = vector.broadcast %broadcast_in_dim3A_552 : vector<400x1xi1> to vector<400x128xi1>
      %broadcast_in_dim3A_554 = vector.broadcast %jit3A : f32 to vector<400x128xf32>
      %select_n3A = arith.select %broadcast_in_dim3A_553, %get3A_8, %broadcast_in_dim3A_554 : vector<400x128xi1>, vector<400x128xf32>
      %get3A_555 = arith.constant 20 : index
      %get3A_556 = arith.constant 0 : index
      %get3A_557 = vector.load %arg4[%get3A_555, %get3A_556] : memref<64x128xf32, #tpu.memory_space<vmem>>, vector<1x128xf32>
      %reduce_max3A_558 = arith.constant dense<0xFF800000> : vector<128xf32>
      %reduce_max3A_559 = vector.multi_reduction <maximumf>, %select_n3A, %reduce_max3A_558 [0] : vector<400x128xf32> to vector<128xf32>
      %broadcast_in_dim3A_560 = vector.shape_cast %reduce_max3A_559 : vector<128xf32> to vector<1x128xf32>
      %max3A = arith.maximumf %get3A_557, %broadcast_in_dim3A_560 : vector<1x128xf32>
      %swap3A_561 = arith.constant 20 : index
      %swap3A_562 = arith.constant 0 : index
      %swap3A_563 = vector.load %arg4[%swap3A_561, %swap3A_562] : memref<64x128xf32, #tpu.memory_space<vmem>>, vector<1x128xf32>
      tpu.vector_store %arg4[%swap3A_561, %swap3A_562], %max3A {strides = array<i32>} : memref<64x128xf32, #tpu.memory_space<vmem>>, vector<1x128xf32>,
    } else {
    }
    %le3A_204 = arith.constant 21 : i32
    %le3A_205 = arith.cmpi sle, %reduce_min3A_34, %le3A_204 : i32
    %ge3A_206 = arith.constant 21 : i32
    %ge3A_207 = arith.cmpi sge, %reduce_max3A_38, %ge3A_206 : i32
    %and3A_208 = arith.andi %le3A_205, %ge3A_207 : i1
    %convert_element_type3A_209 = arith.extui %and3A_208 : i1 to i32
    %cond3A_210 = arith.constant 0 : i32
    %cond3A_211 = arith.cmpi ne, %convert_element_type3A_209, %cond3A_210 : i32
    scf.if %cond3A_211 {
      %broadcast_in_dim3A_548 = vector.shape_cast %get3A_5 : vector<400xi32> to vector<400x1xi32>
      %eq3A_549 = arith.constant 21 : i32
      %eq3A_550 = vector.broadcast %eq3A_549 : i32 to vector<400x1xi32>
      %eq3A_551 = arith.cmpi eq, %broadcast_in_dim3A_548, %eq3A_550 : vector<400x1xi32>
      %jit3A = arith.constant -1.000000e+30 : f32
      %broadcast_in_dim3A_552 = vector.shape_cast %eq3A_551 : vector<400x1xi1> to vector<400x1xi1>
      %broadcast_in_dim3A_553 = vector.broadcast %broadcast_in_dim3A_552 : vector<400x1xi1> to vector<400x128xi1>
      %broadcast_in_dim3A_554 = vector.broadcast %jit3A : f32 to vector<400x128xf32>
      %select_n3A = arith.select %broadcast_in_dim3A_553, %get3A_8, %broadcast_in_dim3A_554 : vector<400x128xi1>, vector<400x128xf32>
      %get3A_555 = arith.constant 21 : index
      %get3A_556 = arith.constant 0 : index
      %get3A_557 = vector.load %arg4[%get3A_555, %get3A_556] : memref<64x128xf32, #tpu.memory_space<vmem>>, vector<1x128xf32>
      %reduce_max3A_558 = arith.constant dense<0xFF800000> : vector<128xf32>
      %reduce_max3A_559 = vector.multi_reduction <maximumf>, %select_n3A, %reduce_max3A_558 [0] : vector<400x128xf32> to vector<128xf32>
      %broadcast_in_dim3A_560 = vector.shape_cast %reduce_max3A_559 : vector<128xf32> to vector<1x128xf32>
      %max3A = arith.maximumf %get3A_557, %broadcast_in_dim3A_560 : vector<1x128xf32>
      %swap3A_561 = arith.constant 21 : index
      %swap3A_562 = arith.constant 0 : index
      %swap3A_563 = vector.load %arg4[%swap3A_561, %swap3A_562] : memref<64x128xf32, #tpu.memory_space<vmem>>, vector<1x128xf32>
      tpu.vector_store %arg4[%swap3A_561, %swap3A_562], %max3A {strides = array<i32>} : memref<64x128xf32, #tpu.memory_space<vmem>>, vector<1x128xf32>,
    } else {
    }
    %le3A_212 = arith.constant 22 : i32
    %le3A_213 = arith.cmpi sle, %reduce_min3A_34, %le3A_212 : i32
    %ge3A_214 = arith.constant 22 : i32
    %ge3A_215 = arith.cmpi sge, %reduce_max3A_38, %ge3A_214 : i32
    %and3A_216 = arith.andi %le3A_213, %ge3A_215 : i1
    %convert_element_type3A_217 = arith.extui %and3A_216 : i1 to i32
    %cond3A_218 = arith.constant 0 : i32
    %cond3A_219 = arith.cmpi ne, %convert_element_type3A_217, %cond3A_218 : i32
    scf.if %cond3A_219 {
      %broadcast_in_dim3A_548 = vector.shape_cast %get3A_5 : vector<400xi32> to vector<400x1xi32>
      %eq3A_549 = arith.constant 22 : i32
      %eq3A_550 = vector.broadcast %eq3A_549 : i32 to vector<400x1xi32>
      %eq3A_551 = arith.cmpi eq, %broadcast_in_dim3A_548, %eq3A_550 : vector<400x1xi32>
      %jit3A = arith.constant -1.000000e+30 : f32
      %broadcast_in_dim3A_552 = vector.shape_cast %eq3A_551 : vector<400x1xi1> to vector<400x1xi1>
      %broadcast_in_dim3A_553 = vector.broadcast %broadcast_in_dim3A_552 : vector<400x1xi1> to vector<400x128xi1>
      %broadcast_in_dim3A_554 = vector.broadcast %jit3A : f32 to vector<400x128xf32>
      %select_n3A = arith.select %broadcast_in_dim3A_553, %get3A_8, %broadcast_in_dim3A_554 : vector<400x128xi1>, vector<400x128xf32>
      %get3A_555 = arith.constant 22 : index
      %get3A_556 = arith.constant 0 : index
      %get3A_557 = vector.load %arg4[%get3A_555, %get3A_556] : memref<64x128xf32, #tpu.memory_space<vmem>>, vector<1x128xf32>
      %reduce_max3A_558 = arith.constant dense<0xFF800000> : vector<128xf32>
      %reduce_max3A_559 = vector.multi_reduction <maximumf>, %select_n3A, %reduce_max3A_558 [0] : vector<400x128xf32> to vector<128xf32>
      %broadcast_in_dim3A_560 = vector.shape_cast %reduce_max3A_559 : vector<128xf32> to vector<1x128xf32>
      %max3A = arith.maximumf %get3A_557, %broadcast_in_dim3A_560 : vector<1x128xf32>
      %swap3A_561 = arith.constant 22 : index
      %swap3A_562 = arith.constant 0 : index
      %swap3A_563 = vector.load %arg4[%swap3A_561, %swap3A_562] : memref<64x128xf32, #tpu.memory_space<vmem>>, vector<1x128xf32>
      tpu.vector_store %arg4[%swap3A_561, %swap3A_562], %max3A {strides = array<i32>} : memref<64x128xf32, #tpu.memory_space<vmem>>, vector<1x128xf32>,
    } else {
    }
    %le3A_220 = arith.constant 23 : i32
    %le3A_221 = arith.cmpi sle, %reduce_min3A_34, %le3A_220 : i32
    %ge3A_222 = arith.constant 23 : i32
    %ge3A_223 = arith.cmpi sge, %reduce_max3A_38, %ge3A_222 : i32
    %and3A_224 = arith.andi %le3A_221, %ge3A_223 : i1
    %convert_element_type3A_225 = arith.extui %and3A_224 : i1 to i32
    %cond3A_226 = arith.constant 0 : i32
    %cond3A_227 = arith.cmpi ne, %convert_element_type3A_225, %cond3A_226 : i32
    scf.if %cond3A_227 {
      %broadcast_in_dim3A_548 = vector.shape_cast %get3A_5 : vector<400xi32> to vector<400x1xi32>
      %eq3A_549 = arith.constant 23 : i32
      %eq3A_550 = vector.broadcast %eq3A_549 : i32 to vector<400x1xi32>
      %eq3A_551 = arith.cmpi eq, %broadcast_in_dim3A_548, %eq3A_550 : vector<400x1xi32>
      %jit3A = arith.constant -1.000000e+30 : f32
      %broadcast_in_dim3A_552 = vector.shape_cast %eq3A_551 : vector<400x1xi1> to vector<400x1xi1>
      %broadcast_in_dim3A_553 = vector.broadcast %broadcast_in_dim3A_552 : vector<400x1xi1> to vector<400x128xi1>
      %broadcast_in_dim3A_554 = vector.broadcast %jit3A : f32 to vector<400x128xf32>
      %select_n3A = arith.select %broadcast_in_dim3A_553, %get3A_8, %broadcast_in_dim3A_554 : vector<400x128xi1>, vector<400x128xf32>
      %get3A_555 = arith.constant 23 : index
      %get3A_556 = arith.constant 0 : index
      %get3A_557 = vector.load %arg4[%get3A_555, %get3A_556] : memref<64x128xf32, #tpu.memory_space<vmem>>, vector<1x128xf32>
      %reduce_max3A_558 = arith.constant dense<0xFF800000> : vector<128xf32>
      %reduce_max3A_559 = vector.multi_reduction <maximumf>, %select_n3A, %reduce_max3A_558 [0] : vector<400x128xf32> to vector<128xf32>
      %broadcast_in_dim3A_560 = vector.shape_cast %reduce_max3A_559 : vector<128xf32> to vector<1x128xf32>
      %max3A = arith.maximumf %get3A_557, %broadcast_in_dim3A_560 : vector<1x128xf32>
      %swap3A_561 = arith.constant 23 : index
      %swap3A_562 = arith.constant 0 : index
      %swap3A_563 = vector.load %arg4[%swap3A_561, %swap3A_562] : memref<64x128xf32, #tpu.memory_space<vmem>>, vector<1x128xf32>
      tpu.vector_store %arg4[%swap3A_561, %swap3A_562], %max3A {strides = array<i32>} : memref<64x128xf32, #tpu.memory_space<vmem>>, vector<1x128xf32>,
    } else {
    }
    %le3A_228 = arith.constant 24 : i32
    %le3A_229 = arith.cmpi sle, %reduce_min3A_34, %le3A_228 : i32
    %ge3A_230 = arith.constant 24 : i32
    %ge3A_231 = arith.cmpi sge, %reduce_max3A_38, %ge3A_230 : i32
    %and3A_232 = arith.andi %le3A_229, %ge3A_231 : i1
    %convert_element_type3A_233 = arith.extui %and3A_232 : i1 to i32
    %cond3A_234 = arith.constant 0 : i32
    %cond3A_235 = arith.cmpi ne, %convert_element_type3A_233, %cond3A_234 : i32
    scf.if %cond3A_235 {
      %broadcast_in_dim3A_548 = vector.shape_cast %get3A_5 : vector<400xi32> to vector<400x1xi32>
      %eq3A_549 = arith.constant 24 : i32
      %eq3A_550 = vector.broadcast %eq3A_549 : i32 to vector<400x1xi32>
      %eq3A_551 = arith.cmpi eq, %broadcast_in_dim3A_548, %eq3A_550 : vector<400x1xi32>
      %jit3A = arith.constant -1.000000e+30 : f32
      %broadcast_in_dim3A_552 = vector.shape_cast %eq3A_551 : vector<400x1xi1> to vector<400x1xi1>
      %broadcast_in_dim3A_553 = vector.broadcast %broadcast_in_dim3A_552 : vector<400x1xi1> to vector<400x128xi1>
      %broadcast_in_dim3A_554 = vector.broadcast %jit3A : f32 to vector<400x128xf32>
      %select_n3A = arith.select %broadcast_in_dim3A_553, %get3A_8, %broadcast_in_dim3A_554 : vector<400x128xi1>, vector<400x128xf32>
      %get3A_555 = arith.constant 24 : index
      %get3A_556 = arith.constant 0 : index
      %get3A_557 = vector.load %arg4[%get3A_555, %get3A_556] : memref<64x128xf32, #tpu.memory_space<vmem>>, vector<1x128xf32>
      %reduce_max3A_558 = arith.constant dense<0xFF800000> : vector<128xf32>
      %reduce_max3A_559 = vector.multi_reduction <maximumf>, %select_n3A, %reduce_max3A_558 [0] : vector<400x128xf32> to vector<128xf32>
      %broadcast_in_dim3A_560 = vector.shape_cast %reduce_max3A_559 : vector<128xf32> to vector<1x128xf32>
      %max3A = arith.maximumf %get3A_557, %broadcast_in_dim3A_560 : vector<1x128xf32>
      %swap3A_561 = arith.constant 24 : index
      %swap3A_562 = arith.constant 0 : index
      %swap3A_563 = vector.load %arg4[%swap3A_561, %swap3A_562] : memref<64x128xf32, #tpu.memory_space<vmem>>, vector<1x128xf32>
      tpu.vector_store %arg4[%swap3A_561, %swap3A_562], %max3A {strides = array<i32>} : memref<64x128xf32, #tpu.memory_space<vmem>>, vector<1x128xf32>,
    } else {
    }
    %le3A_236 = arith.constant 25 : i32
    %le3A_237 = arith.cmpi sle, %reduce_min3A_34, %le3A_236 : i32
    %ge3A_238 = arith.constant 25 : i32
    %ge3A_239 = arith.cmpi sge, %reduce_max3A_38, %ge3A_238 : i32
    %and3A_240 = arith.andi %le3A_237, %ge3A_239 : i1
    %convert_element_type3A_241 = arith.extui %and3A_240 : i1 to i32
    %cond3A_242 = arith.constant 0 : i32
    %cond3A_243 = arith.cmpi ne, %convert_element_type3A_241, %cond3A_242 : i32
    scf.if %cond3A_243 {
      %broadcast_in_dim3A_548 = vector.shape_cast %get3A_5 : vector<400xi32> to vector<400x1xi32>
      %eq3A_549 = arith.constant 25 : i32
      %eq3A_550 = vector.broadcast %eq3A_549 : i32 to vector<400x1xi32>
      %eq3A_551 = arith.cmpi eq, %broadcast_in_dim3A_548, %eq3A_550 : vector<400x1xi32>
      %jit3A = arith.constant -1.000000e+30 : f32
      %broadcast_in_dim3A_552 = vector.shape_cast %eq3A_551 : vector<400x1xi1> to vector<400x1xi1>
      %broadcast_in_dim3A_553 = vector.broadcast %broadcast_in_dim3A_552 : vector<400x1xi1> to vector<400x128xi1>
      %broadcast_in_dim3A_554 = vector.broadcast %jit3A : f32 to vector<400x128xf32>
      %select_n3A = arith.select %broadcast_in_dim3A_553, %get3A_8, %broadcast_in_dim3A_554 : vector<400x128xi1>, vector<400x128xf32>
      %get3A_555 = arith.constant 25 : index
      %get3A_556 = arith.constant 0 : index
      %get3A_557 = vector.load %arg4[%get3A_555, %get3A_556] : memref<64x128xf32, #tpu.memory_space<vmem>>, vector<1x128xf32>
      %reduce_max3A_558 = arith.constant dense<0xFF800000> : vector<128xf32>
      %reduce_max3A_559 = vector.multi_reduction <maximumf>, %select_n3A, %reduce_max3A_558 [0] : vector<400x128xf32> to vector<128xf32>
      %broadcast_in_dim3A_560 = vector.shape_cast %reduce_max3A_559 : vector<128xf32> to vector<1x128xf32>
      %max3A = arith.maximumf %get3A_557, %broadcast_in_dim3A_560 : vector<1x128xf32>
      %swap3A_561 = arith.constant 25 : index
      %swap3A_562 = arith.constant 0 : index
      %swap3A_563 = vector.load %arg4[%swap3A_561, %swap3A_562] : memref<64x128xf32, #tpu.memory_space<vmem>>, vector<1x128xf32>
      tpu.vector_store %arg4[%swap3A_561, %swap3A_562], %max3A {strides = array<i32>} : memref<64x128xf32, #tpu.memory_space<vmem>>, vector<1x128xf32>,
    } else {
    }
    %le3A_244 = arith.constant 26 : i32
    %le3A_245 = arith.cmpi sle, %reduce_min3A_34, %le3A_244 : i32
    %ge3A_246 = arith.constant 26 : i32
    %ge3A_247 = arith.cmpi sge, %reduce_max3A_38, %ge3A_246 : i32
    %and3A_248 = arith.andi %le3A_245, %ge3A_247 : i1
    %convert_element_type3A_249 = arith.extui %and3A_248 : i1 to i32
    %cond3A_250 = arith.constant 0 : i32
    %cond3A_251 = arith.cmpi ne, %convert_element_type3A_249, %cond3A_250 : i32
    scf.if %cond3A_251 {
      %broadcast_in_dim3A_548 = vector.shape_cast %get3A_5 : vector<400xi32> to vector<400x1xi32>
      %eq3A_549 = arith.constant 26 : i32
      %eq3A_550 = vector.broadcast %eq3A_549 : i32 to vector<400x1xi32>
      %eq3A_551 = arith.cmpi eq, %broadcast_in_dim3A_548, %eq3A_550 : vector<400x1xi32>
      %jit3A = arith.constant -1.000000e+30 : f32
      %broadcast_in_dim3A_552 = vector.shape_cast %eq3A_551 : vector<400x1xi1> to vector<400x1xi1>
      %broadcast_in_dim3A_553 = vector.broadcast %broadcast_in_dim3A_552 : vector<400x1xi1> to vector<400x128xi1>
      %broadcast_in_dim3A_554 = vector.broadcast %jit3A : f32 to vector<400x128xf32>
      %select_n3A = arith.select %broadcast_in_dim3A_553, %get3A_8, %broadcast_in_dim3A_554 : vector<400x128xi1>, vector<400x128xf32>
      %get3A_555 = arith.constant 26 : index
      %get3A_556 = arith.constant 0 : index
      %get3A_557 = vector.load %arg4[%get3A_555, %get3A_556] : memref<64x128xf32, #tpu.memory_space<vmem>>, vector<1x128xf32>
      %reduce_max3A_558 = arith.constant dense<0xFF800000> : vector<128xf32>
      %reduce_max3A_559 = vector.multi_reduction <maximumf>, %select_n3A, %reduce_max3A_558 [0] : vector<400x128xf32> to vector<128xf32>
      %broadcast_in_dim3A_560 = vector.shape_cast %reduce_max3A_559 : vector<128xf32> to vector<1x128xf32>
      %max3A = arith.maximumf %get3A_557, %broadcast_in_dim3A_560 : vector<1x128xf32>
      %swap3A_561 = arith.constant 26 : index
      %swap3A_562 = arith.constant 0 : index
      %swap3A_563 = vector.load %arg4[%swap3A_561, %swap3A_562] : memref<64x128xf32, #tpu.memory_space<vmem>>, vector<1x128xf32>
      tpu.vector_store %arg4[%swap3A_561, %swap3A_562], %max3A {strides = array<i32>} : memref<64x128xf32, #tpu.memory_space<vmem>>, vector<1x128xf32>,
    } else {
    }
    %le3A_252 = arith.constant 27 : i32
    %le3A_253 = arith.cmpi sle, %reduce_min3A_34, %le3A_252 : i32
    %ge3A_254 = arith.constant 27 : i32
    %ge3A_255 = arith.cmpi sge, %reduce_max3A_38, %ge3A_254 : i32
    %and3A_256 = arith.andi %le3A_253, %ge3A_255 : i1
    %convert_element_type3A_257 = arith.extui %and3A_256 : i1 to i32
    %cond3A_258 = arith.constant 0 : i32
    %cond3A_259 = arith.cmpi ne, %convert_element_type3A_257, %cond3A_258 : i32
    scf.if %cond3A_259 {
      %broadcast_in_dim3A_548 = vector.shape_cast %get3A_5 : vector<400xi32> to vector<400x1xi32>
      %eq3A_549 = arith.constant 27 : i32
      %eq3A_550 = vector.broadcast %eq3A_549 : i32 to vector<400x1xi32>
      %eq3A_551 = arith.cmpi eq, %broadcast_in_dim3A_548, %eq3A_550 : vector<400x1xi32>
      %jit3A = arith.constant -1.000000e+30 : f32
      %broadcast_in_dim3A_552 = vector.shape_cast %eq3A_551 : vector<400x1xi1> to vector<400x1xi1>
      %broadcast_in_dim3A_553 = vector.broadcast %broadcast_in_dim3A_552 : vector<400x1xi1> to vector<400x128xi1>
      %broadcast_in_dim3A_554 = vector.broadcast %jit3A : f32 to vector<400x128xf32>
      %select_n3A = arith.select %broadcast_in_dim3A_553, %get3A_8, %broadcast_in_dim3A_554 : vector<400x128xi1>, vector<400x128xf32>
      %get3A_555 = arith.constant 27 : index
      %get3A_556 = arith.constant 0 : index
      %get3A_557 = vector.load %arg4[%get3A_555, %get3A_556] : memref<64x128xf32, #tpu.memory_space<vmem>>, vector<1x128xf32>
      %reduce_max3A_558 = arith.constant dense<0xFF800000> : vector<128xf32>
      %reduce_max3A_559 = vector.multi_reduction <maximumf>, %select_n3A, %reduce_max3A_558 [0] : vector<400x128xf32> to vector<128xf32>
      %broadcast_in_dim3A_560 = vector.shape_cast %reduce_max3A_559 : vector<128xf32> to vector<1x128xf32>
      %max3A = arith.maximumf %get3A_557, %broadcast_in_dim3A_560 : vector<1x128xf32>
      %swap3A_561 = arith.constant 27 : index
      %swap3A_562 = arith.constant 0 : index
      %swap3A_563 = vector.load %arg4[%swap3A_561, %swap3A_562] : memref<64x128xf32, #tpu.memory_space<vmem>>, vector<1x128xf32>
      tpu.vector_store %arg4[%swap3A_561, %swap3A_562], %max3A {strides = array<i32>} : memref<64x128xf32, #tpu.memory_space<vmem>>, vector<1x128xf32>,
    } else {
    }
    %le3A_260 = arith.constant 28 : i32
    %le3A_261 = arith.cmpi sle, %reduce_min3A_34, %le3A_260 : i32
    %ge3A_262 = arith.constant 28 : i32
    %ge3A_263 = arith.cmpi sge, %reduce_max3A_38, %ge3A_262 : i32
    %and3A_264 = arith.andi %le3A_261, %ge3A_263 : i1
    %convert_element_type3A_265 = arith.extui %and3A_264 : i1 to i32
    %cond3A_266 = arith.constant 0 : i32
    %cond3A_267 = arith.cmpi ne, %convert_element_type3A_265, %cond3A_266 : i32
    scf.if %cond3A_267 {
      %broadcast_in_dim3A_548 = vector.shape_cast %get3A_5 : vector<400xi32> to vector<400x1xi32>
      %eq3A_549 = arith.constant 28 : i32
      %eq3A_550 = vector.broadcast %eq3A_549 : i32 to vector<400x1xi32>
      %eq3A_551 = arith.cmpi eq, %broadcast_in_dim3A_548, %eq3A_550 : vector<400x1xi32>
      %jit3A = arith.constant -1.000000e+30 : f32
      %broadcast_in_dim3A_552 = vector.shape_cast %eq3A_551 : vector<400x1xi1> to vector<400x1xi1>
      %broadcast_in_dim3A_553 = vector.broadcast %broadcast_in_dim3A_552 : vector<400x1xi1> to vector<400x128xi1>
      %broadcast_in_dim3A_554 = vector.broadcast %jit3A : f32 to vector<400x128xf32>
      %select_n3A = arith.select %broadcast_in_dim3A_553, %get3A_8, %broadcast_in_dim3A_554 : vector<400x128xi1>, vector<400x128xf32>
      %get3A_555 = arith.constant 28 : index
      %get3A_556 = arith.constant 0 : index
      %get3A_557 = vector.load %arg4[%get3A_555, %get3A_556] : memref<64x128xf32, #tpu.memory_space<vmem>>, vector<1x128xf32>
      %reduce_max3A_558 = arith.constant dense<0xFF800000> : vector<128xf32>
      %reduce_max3A_559 = vector.multi_reduction <maximumf>, %select_n3A, %reduce_max3A_558 [0] : vector<400x128xf32> to vector<128xf32>
      %broadcast_in_dim3A_560 = vector.shape_cast %reduce_max3A_559 : vector<128xf32> to vector<1x128xf32>
      %max3A = arith.maximumf %get3A_557, %broadcast_in_dim3A_560 : vector<1x128xf32>
      %swap3A_561 = arith.constant 28 : index
      %swap3A_562 = arith.constant 0 : index
      %swap3A_563 = vector.load %arg4[%swap3A_561, %swap3A_562] : memref<64x128xf32, #tpu.memory_space<vmem>>, vector<1x128xf32>
      tpu.vector_store %arg4[%swap3A_561, %swap3A_562], %max3A {strides = array<i32>} : memref<64x128xf32, #tpu.memory_space<vmem>>, vector<1x128xf32>,
    } else {
    }
    %le3A_268 = arith.constant 29 : i32
    %le3A_269 = arith.cmpi sle, %reduce_min3A_34, %le3A_268 : i32
    %ge3A_270 = arith.constant 29 : i32
    %ge3A_271 = arith.cmpi sge, %reduce_max3A_38, %ge3A_270 : i32
    %and3A_272 = arith.andi %le3A_269, %ge3A_271 : i1
    %convert_element_type3A_273 = arith.extui %and3A_272 : i1 to i32
    %cond3A_274 = arith.constant 0 : i32
    %cond3A_275 = arith.cmpi ne, %convert_element_type3A_273, %cond3A_274 : i32
    scf.if %cond3A_275 {
      %broadcast_in_dim3A_548 = vector.shape_cast %get3A_5 : vector<400xi32> to vector<400x1xi32>
      %eq3A_549 = arith.constant 29 : i32
      %eq3A_550 = vector.broadcast %eq3A_549 : i32 to vector<400x1xi32>
      %eq3A_551 = arith.cmpi eq, %broadcast_in_dim3A_548, %eq3A_550 : vector<400x1xi32>
      %jit3A = arith.constant -1.000000e+30 : f32
      %broadcast_in_dim3A_552 = vector.shape_cast %eq3A_551 : vector<400x1xi1> to vector<400x1xi1>
      %broadcast_in_dim3A_553 = vector.broadcast %broadcast_in_dim3A_552 : vector<400x1xi1> to vector<400x128xi1>
      %broadcast_in_dim3A_554 = vector.broadcast %jit3A : f32 to vector<400x128xf32>
      %select_n3A = arith.select %broadcast_in_dim3A_553, %get3A_8, %broadcast_in_dim3A_554 : vector<400x128xi1>, vector<400x128xf32>
      %get3A_555 = arith.constant 29 : index
      %get3A_556 = arith.constant 0 : index
      %get3A_557 = vector.load %arg4[%get3A_555, %get3A_556] : memref<64x128xf32, #tpu.memory_space<vmem>>, vector<1x128xf32>
      %reduce_max3A_558 = arith.constant dense<0xFF800000> : vector<128xf32>
      %reduce_max3A_559 = vector.multi_reduction <maximumf>, %select_n3A, %reduce_max3A_558 [0] : vector<400x128xf32> to vector<128xf32>
      %broadcast_in_dim3A_560 = vector.shape_cast %reduce_max3A_559 : vector<128xf32> to vector<1x128xf32>
      %max3A = arith.maximumf %get3A_557, %broadcast_in_dim3A_560 : vector<1x128xf32>
      %swap3A_561 = arith.constant 29 : index
      %swap3A_562 = arith.constant 0 : index
      %swap3A_563 = vector.load %arg4[%swap3A_561, %swap3A_562] : memref<64x128xf32, #tpu.memory_space<vmem>>, vector<1x128xf32>
      tpu.vector_store %arg4[%swap3A_561, %swap3A_562], %max3A {strides = array<i32>} : memref<64x128xf32, #tpu.memory_space<vmem>>, vector<1x128xf32>,
    } else {
    }
    %le3A_276 = arith.constant 30 : i32
    %le3A_277 = arith.cmpi sle, %reduce_min3A_34, %le3A_276 : i32
    %ge3A_278 = arith.constant 30 : i32
    %ge3A_279 = arith.cmpi sge, %reduce_max3A_38, %ge3A_278 : i32
    %and3A_280 = arith.andi %le3A_277, %ge3A_279 : i1
    %convert_element_type3A_281 = arith.extui %and3A_280 : i1 to i32
    %cond3A_282 = arith.constant 0 : i32
    %cond3A_283 = arith.cmpi ne, %convert_element_type3A_281, %cond3A_282 : i32
    scf.if %cond3A_283 {
      %broadcast_in_dim3A_548 = vector.shape_cast %get3A_5 : vector<400xi32> to vector<400x1xi32>
      %eq3A_549 = arith.constant 30 : i32
      %eq3A_550 = vector.broadcast %eq3A_549 : i32 to vector<400x1xi32>
      %eq3A_551 = arith.cmpi eq, %broadcast_in_dim3A_548, %eq3A_550 : vector<400x1xi32>
      %jit3A = arith.constant -1.000000e+30 : f32
      %broadcast_in_dim3A_552 = vector.shape_cast %eq3A_551 : vector<400x1xi1> to vector<400x1xi1>
      %broadcast_in_dim3A_553 = vector.broadcast %broadcast_in_dim3A_552 : vector<400x1xi1> to vector<400x128xi1>
      %broadcast_in_dim3A_554 = vector.broadcast %jit3A : f32 to vector<400x128xf32>
      %select_n3A = arith.select %broadcast_in_dim3A_553, %get3A_8, %broadcast_in_dim3A_554 : vector<400x128xi1>, vector<400x128xf32>
      %get3A_555 = arith.constant 30 : index
      %get3A_556 = arith.constant 0 : index
      %get3A_557 = vector.load %arg4[%get3A_555, %get3A_556] : memref<64x128xf32, #tpu.memory_space<vmem>>, vector<1x128xf32>
      %reduce_max3A_558 = arith.constant dense<0xFF800000> : vector<128xf32>
      %reduce_max3A_559 = vector.multi_reduction <maximumf>, %select_n3A, %reduce_max3A_558 [0] : vector<400x128xf32> to vector<128xf32>
      %broadcast_in_dim3A_560 = vector.shape_cast %reduce_max3A_559 : vector<128xf32> to vector<1x128xf32>
      %max3A = arith.maximumf %get3A_557, %broadcast_in_dim3A_560 : vector<1x128xf32>
      %swap3A_561 = arith.constant 30 : index
      %swap3A_562 = arith.constant 0 : index
      %swap3A_563 = vector.load %arg4[%swap3A_561, %swap3A_562] : memref<64x128xf32, #tpu.memory_space<vmem>>, vector<1x128xf32>
      tpu.vector_store %arg4[%swap3A_561, %swap3A_562], %max3A {strides = array<i32>} : memref<64x128xf32, #tpu.memory_space<vmem>>, vector<1x128xf32>,
    } else {
    }
    %le3A_284 = arith.constant 31 : i32
    %le3A_285 = arith.cmpi sle, %reduce_min3A_34, %le3A_284 : i32
    %ge3A_286 = arith.constant 31 : i32
    %ge3A_287 = arith.cmpi sge, %reduce_max3A_38, %ge3A_286 : i32
    %and3A_288 = arith.andi %le3A_285, %ge3A_287 : i1
    %convert_element_type3A_289 = arith.extui %and3A_288 : i1 to i32
    %cond3A_290 = arith.constant 0 : i32
    %cond3A_291 = arith.cmpi ne, %convert_element_type3A_289, %cond3A_290 : i32
    scf.if %cond3A_291 {
      %broadcast_in_dim3A_548 = vector.shape_cast %get3A_5 : vector<400xi32> to vector<400x1xi32>
      %eq3A_549 = arith.constant 31 : i32
      %eq3A_550 = vector.broadcast %eq3A_549 : i32 to vector<400x1xi32>
      %eq3A_551 = arith.cmpi eq, %broadcast_in_dim3A_548, %eq3A_550 : vector<400x1xi32>
      %jit3A = arith.constant -1.000000e+30 : f32
      %broadcast_in_dim3A_552 = vector.shape_cast %eq3A_551 : vector<400x1xi1> to vector<400x1xi1>
      %broadcast_in_dim3A_553 = vector.broadcast %broadcast_in_dim3A_552 : vector<400x1xi1> to vector<400x128xi1>
      %broadcast_in_dim3A_554 = vector.broadcast %jit3A : f32 to vector<400x128xf32>
      %select_n3A = arith.select %broadcast_in_dim3A_553, %get3A_8, %broadcast_in_dim3A_554 : vector<400x128xi1>, vector<400x128xf32>
      %get3A_555 = arith.constant 31 : index
      %get3A_556 = arith.constant 0 : index
      %get3A_557 = vector.load %arg4[%get3A_555, %get3A_556] : memref<64x128xf32, #tpu.memory_space<vmem>>, vector<1x128xf32>
      %reduce_max3A_558 = arith.constant dense<0xFF800000> : vector<128xf32>
      %reduce_max3A_559 = vector.multi_reduction <maximumf>, %select_n3A, %reduce_max3A_558 [0] : vector<400x128xf32> to vector<128xf32>
      %broadcast_in_dim3A_560 = vector.shape_cast %reduce_max3A_559 : vector<128xf32> to vector<1x128xf32>
      %max3A = arith.maximumf %get3A_557, %broadcast_in_dim3A_560 : vector<1x128xf32>
      %swap3A_561 = arith.constant 31 : index
      %swap3A_562 = arith.constant 0 : index
      %swap3A_563 = vector.load %arg4[%swap3A_561, %swap3A_562] : memref<64x128xf32, #tpu.memory_space<vmem>>, vector<1x128xf32>
      tpu.vector_store %arg4[%swap3A_561, %swap3A_562], %max3A {strides = array<i32>} : memref<64x128xf32, #tpu.memory_space<vmem>>, vector<1x128xf32>,
    } else {
    }
    %le3A_292 = arith.constant 32 : i32
    %le3A_293 = arith.cmpi sle, %reduce_min3A_34, %le3A_292 : i32
    %ge3A_294 = arith.constant 32 : i32
    %ge3A_295 = arith.cmpi sge, %reduce_max3A_38, %ge3A_294 : i32
    %and3A_296 = arith.andi %le3A_293, %ge3A_295 : i1
    %convert_element_type3A_297 = arith.extui %and3A_296 : i1 to i32
    %cond3A_298 = arith.constant 0 : i32
    %cond3A_299 = arith.cmpi ne, %convert_element_type3A_297, %cond3A_298 : i32
    scf.if %cond3A_299 {
      %broadcast_in_dim3A_548 = vector.shape_cast %get3A_5 : vector<400xi32> to vector<400x1xi32>
      %eq3A_549 = arith.constant 32 : i32
      %eq3A_550 = vector.broadcast %eq3A_549 : i32 to vector<400x1xi32>
      %eq3A_551 = arith.cmpi eq, %broadcast_in_dim3A_548, %eq3A_550 : vector<400x1xi32>
      %jit3A = arith.constant -1.000000e+30 : f32
      %broadcast_in_dim3A_552 = vector.shape_cast %eq3A_551 : vector<400x1xi1> to vector<400x1xi1>
      %broadcast_in_dim3A_553 = vector.broadcast %broadcast_in_dim3A_552 : vector<400x1xi1> to vector<400x128xi1>
      %broadcast_in_dim3A_554 = vector.broadcast %jit3A : f32 to vector<400x128xf32>
      %select_n3A = arith.select %broadcast_in_dim3A_553, %get3A_8, %broadcast_in_dim3A_554 : vector<400x128xi1>, vector<400x128xf32>
      %get3A_555 = arith.constant 32 : index
      %get3A_556 = arith.constant 0 : index
      %get3A_557 = vector.load %arg4[%get3A_555, %get3A_556] : memref<64x128xf32, #tpu.memory_space<vmem>>, vector<1x128xf32>
      %reduce_max3A_558 = arith.constant dense<0xFF800000> : vector<128xf32>
      %reduce_max3A_559 = vector.multi_reduction <maximumf>, %select_n3A, %reduce_max3A_558 [0] : vector<400x128xf32> to vector<128xf32>
      %broadcast_in_dim3A_560 = vector.shape_cast %reduce_max3A_559 : vector<128xf32> to vector<1x128xf32>
      %max3A = arith.maximumf %get3A_557, %broadcast_in_dim3A_560 : vector<1x128xf32>
      %swap3A_561 = arith.constant 32 : index
      %swap3A_562 = arith.constant 0 : index
      %swap3A_563 = vector.load %arg4[%swap3A_561, %swap3A_562] : memref<64x128xf32, #tpu.memory_space<vmem>>, vector<1x128xf32>
      tpu.vector_store %arg4[%swap3A_561, %swap3A_562], %max3A {strides = array<i32>} : memref<64x128xf32, #tpu.memory_space<vmem>>, vector<1x128xf32>,
    } else {
    }
    %le3A_300 = arith.constant 33 : i32
    %le3A_301 = arith.cmpi sle, %reduce_min3A_34, %le3A_300 : i32
    %ge3A_302 = arith.constant 33 : i32
    %ge3A_303 = arith.cmpi sge, %reduce_max3A_38, %ge3A_302 : i32
    %and3A_304 = arith.andi %le3A_301, %ge3A_303 : i1
    %convert_element_type3A_305 = arith.extui %and3A_304 : i1 to i32
    %cond3A_306 = arith.constant 0 : i32
    %cond3A_307 = arith.cmpi ne, %convert_element_type3A_305, %cond3A_306 : i32
    scf.if %cond3A_307 {
      %broadcast_in_dim3A_548 = vector.shape_cast %get3A_5 : vector<400xi32> to vector<400x1xi32>
      %eq3A_549 = arith.constant 33 : i32
      %eq3A_550 = vector.broadcast %eq3A_549 : i32 to vector<400x1xi32>
      %eq3A_551 = arith.cmpi eq, %broadcast_in_dim3A_548, %eq3A_550 : vector<400x1xi32>
      %jit3A = arith.constant -1.000000e+30 : f32
      %broadcast_in_dim3A_552 = vector.shape_cast %eq3A_551 : vector<400x1xi1> to vector<400x1xi1>
      %broadcast_in_dim3A_553 = vector.broadcast %broadcast_in_dim3A_552 : vector<400x1xi1> to vector<400x128xi1>
      %broadcast_in_dim3A_554 = vector.broadcast %jit3A : f32 to vector<400x128xf32>
      %select_n3A = arith.select %broadcast_in_dim3A_553, %get3A_8, %broadcast_in_dim3A_554 : vector<400x128xi1>, vector<400x128xf32>
      %get3A_555 = arith.constant 33 : index
      %get3A_556 = arith.constant 0 : index
      %get3A_557 = vector.load %arg4[%get3A_555, %get3A_556] : memref<64x128xf32, #tpu.memory_space<vmem>>, vector<1x128xf32>
      %reduce_max3A_558 = arith.constant dense<0xFF800000> : vector<128xf32>
      %reduce_max3A_559 = vector.multi_reduction <maximumf>, %select_n3A, %reduce_max3A_558 [0] : vector<400x128xf32> to vector<128xf32>
      %broadcast_in_dim3A_560 = vector.shape_cast %reduce_max3A_559 : vector<128xf32> to vector<1x128xf32>
      %max3A = arith.maximumf %get3A_557, %broadcast_in_dim3A_560 : vector<1x128xf32>
      %swap3A_561 = arith.constant 33 : index
      %swap3A_562 = arith.constant 0 : index
      %swap3A_563 = vector.load %arg4[%swap3A_561, %swap3A_562] : memref<64x128xf32, #tpu.memory_space<vmem>>, vector<1x128xf32>
      tpu.vector_store %arg4[%swap3A_561, %swap3A_562], %max3A {strides = array<i32>} : memref<64x128xf32, #tpu.memory_space<vmem>>, vector<1x128xf32>,
    } else {
    }
    %le3A_308 = arith.constant 34 : i32
    %le3A_309 = arith.cmpi sle, %reduce_min3A_34, %le3A_308 : i32
    %ge3A_310 = arith.constant 34 : i32
    %ge3A_311 = arith.cmpi sge, %reduce_max3A_38, %ge3A_310 : i32
    %and3A_312 = arith.andi %le3A_309, %ge3A_311 : i1
    %convert_element_type3A_313 = arith.extui %and3A_312 : i1 to i32
    %cond3A_314 = arith.constant 0 : i32
    %cond3A_315 = arith.cmpi ne, %convert_element_type3A_313, %cond3A_314 : i32
    scf.if %cond3A_315 {
      %broadcast_in_dim3A_548 = vector.shape_cast %get3A_5 : vector<400xi32> to vector<400x1xi32>
      %eq3A_549 = arith.constant 34 : i32
      %eq3A_550 = vector.broadcast %eq3A_549 : i32 to vector<400x1xi32>
      %eq3A_551 = arith.cmpi eq, %broadcast_in_dim3A_548, %eq3A_550 : vector<400x1xi32>
      %jit3A = arith.constant -1.000000e+30 : f32
      %broadcast_in_dim3A_552 = vector.shape_cast %eq3A_551 : vector<400x1xi1> to vector<400x1xi1>
      %broadcast_in_dim3A_553 = vector.broadcast %broadcast_in_dim3A_552 : vector<400x1xi1> to vector<400x128xi1>
      %broadcast_in_dim3A_554 = vector.broadcast %jit3A : f32 to vector<400x128xf32>
      %select_n3A = arith.select %broadcast_in_dim3A_553, %get3A_8, %broadcast_in_dim3A_554 : vector<400x128xi1>, vector<400x128xf32>
      %get3A_555 = arith.constant 34 : index
      %get3A_556 = arith.constant 0 : index
      %get3A_557 = vector.load %arg4[%get3A_555, %get3A_556] : memref<64x128xf32, #tpu.memory_space<vmem>>, vector<1x128xf32>
      %reduce_max3A_558 = arith.constant dense<0xFF800000> : vector<128xf32>
      %reduce_max3A_559 = vector.multi_reduction <maximumf>, %select_n3A, %reduce_max3A_558 [0] : vector<400x128xf32> to vector<128xf32>
      %broadcast_in_dim3A_560 = vector.shape_cast %reduce_max3A_559 : vector<128xf32> to vector<1x128xf32>
      %max3A = arith.maximumf %get3A_557, %broadcast_in_dim3A_560 : vector<1x128xf32>
      %swap3A_561 = arith.constant 34 : index
      %swap3A_562 = arith.constant 0 : index
      %swap3A_563 = vector.load %arg4[%swap3A_561, %swap3A_562] : memref<64x128xf32, #tpu.memory_space<vmem>>, vector<1x128xf32>
      tpu.vector_store %arg4[%swap3A_561, %swap3A_562], %max3A {strides = array<i32>} : memref<64x128xf32, #tpu.memory_space<vmem>>, vector<1x128xf32>,
    } else {
    }
    %le3A_316 = arith.constant 35 : i32
    %le3A_317 = arith.cmpi sle, %reduce_min3A_34, %le3A_316 : i32
    %ge3A_318 = arith.constant 35 : i32
    %ge3A_319 = arith.cmpi sge, %reduce_max3A_38, %ge3A_318 : i32
    %and3A_320 = arith.andi %le3A_317, %ge3A_319 : i1
    %convert_element_type3A_321 = arith.extui %and3A_320 : i1 to i32
    %cond3A_322 = arith.constant 0 : i32
    %cond3A_323 = arith.cmpi ne, %convert_element_type3A_321, %cond3A_322 : i32
    scf.if %cond3A_323 {
      %broadcast_in_dim3A_548 = vector.shape_cast %get3A_5 : vector<400xi32> to vector<400x1xi32>
      %eq3A_549 = arith.constant 35 : i32
      %eq3A_550 = vector.broadcast %eq3A_549 : i32 to vector<400x1xi32>
      %eq3A_551 = arith.cmpi eq, %broadcast_in_dim3A_548, %eq3A_550 : vector<400x1xi32>
      %jit3A = arith.constant -1.000000e+30 : f32
      %broadcast_in_dim3A_552 = vector.shape_cast %eq3A_551 : vector<400x1xi1> to vector<400x1xi1>
      %broadcast_in_dim3A_553 = vector.broadcast %broadcast_in_dim3A_552 : vector<400x1xi1> to vector<400x128xi1>
      %broadcast_in_dim3A_554 = vector.broadcast %jit3A : f32 to vector<400x128xf32>
      %select_n3A = arith.select %broadcast_in_dim3A_553, %get3A_8, %broadcast_in_dim3A_554 : vector<400x128xi1>, vector<400x128xf32>
      %get3A_555 = arith.constant 35 : index
      %get3A_556 = arith.constant 0 : index
      %get3A_557 = vector.load %arg4[%get3A_555, %get3A_556] : memref<64x128xf32, #tpu.memory_space<vmem>>, vector<1x128xf32>
      %reduce_max3A_558 = arith.constant dense<0xFF800000> : vector<128xf32>
      %reduce_max3A_559 = vector.multi_reduction <maximumf>, %select_n3A, %reduce_max3A_558 [0] : vector<400x128xf32> to vector<128xf32>
      %broadcast_in_dim3A_560 = vector.shape_cast %reduce_max3A_559 : vector<128xf32> to vector<1x128xf32>
      %max3A = arith.maximumf %get3A_557, %broadcast_in_dim3A_560 : vector<1x128xf32>
      %swap3A_561 = arith.constant 35 : index
      %swap3A_562 = arith.constant 0 : index
      %swap3A_563 = vector.load %arg4[%swap3A_561, %swap3A_562] : memref<64x128xf32, #tpu.memory_space<vmem>>, vector<1x128xf32>
      tpu.vector_store %arg4[%swap3A_561, %swap3A_562], %max3A {strides = array<i32>} : memref<64x128xf32, #tpu.memory_space<vmem>>, vector<1x128xf32>,
    } else {
    }
    %le3A_324 = arith.constant 36 : i32
    %le3A_325 = arith.cmpi sle, %reduce_min3A_34, %le3A_324 : i32
    %ge3A_326 = arith.constant 36 : i32
    %ge3A_327 = arith.cmpi sge, %reduce_max3A_38, %ge3A_326 : i32
    %and3A_328 = arith.andi %le3A_325, %ge3A_327 : i1
    %convert_element_type3A_329 = arith.extui %and3A_328 : i1 to i32
    %cond3A_330 = arith.constant 0 : i32
    %cond3A_331 = arith.cmpi ne, %convert_element_type3A_329, %cond3A_330 : i32
    scf.if %cond3A_331 {
      %broadcast_in_dim3A_548 = vector.shape_cast %get3A_5 : vector<400xi32> to vector<400x1xi32>
      %eq3A_549 = arith.constant 36 : i32
      %eq3A_550 = vector.broadcast %eq3A_549 : i32 to vector<400x1xi32>
      %eq3A_551 = arith.cmpi eq, %broadcast_in_dim3A_548, %eq3A_550 : vector<400x1xi32>
      %jit3A = arith.constant -1.000000e+30 : f32
      %broadcast_in_dim3A_552 = vector.shape_cast %eq3A_551 : vector<400x1xi1> to vector<400x1xi1>
      %broadcast_in_dim3A_553 = vector.broadcast %broadcast_in_dim3A_552 : vector<400x1xi1> to vector<400x128xi1>
      %broadcast_in_dim3A_554 = vector.broadcast %jit3A : f32 to vector<400x128xf32>
      %select_n3A = arith.select %broadcast_in_dim3A_553, %get3A_8, %broadcast_in_dim3A_554 : vector<400x128xi1>, vector<400x128xf32>
      %get3A_555 = arith.constant 36 : index
      %get3A_556 = arith.constant 0 : index
      %get3A_557 = vector.load %arg4[%get3A_555, %get3A_556] : memref<64x128xf32, #tpu.memory_space<vmem>>, vector<1x128xf32>
      %reduce_max3A_558 = arith.constant dense<0xFF800000> : vector<128xf32>
      %reduce_max3A_559 = vector.multi_reduction <maximumf>, %select_n3A, %reduce_max3A_558 [0] : vector<400x128xf32> to vector<128xf32>
      %broadcast_in_dim3A_560 = vector.shape_cast %reduce_max3A_559 : vector<128xf32> to vector<1x128xf32>
      %max3A = arith.maximumf %get3A_557, %broadcast_in_dim3A_560 : vector<1x128xf32>
      %swap3A_561 = arith.constant 36 : index
      %swap3A_562 = arith.constant 0 : index
      %swap3A_563 = vector.load %arg4[%swap3A_561, %swap3A_562] : memref<64x128xf32, #tpu.memory_space<vmem>>, vector<1x128xf32>
      tpu.vector_store %arg4[%swap3A_561, %swap3A_562], %max3A {strides = array<i32>} : memref<64x128xf32, #tpu.memory_space<vmem>>, vector<1x128xf32>,
    } else {
    }
    %le3A_332 = arith.constant 37 : i32
    %le3A_333 = arith.cmpi sle, %reduce_min3A_34, %le3A_332 : i32
    %ge3A_334 = arith.constant 37 : i32
    %ge3A_335 = arith.cmpi sge, %reduce_max3A_38, %ge3A_334 : i32
    %and3A_336 = arith.andi %le3A_333, %ge3A_335 : i1
    %convert_element_type3A_337 = arith.extui %and3A_336 : i1 to i32
    %cond3A_338 = arith.constant 0 : i32
    %cond3A_339 = arith.cmpi ne, %convert_element_type3A_337, %cond3A_338 : i32
    scf.if %cond3A_339 {
      %broadcast_in_dim3A_548 = vector.shape_cast %get3A_5 : vector<400xi32> to vector<400x1xi32>
      %eq3A_549 = arith.constant 37 : i32
      %eq3A_550 = vector.broadcast %eq3A_549 : i32 to vector<400x1xi32>
      %eq3A_551 = arith.cmpi eq, %broadcast_in_dim3A_548, %eq3A_550 : vector<400x1xi32>
      %jit3A = arith.constant -1.000000e+30 : f32
      %broadcast_in_dim3A_552 = vector.shape_cast %eq3A_551 : vector<400x1xi1> to vector<400x1xi1>
      %broadcast_in_dim3A_553 = vector.broadcast %broadcast_in_dim3A_552 : vector<400x1xi1> to vector<400x128xi1>
      %broadcast_in_dim3A_554 = vector.broadcast %jit3A : f32 to vector<400x128xf32>
      %select_n3A = arith.select %broadcast_in_dim3A_553, %get3A_8, %broadcast_in_dim3A_554 : vector<400x128xi1>, vector<400x128xf32>
      %get3A_555 = arith.constant 37 : index
      %get3A_556 = arith.constant 0 : index
      %get3A_557 = vector.load %arg4[%get3A_555, %get3A_556] : memref<64x128xf32, #tpu.memory_space<vmem>>, vector<1x128xf32>
      %reduce_max3A_558 = arith.constant dense<0xFF800000> : vector<128xf32>
      %reduce_max3A_559 = vector.multi_reduction <maximumf>, %select_n3A, %reduce_max3A_558 [0] : vector<400x128xf32> to vector<128xf32>
      %broadcast_in_dim3A_560 = vector.shape_cast %reduce_max3A_559 : vector<128xf32> to vector<1x128xf32>
      %max3A = arith.maximumf %get3A_557, %broadcast_in_dim3A_560 : vector<1x128xf32>
      %swap3A_561 = arith.constant 37 : index
      %swap3A_562 = arith.constant 0 : index
      %swap3A_563 = vector.load %arg4[%swap3A_561, %swap3A_562] : memref<64x128xf32, #tpu.memory_space<vmem>>, vector<1x128xf32>
      tpu.vector_store %arg4[%swap3A_561, %swap3A_562], %max3A {strides = array<i32>} : memref<64x128xf32, #tpu.memory_space<vmem>>, vector<1x128xf32>,
    } else {
    }
    %le3A_340 = arith.constant 38 : i32
    %le3A_341 = arith.cmpi sle, %reduce_min3A_34, %le3A_340 : i32
    %ge3A_342 = arith.constant 38 : i32
    %ge3A_343 = arith.cmpi sge, %reduce_max3A_38, %ge3A_342 : i32
    %and3A_344 = arith.andi %le3A_341, %ge3A_343 : i1
    %convert_element_type3A_345 = arith.extui %and3A_344 : i1 to i32
    %cond3A_346 = arith.constant 0 : i32
    %cond3A_347 = arith.cmpi ne, %convert_element_type3A_345, %cond3A_346 : i32
    scf.if %cond3A_347 {
      %broadcast_in_dim3A_548 = vector.shape_cast %get3A_5 : vector<400xi32> to vector<400x1xi32>
      %eq3A_549 = arith.constant 38 : i32
      %eq3A_550 = vector.broadcast %eq3A_549 : i32 to vector<400x1xi32>
      %eq3A_551 = arith.cmpi eq, %broadcast_in_dim3A_548, %eq3A_550 : vector<400x1xi32>
      %jit3A = arith.constant -1.000000e+30 : f32
      %broadcast_in_dim3A_552 = vector.shape_cast %eq3A_551 : vector<400x1xi1> to vector<400x1xi1>
      %broadcast_in_dim3A_553 = vector.broadcast %broadcast_in_dim3A_552 : vector<400x1xi1> to vector<400x128xi1>
      %broadcast_in_dim3A_554 = vector.broadcast %jit3A : f32 to vector<400x128xf32>
      %select_n3A = arith.select %broadcast_in_dim3A_553, %get3A_8, %broadcast_in_dim3A_554 : vector<400x128xi1>, vector<400x128xf32>
      %get3A_555 = arith.constant 38 : index
      %get3A_556 = arith.constant 0 : index
      %get3A_557 = vector.load %arg4[%get3A_555, %get3A_556] : memref<64x128xf32, #tpu.memory_space<vmem>>, vector<1x128xf32>
      %reduce_max3A_558 = arith.constant dense<0xFF800000> : vector<128xf32>
      %reduce_max3A_559 = vector.multi_reduction <maximumf>, %select_n3A, %reduce_max3A_558 [0] : vector<400x128xf32> to vector<128xf32>
      %broadcast_in_dim3A_560 = vector.shape_cast %reduce_max3A_559 : vector<128xf32> to vector<1x128xf32>
      %max3A = arith.maximumf %get3A_557, %broadcast_in_dim3A_560 : vector<1x128xf32>
      %swap3A_561 = arith.constant 38 : index
      %swap3A_562 = arith.constant 0 : index
      %swap3A_563 = vector.load %arg4[%swap3A_561, %swap3A_562] : memref<64x128xf32, #tpu.memory_space<vmem>>, vector<1x128xf32>
      tpu.vector_store %arg4[%swap3A_561, %swap3A_562], %max3A {strides = array<i32>} : memref<64x128xf32, #tpu.memory_space<vmem>>, vector<1x128xf32>,
    } else {
    }
    %le3A_348 = arith.constant 39 : i32
    %le3A_349 = arith.cmpi sle, %reduce_min3A_34, %le3A_348 : i32
    %ge3A_350 = arith.constant 39 : i32
    %ge3A_351 = arith.cmpi sge, %reduce_max3A_38, %ge3A_350 : i32
    %and3A_352 = arith.andi %le3A_349, %ge3A_351 : i1
    %convert_element_type3A_353 = arith.extui %and3A_352 : i1 to i32
    %cond3A_354 = arith.constant 0 : i32
    %cond3A_355 = arith.cmpi ne, %convert_element_type3A_353, %cond3A_354 : i32
    scf.if %cond3A_355 {
      %broadcast_in_dim3A_548 = vector.shape_cast %get3A_5 : vector<400xi32> to vector<400x1xi32>
      %eq3A_549 = arith.constant 39 : i32
      %eq3A_550 = vector.broadcast %eq3A_549 : i32 to vector<400x1xi32>
      %eq3A_551 = arith.cmpi eq, %broadcast_in_dim3A_548, %eq3A_550 : vector<400x1xi32>
      %jit3A = arith.constant -1.000000e+30 : f32
      %broadcast_in_dim3A_552 = vector.shape_cast %eq3A_551 : vector<400x1xi1> to vector<400x1xi1>
      %broadcast_in_dim3A_553 = vector.broadcast %broadcast_in_dim3A_552 : vector<400x1xi1> to vector<400x128xi1>
      %broadcast_in_dim3A_554 = vector.broadcast %jit3A : f32 to vector<400x128xf32>
      %select_n3A = arith.select %broadcast_in_dim3A_553, %get3A_8, %broadcast_in_dim3A_554 : vector<400x128xi1>, vector<400x128xf32>
      %get3A_555 = arith.constant 39 : index
      %get3A_556 = arith.constant 0 : index
      %get3A_557 = vector.load %arg4[%get3A_555, %get3A_556] : memref<64x128xf32, #tpu.memory_space<vmem>>, vector<1x128xf32>
      %reduce_max3A_558 = arith.constant dense<0xFF800000> : vector<128xf32>
      %reduce_max3A_559 = vector.multi_reduction <maximumf>, %select_n3A, %reduce_max3A_558 [0] : vector<400x128xf32> to vector<128xf32>
      %broadcast_in_dim3A_560 = vector.shape_cast %reduce_max3A_559 : vector<128xf32> to vector<1x128xf32>
      %max3A = arith.maximumf %get3A_557, %broadcast_in_dim3A_560 : vector<1x128xf32>
      %swap3A_561 = arith.constant 39 : index
      %swap3A_562 = arith.constant 0 : index
      %swap3A_563 = vector.load %arg4[%swap3A_561, %swap3A_562] : memref<64x128xf32, #tpu.memory_space<vmem>>, vector<1x128xf32>
      tpu.vector_store %arg4[%swap3A_561, %swap3A_562], %max3A {strides = array<i32>} : memref<64x128xf32, #tpu.memory_space<vmem>>, vector<1x128xf32>,
    } else {
    }
    %le3A_356 = arith.constant 40 : i32
    %le3A_357 = arith.cmpi sle, %reduce_min3A_34, %le3A_356 : i32
    %ge3A_358 = arith.constant 40 : i32
    %ge3A_359 = arith.cmpi sge, %reduce_max3A_38, %ge3A_358 : i32
    %and3A_360 = arith.andi %le3A_357, %ge3A_359 : i1
    %convert_element_type3A_361 = arith.extui %and3A_360 : i1 to i32
    %cond3A_362 = arith.constant 0 : i32
    %cond3A_363 = arith.cmpi ne, %convert_element_type3A_361, %cond3A_362 : i32
    scf.if %cond3A_363 {
      %broadcast_in_dim3A_548 = vector.shape_cast %get3A_5 : vector<400xi32> to vector<400x1xi32>
      %eq3A_549 = arith.constant 40 : i32
      %eq3A_550 = vector.broadcast %eq3A_549 : i32 to vector<400x1xi32>
      %eq3A_551 = arith.cmpi eq, %broadcast_in_dim3A_548, %eq3A_550 : vector<400x1xi32>
      %jit3A = arith.constant -1.000000e+30 : f32
      %broadcast_in_dim3A_552 = vector.shape_cast %eq3A_551 : vector<400x1xi1> to vector<400x1xi1>
      %broadcast_in_dim3A_553 = vector.broadcast %broadcast_in_dim3A_552 : vector<400x1xi1> to vector<400x128xi1>
      %broadcast_in_dim3A_554 = vector.broadcast %jit3A : f32 to vector<400x128xf32>
      %select_n3A = arith.select %broadcast_in_dim3A_553, %get3A_8, %broadcast_in_dim3A_554 : vector<400x128xi1>, vector<400x128xf32>
      %get3A_555 = arith.constant 40 : index
      %get3A_556 = arith.constant 0 : index
      %get3A_557 = vector.load %arg4[%get3A_555, %get3A_556] : memref<64x128xf32, #tpu.memory_space<vmem>>, vector<1x128xf32>
      %reduce_max3A_558 = arith.constant dense<0xFF800000> : vector<128xf32>
      %reduce_max3A_559 = vector.multi_reduction <maximumf>, %select_n3A, %reduce_max3A_558 [0] : vector<400x128xf32> to vector<128xf32>
      %broadcast_in_dim3A_560 = vector.shape_cast %reduce_max3A_559 : vector<128xf32> to vector<1x128xf32>
      %max3A = arith.maximumf %get3A_557, %broadcast_in_dim3A_560 : vector<1x128xf32>
      %swap3A_561 = arith.constant 40 : index
      %swap3A_562 = arith.constant 0 : index
      %swap3A_563 = vector.load %arg4[%swap3A_561, %swap3A_562] : memref<64x128xf32, #tpu.memory_space<vmem>>, vector<1x128xf32>
      tpu.vector_store %arg4[%swap3A_561, %swap3A_562], %max3A {strides = array<i32>} : memref<64x128xf32, #tpu.memory_space<vmem>>, vector<1x128xf32>,
    } else {
    }
    %le3A_364 = arith.constant 41 : i32
    %le3A_365 = arith.cmpi sle, %reduce_min3A_34, %le3A_364 : i32
    %ge3A_366 = arith.constant 41 : i32
    %ge3A_367 = arith.cmpi sge, %reduce_max3A_38, %ge3A_366 : i32
    %and3A_368 = arith.andi %le3A_365, %ge3A_367 : i1
    %convert_element_type3A_369 = arith.extui %and3A_368 : i1 to i32
    %cond3A_370 = arith.constant 0 : i32
    %cond3A_371 = arith.cmpi ne, %convert_element_type3A_369, %cond3A_370 : i32
    scf.if %cond3A_371 {
      %broadcast_in_dim3A_548 = vector.shape_cast %get3A_5 : vector<400xi32> to vector<400x1xi32>
      %eq3A_549 = arith.constant 41 : i32
      %eq3A_550 = vector.broadcast %eq3A_549 : i32 to vector<400x1xi32>
      %eq3A_551 = arith.cmpi eq, %broadcast_in_dim3A_548, %eq3A_550 : vector<400x1xi32>
      %jit3A = arith.constant -1.000000e+30 : f32
      %broadcast_in_dim3A_552 = vector.shape_cast %eq3A_551 : vector<400x1xi1> to vector<400x1xi1>
      %broadcast_in_dim3A_553 = vector.broadcast %broadcast_in_dim3A_552 : vector<400x1xi1> to vector<400x128xi1>
      %broadcast_in_dim3A_554 = vector.broadcast %jit3A : f32 to vector<400x128xf32>
      %select_n3A = arith.select %broadcast_in_dim3A_553, %get3A_8, %broadcast_in_dim3A_554 : vector<400x128xi1>, vector<400x128xf32>
      %get3A_555 = arith.constant 41 : index
      %get3A_556 = arith.constant 0 : index
      %get3A_557 = vector.load %arg4[%get3A_555, %get3A_556] : memref<64x128xf32, #tpu.memory_space<vmem>>, vector<1x128xf32>
      %reduce_max3A_558 = arith.constant dense<0xFF800000> : vector<128xf32>
      %reduce_max3A_559 = vector.multi_reduction <maximumf>, %select_n3A, %reduce_max3A_558 [0] : vector<400x128xf32> to vector<128xf32>
      %broadcast_in_dim3A_560 = vector.shape_cast %reduce_max3A_559 : vector<128xf32> to vector<1x128xf32>
      %max3A = arith.maximumf %get3A_557, %broadcast_in_dim3A_560 : vector<1x128xf32>
      %swap3A_561 = arith.constant 41 : index
      %swap3A_562 = arith.constant 0 : index
      %swap3A_563 = vector.load %arg4[%swap3A_561, %swap3A_562] : memref<64x128xf32, #tpu.memory_space<vmem>>, vector<1x128xf32>
      tpu.vector_store %arg4[%swap3A_561, %swap3A_562], %max3A {strides = array<i32>} : memref<64x128xf32, #tpu.memory_space<vmem>>, vector<1x128xf32>,
    } else {
    }
    %le3A_372 = arith.constant 42 : i32
    %le3A_373 = arith.cmpi sle, %reduce_min3A_34, %le3A_372 : i32
    %ge3A_374 = arith.constant 42 : i32
    %ge3A_375 = arith.cmpi sge, %reduce_max3A_38, %ge3A_374 : i32
    %and3A_376 = arith.andi %le3A_373, %ge3A_375 : i1
    %convert_element_type3A_377 = arith.extui %and3A_376 : i1 to i32
    %cond3A_378 = arith.constant 0 : i32
    %cond3A_379 = arith.cmpi ne, %convert_element_type3A_377, %cond3A_378 : i32
    scf.if %cond3A_379 {
      %broadcast_in_dim3A_548 = vector.shape_cast %get3A_5 : vector<400xi32> to vector<400x1xi32>
      %eq3A_549 = arith.constant 42 : i32
      %eq3A_550 = vector.broadcast %eq3A_549 : i32 to vector<400x1xi32>
      %eq3A_551 = arith.cmpi eq, %broadcast_in_dim3A_548, %eq3A_550 : vector<400x1xi32>
      %jit3A = arith.constant -1.000000e+30 : f32
      %broadcast_in_dim3A_552 = vector.shape_cast %eq3A_551 : vector<400x1xi1> to vector<400x1xi1>
      %broadcast_in_dim3A_553 = vector.broadcast %broadcast_in_dim3A_552 : vector<400x1xi1> to vector<400x128xi1>
      %broadcast_in_dim3A_554 = vector.broadcast %jit3A : f32 to vector<400x128xf32>
      %select_n3A = arith.select %broadcast_in_dim3A_553, %get3A_8, %broadcast_in_dim3A_554 : vector<400x128xi1>, vector<400x128xf32>
      %get3A_555 = arith.constant 42 : index
      %get3A_556 = arith.constant 0 : index
      %get3A_557 = vector.load %arg4[%get3A_555, %get3A_556] : memref<64x128xf32, #tpu.memory_space<vmem>>, vector<1x128xf32>
      %reduce_max3A_558 = arith.constant dense<0xFF800000> : vector<128xf32>
      %reduce_max3A_559 = vector.multi_reduction <maximumf>, %select_n3A, %reduce_max3A_558 [0] : vector<400x128xf32> to vector<128xf32>
      %broadcast_in_dim3A_560 = vector.shape_cast %reduce_max3A_559 : vector<128xf32> to vector<1x128xf32>
      %max3A = arith.maximumf %get3A_557, %broadcast_in_dim3A_560 : vector<1x128xf32>
      %swap3A_561 = arith.constant 42 : index
      %swap3A_562 = arith.constant 0 : index
      %swap3A_563 = vector.load %arg4[%swap3A_561, %swap3A_562] : memref<64x128xf32, #tpu.memory_space<vmem>>, vector<1x128xf32>
      tpu.vector_store %arg4[%swap3A_561, %swap3A_562], %max3A {strides = array<i32>} : memref<64x128xf32, #tpu.memory_space<vmem>>, vector<1x128xf32>,
    } else {
    }
    %le3A_380 = arith.constant 43 : i32
    %le3A_381 = arith.cmpi sle, %reduce_min3A_34, %le3A_380 : i32
    %ge3A_382 = arith.constant 43 : i32
    %ge3A_383 = arith.cmpi sge, %reduce_max3A_38, %ge3A_382 : i32
    %and3A_384 = arith.andi %le3A_381, %ge3A_383 : i1
    %convert_element_type3A_385 = arith.extui %and3A_384 : i1 to i32
    %cond3A_386 = arith.constant 0 : i32
    %cond3A_387 = arith.cmpi ne, %convert_element_type3A_385, %cond3A_386 : i32
    scf.if %cond3A_387 {
      %broadcast_in_dim3A_548 = vector.shape_cast %get3A_5 : vector<400xi32> to vector<400x1xi32>
      %eq3A_549 = arith.constant 43 : i32
      %eq3A_550 = vector.broadcast %eq3A_549 : i32 to vector<400x1xi32>
      %eq3A_551 = arith.cmpi eq, %broadcast_in_dim3A_548, %eq3A_550 : vector<400x1xi32>
      %jit3A = arith.constant -1.000000e+30 : f32
      %broadcast_in_dim3A_552 = vector.shape_cast %eq3A_551 : vector<400x1xi1> to vector<400x1xi1>
      %broadcast_in_dim3A_553 = vector.broadcast %broadcast_in_dim3A_552 : vector<400x1xi1> to vector<400x128xi1>
      %broadcast_in_dim3A_554 = vector.broadcast %jit3A : f32 to vector<400x128xf32>
      %select_n3A = arith.select %broadcast_in_dim3A_553, %get3A_8, %broadcast_in_dim3A_554 : vector<400x128xi1>, vector<400x128xf32>
      %get3A_555 = arith.constant 43 : index
      %get3A_556 = arith.constant 0 : index
      %get3A_557 = vector.load %arg4[%get3A_555, %get3A_556] : memref<64x128xf32, #tpu.memory_space<vmem>>, vector<1x128xf32>
      %reduce_max3A_558 = arith.constant dense<0xFF800000> : vector<128xf32>
      %reduce_max3A_559 = vector.multi_reduction <maximumf>, %select_n3A, %reduce_max3A_558 [0] : vector<400x128xf32> to vector<128xf32>
      %broadcast_in_dim3A_560 = vector.shape_cast %reduce_max3A_559 : vector<128xf32> to vector<1x128xf32>
      %max3A = arith.maximumf %get3A_557, %broadcast_in_dim3A_560 : vector<1x128xf32>
      %swap3A_561 = arith.constant 43 : index
      %swap3A_562 = arith.constant 0 : index
      %swap3A_563 = vector.load %arg4[%swap3A_561, %swap3A_562] : memref<64x128xf32, #tpu.memory_space<vmem>>, vector<1x128xf32>
      tpu.vector_store %arg4[%swap3A_561, %swap3A_562], %max3A {strides = array<i32>} : memref<64x128xf32, #tpu.memory_space<vmem>>, vector<1x128xf32>,
    } else {
    }
    %le3A_388 = arith.constant 44 : i32
    %le3A_389 = arith.cmpi sle, %reduce_min3A_34, %le3A_388 : i32
    %ge3A_390 = arith.constant 44 : i32
    %ge3A_391 = arith.cmpi sge, %reduce_max3A_38, %ge3A_390 : i32
    %and3A_392 = arith.andi %le3A_389, %ge3A_391 : i1
    %convert_element_type3A_393 = arith.extui %and3A_392 : i1 to i32
    %cond3A_394 = arith.constant 0 : i32
    %cond3A_395 = arith.cmpi ne, %convert_element_type3A_393, %cond3A_394 : i32
    scf.if %cond3A_395 {
      %broadcast_in_dim3A_548 = vector.shape_cast %get3A_5 : vector<400xi32> to vector<400x1xi32>
      %eq3A_549 = arith.constant 44 : i32
      %eq3A_550 = vector.broadcast %eq3A_549 : i32 to vector<400x1xi32>
      %eq3A_551 = arith.cmpi eq, %broadcast_in_dim3A_548, %eq3A_550 : vector<400x1xi32>
      %jit3A = arith.constant -1.000000e+30 : f32
      %broadcast_in_dim3A_552 = vector.shape_cast %eq3A_551 : vector<400x1xi1> to vector<400x1xi1>
      %broadcast_in_dim3A_553 = vector.broadcast %broadcast_in_dim3A_552 : vector<400x1xi1> to vector<400x128xi1>
      %broadcast_in_dim3A_554 = vector.broadcast %jit3A : f32 to vector<400x128xf32>
      %select_n3A = arith.select %broadcast_in_dim3A_553, %get3A_8, %broadcast_in_dim3A_554 : vector<400x128xi1>, vector<400x128xf32>
      %get3A_555 = arith.constant 44 : index
      %get3A_556 = arith.constant 0 : index
      %get3A_557 = vector.load %arg4[%get3A_555, %get3A_556] : memref<64x128xf32, #tpu.memory_space<vmem>>, vector<1x128xf32>
      %reduce_max3A_558 = arith.constant dense<0xFF800000> : vector<128xf32>
      %reduce_max3A_559 = vector.multi_reduction <maximumf>, %select_n3A, %reduce_max3A_558 [0] : vector<400x128xf32> to vector<128xf32>
      %broadcast_in_dim3A_560 = vector.shape_cast %reduce_max3A_559 : vector<128xf32> to vector<1x128xf32>
      %max3A = arith.maximumf %get3A_557, %broadcast_in_dim3A_560 : vector<1x128xf32>
      %swap3A_561 = arith.constant 44 : index
      %swap3A_562 = arith.constant 0 : index
      %swap3A_563 = vector.load %arg4[%swap3A_561, %swap3A_562] : memref<64x128xf32, #tpu.memory_space<vmem>>, vector<1x128xf32>
      tpu.vector_store %arg4[%swap3A_561, %swap3A_562], %max3A {strides = array<i32>} : memref<64x128xf32, #tpu.memory_space<vmem>>, vector<1x128xf32>,
    } else {
    }
    %le3A_396 = arith.constant 45 : i32
    %le3A_397 = arith.cmpi sle, %reduce_min3A_34, %le3A_396 : i32
    %ge3A_398 = arith.constant 45 : i32
    %ge3A_399 = arith.cmpi sge, %reduce_max3A_38, %ge3A_398 : i32
    %and3A_400 = arith.andi %le3A_397, %ge3A_399 : i1
    %convert_element_type3A_401 = arith.extui %and3A_400 : i1 to i32
    %cond3A_402 = arith.constant 0 : i32
    %cond3A_403 = arith.cmpi ne, %convert_element_type3A_401, %cond3A_402 : i32
    scf.if %cond3A_403 {
      %broadcast_in_dim3A_548 = vector.shape_cast %get3A_5 : vector<400xi32> to vector<400x1xi32>
      %eq3A_549 = arith.constant 45 : i32
      %eq3A_550 = vector.broadcast %eq3A_549 : i32 to vector<400x1xi32>
      %eq3A_551 = arith.cmpi eq, %broadcast_in_dim3A_548, %eq3A_550 : vector<400x1xi32>
      %jit3A = arith.constant -1.000000e+30 : f32
      %broadcast_in_dim3A_552 = vector.shape_cast %eq3A_551 : vector<400x1xi1> to vector<400x1xi1>
      %broadcast_in_dim3A_553 = vector.broadcast %broadcast_in_dim3A_552 : vector<400x1xi1> to vector<400x128xi1>
      %broadcast_in_dim3A_554 = vector.broadcast %jit3A : f32 to vector<400x128xf32>
      %select_n3A = arith.select %broadcast_in_dim3A_553, %get3A_8, %broadcast_in_dim3A_554 : vector<400x128xi1>, vector<400x128xf32>
      %get3A_555 = arith.constant 45 : index
      %get3A_556 = arith.constant 0 : index
      %get3A_557 = vector.load %arg4[%get3A_555, %get3A_556] : memref<64x128xf32, #tpu.memory_space<vmem>>, vector<1x128xf32>
      %reduce_max3A_558 = arith.constant dense<0xFF800000> : vector<128xf32>
      %reduce_max3A_559 = vector.multi_reduction <maximumf>, %select_n3A, %reduce_max3A_558 [0] : vector<400x128xf32> to vector<128xf32>
      %broadcast_in_dim3A_560 = vector.shape_cast %reduce_max3A_559 : vector<128xf32> to vector<1x128xf32>
      %max3A = arith.maximumf %get3A_557, %broadcast_in_dim3A_560 : vector<1x128xf32>
      %swap3A_561 = arith.constant 45 : index
      %swap3A_562 = arith.constant 0 : index
      %swap3A_563 = vector.load %arg4[%swap3A_561, %swap3A_562] : memref<64x128xf32, #tpu.memory_space<vmem>>, vector<1x128xf32>
      tpu.vector_store %arg4[%swap3A_561, %swap3A_562], %max3A {strides = array<i32>} : memref<64x128xf32, #tpu.memory_space<vmem>>, vector<1x128xf32>,
    } else {
    }
    %le3A_404 = arith.constant 46 : i32
    %le3A_405 = arith.cmpi sle, %reduce_min3A_34, %le3A_404 : i32
    %ge3A_406 = arith.constant 46 : i32
    %ge3A_407 = arith.cmpi sge, %reduce_max3A_38, %ge3A_406 : i32
    %and3A_408 = arith.andi %le3A_405, %ge3A_407 : i1
    %convert_element_type3A_409 = arith.extui %and3A_408 : i1 to i32
    %cond3A_410 = arith.constant 0 : i32
    %cond3A_411 = arith.cmpi ne, %convert_element_type3A_409, %cond3A_410 : i32
    scf.if %cond3A_411 {
      %broadcast_in_dim3A_548 = vector.shape_cast %get3A_5 : vector<400xi32> to vector<400x1xi32>
      %eq3A_549 = arith.constant 46 : i32
      %eq3A_550 = vector.broadcast %eq3A_549 : i32 to vector<400x1xi32>
      %eq3A_551 = arith.cmpi eq, %broadcast_in_dim3A_548, %eq3A_550 : vector<400x1xi32>
      %jit3A = arith.constant -1.000000e+30 : f32
      %broadcast_in_dim3A_552 = vector.shape_cast %eq3A_551 : vector<400x1xi1> to vector<400x1xi1>
      %broadcast_in_dim3A_553 = vector.broadcast %broadcast_in_dim3A_552 : vector<400x1xi1> to vector<400x128xi1>
      %broadcast_in_dim3A_554 = vector.broadcast %jit3A : f32 to vector<400x128xf32>
      %select_n3A = arith.select %broadcast_in_dim3A_553, %get3A_8, %broadcast_in_dim3A_554 : vector<400x128xi1>, vector<400x128xf32>
      %get3A_555 = arith.constant 46 : index
      %get3A_556 = arith.constant 0 : index
      %get3A_557 = vector.load %arg4[%get3A_555, %get3A_556] : memref<64x128xf32, #tpu.memory_space<vmem>>, vector<1x128xf32>
      %reduce_max3A_558 = arith.constant dense<0xFF800000> : vector<128xf32>
      %reduce_max3A_559 = vector.multi_reduction <maximumf>, %select_n3A, %reduce_max3A_558 [0] : vector<400x128xf32> to vector<128xf32>
      %broadcast_in_dim3A_560 = vector.shape_cast %reduce_max3A_559 : vector<128xf32> to vector<1x128xf32>
      %max3A = arith.maximumf %get3A_557, %broadcast_in_dim3A_560 : vector<1x128xf32>
      %swap3A_561 = arith.constant 46 : index
      %swap3A_562 = arith.constant 0 : index
      %swap3A_563 = vector.load %arg4[%swap3A_561, %swap3A_562] : memref<64x128xf32, #tpu.memory_space<vmem>>, vector<1x128xf32>
      tpu.vector_store %arg4[%swap3A_561, %swap3A_562], %max3A {strides = array<i32>} : memref<64x128xf32, #tpu.memory_space<vmem>>, vector<1x128xf32>,
    } else {
    }
    %le3A_412 = arith.constant 47 : i32
    %le3A_413 = arith.cmpi sle, %reduce_min3A_34, %le3A_412 : i32
    %ge3A_414 = arith.constant 47 : i32
    %ge3A_415 = arith.cmpi sge, %reduce_max3A_38, %ge3A_414 : i32
    %and3A_416 = arith.andi %le3A_413, %ge3A_415 : i1
    %convert_element_type3A_417 = arith.extui %and3A_416 : i1 to i32
    %cond3A_418 = arith.constant 0 : i32
    %cond3A_419 = arith.cmpi ne, %convert_element_type3A_417, %cond3A_418 : i32
    scf.if %cond3A_419 {
      %broadcast_in_dim3A_548 = vector.shape_cast %get3A_5 : vector<400xi32> to vector<400x1xi32>
      %eq3A_549 = arith.constant 47 : i32
      %eq3A_550 = vector.broadcast %eq3A_549 : i32 to vector<400x1xi32>
      %eq3A_551 = arith.cmpi eq, %broadcast_in_dim3A_548, %eq3A_550 : vector<400x1xi32>
      %jit3A = arith.constant -1.000000e+30 : f32
      %broadcast_in_dim3A_552 = vector.shape_cast %eq3A_551 : vector<400x1xi1> to vector<400x1xi1>
      %broadcast_in_dim3A_553 = vector.broadcast %broadcast_in_dim3A_552 : vector<400x1xi1> to vector<400x128xi1>
      %broadcast_in_dim3A_554 = vector.broadcast %jit3A : f32 to vector<400x128xf32>
      %select_n3A = arith.select %broadcast_in_dim3A_553, %get3A_8, %broadcast_in_dim3A_554 : vector<400x128xi1>, vector<400x128xf32>
      %get3A_555 = arith.constant 47 : index
      %get3A_556 = arith.constant 0 : index
      %get3A_557 = vector.load %arg4[%get3A_555, %get3A_556] : memref<64x128xf32, #tpu.memory_space<vmem>>, vector<1x128xf32>
      %reduce_max3A_558 = arith.constant dense<0xFF800000> : vector<128xf32>
      %reduce_max3A_559 = vector.multi_reduction <maximumf>, %select_n3A, %reduce_max3A_558 [0] : vector<400x128xf32> to vector<128xf32>
      %broadcast_in_dim3A_560 = vector.shape_cast %reduce_max3A_559 : vector<128xf32> to vector<1x128xf32>
      %max3A = arith.maximumf %get3A_557, %broadcast_in_dim3A_560 : vector<1x128xf32>
      %swap3A_561 = arith.constant 47 : index
      %swap3A_562 = arith.constant 0 : index
      %swap3A_563 = vector.load %arg4[%swap3A_561, %swap3A_562] : memref<64x128xf32, #tpu.memory_space<vmem>>, vector<1x128xf32>
      tpu.vector_store %arg4[%swap3A_561, %swap3A_562], %max3A {strides = array<i32>} : memref<64x128xf32, #tpu.memory_space<vmem>>, vector<1x128xf32>,
    } else {
    }
    %le3A_420 = arith.constant 48 : i32
    %le3A_421 = arith.cmpi sle, %reduce_min3A_34, %le3A_420 : i32
    %ge3A_422 = arith.constant 48 : i32
    %ge3A_423 = arith.cmpi sge, %reduce_max3A_38, %ge3A_422 : i32
    %and3A_424 = arith.andi %le3A_421, %ge3A_423 : i1
    %convert_element_type3A_425 = arith.extui %and3A_424 : i1 to i32
    %cond3A_426 = arith.constant 0 : i32
    %cond3A_427 = arith.cmpi ne, %convert_element_type3A_425, %cond3A_426 : i32
    scf.if %cond3A_427 {
      %broadcast_in_dim3A_548 = vector.shape_cast %get3A_5 : vector<400xi32> to vector<400x1xi32>
      %eq3A_549 = arith.constant 48 : i32
      %eq3A_550 = vector.broadcast %eq3A_549 : i32 to vector<400x1xi32>
      %eq3A_551 = arith.cmpi eq, %broadcast_in_dim3A_548, %eq3A_550 : vector<400x1xi32>
      %jit3A = arith.constant -1.000000e+30 : f32
      %broadcast_in_dim3A_552 = vector.shape_cast %eq3A_551 : vector<400x1xi1> to vector<400x1xi1>
      %broadcast_in_dim3A_553 = vector.broadcast %broadcast_in_dim3A_552 : vector<400x1xi1> to vector<400x128xi1>
      %broadcast_in_dim3A_554 = vector.broadcast %jit3A : f32 to vector<400x128xf32>
      %select_n3A = arith.select %broadcast_in_dim3A_553, %get3A_8, %broadcast_in_dim3A_554 : vector<400x128xi1>, vector<400x128xf32>
      %get3A_555 = arith.constant 48 : index
      %get3A_556 = arith.constant 0 : index
      %get3A_557 = vector.load %arg4[%get3A_555, %get3A_556] : memref<64x128xf32, #tpu.memory_space<vmem>>, vector<1x128xf32>
      %reduce_max3A_558 = arith.constant dense<0xFF800000> : vector<128xf32>
      %reduce_max3A_559 = vector.multi_reduction <maximumf>, %select_n3A, %reduce_max3A_558 [0] : vector<400x128xf32> to vector<128xf32>
      %broadcast_in_dim3A_560 = vector.shape_cast %reduce_max3A_559 : vector<128xf32> to vector<1x128xf32>
      %max3A = arith.maximumf %get3A_557, %broadcast_in_dim3A_560 : vector<1x128xf32>
      %swap3A_561 = arith.constant 48 : index
      %swap3A_562 = arith.constant 0 : index
      %swap3A_563 = vector.load %arg4[%swap3A_561, %swap3A_562] : memref<64x128xf32, #tpu.memory_space<vmem>>, vector<1x128xf32>
      tpu.vector_store %arg4[%swap3A_561, %swap3A_562], %max3A {strides = array<i32>} : memref<64x128xf32, #tpu.memory_space<vmem>>, vector<1x128xf32>,
    } else {
    }
    %le3A_428 = arith.constant 49 : i32
    %le3A_429 = arith.cmpi sle, %reduce_min3A_34, %le3A_428 : i32
    %ge3A_430 = arith.constant 49 : i32
    %ge3A_431 = arith.cmpi sge, %reduce_max3A_38, %ge3A_430 : i32
    %and3A_432 = arith.andi %le3A_429, %ge3A_431 : i1
    %convert_element_type3A_433 = arith.extui %and3A_432 : i1 to i32
    %cond3A_434 = arith.constant 0 : i32
    %cond3A_435 = arith.cmpi ne, %convert_element_type3A_433, %cond3A_434 : i32
    scf.if %cond3A_435 {
      %broadcast_in_dim3A_548 = vector.shape_cast %get3A_5 : vector<400xi32> to vector<400x1xi32>
      %eq3A_549 = arith.constant 49 : i32
      %eq3A_550 = vector.broadcast %eq3A_549 : i32 to vector<400x1xi32>
      %eq3A_551 = arith.cmpi eq, %broadcast_in_dim3A_548, %eq3A_550 : vector<400x1xi32>
      %jit3A = arith.constant -1.000000e+30 : f32
      %broadcast_in_dim3A_552 = vector.shape_cast %eq3A_551 : vector<400x1xi1> to vector<400x1xi1>
      %broadcast_in_dim3A_553 = vector.broadcast %broadcast_in_dim3A_552 : vector<400x1xi1> to vector<400x128xi1>
      %broadcast_in_dim3A_554 = vector.broadcast %jit3A : f32 to vector<400x128xf32>
      %select_n3A = arith.select %broadcast_in_dim3A_553, %get3A_8, %broadcast_in_dim3A_554 : vector<400x128xi1>, vector<400x128xf32>
      %get3A_555 = arith.constant 49 : index
      %get3A_556 = arith.constant 0 : index
      %get3A_557 = vector.load %arg4[%get3A_555, %get3A_556] : memref<64x128xf32, #tpu.memory_space<vmem>>, vector<1x128xf32>
      %reduce_max3A_558 = arith.constant dense<0xFF800000> : vector<128xf32>
      %reduce_max3A_559 = vector.multi_reduction <maximumf>, %select_n3A, %reduce_max3A_558 [0] : vector<400x128xf32> to vector<128xf32>
      %broadcast_in_dim3A_560 = vector.shape_cast %reduce_max3A_559 : vector<128xf32> to vector<1x128xf32>
      %max3A = arith.maximumf %get3A_557, %broadcast_in_dim3A_560 : vector<1x128xf32>
      %swap3A_561 = arith.constant 49 : index
      %swap3A_562 = arith.constant 0 : index
      %swap3A_563 = vector.load %arg4[%swap3A_561, %swap3A_562] : memref<64x128xf32, #tpu.memory_space<vmem>>, vector<1x128xf32>
      tpu.vector_store %arg4[%swap3A_561, %swap3A_562], %max3A {strides = array<i32>} : memref<64x128xf32, #tpu.memory_space<vmem>>, vector<1x128xf32>,
    } else {
    }
    %le3A_436 = arith.constant 50 : i32
    %le3A_437 = arith.cmpi sle, %reduce_min3A_34, %le3A_436 : i32
    %ge3A_438 = arith.constant 50 : i32
    %ge3A_439 = arith.cmpi sge, %reduce_max3A_38, %ge3A_438 : i32
    %and3A_440 = arith.andi %le3A_437, %ge3A_439 : i1
    %convert_element_type3A_441 = arith.extui %and3A_440 : i1 to i32
    %cond3A_442 = arith.constant 0 : i32
    %cond3A_443 = arith.cmpi ne, %convert_element_type3A_441, %cond3A_442 : i32
    scf.if %cond3A_443 {
      %broadcast_in_dim3A_548 = vector.shape_cast %get3A_5 : vector<400xi32> to vector<400x1xi32>
      %eq3A_549 = arith.constant 50 : i32
      %eq3A_550 = vector.broadcast %eq3A_549 : i32 to vector<400x1xi32>
      %eq3A_551 = arith.cmpi eq, %broadcast_in_dim3A_548, %eq3A_550 : vector<400x1xi32>
      %jit3A = arith.constant -1.000000e+30 : f32
      %broadcast_in_dim3A_552 = vector.shape_cast %eq3A_551 : vector<400x1xi1> to vector<400x1xi1>
      %broadcast_in_dim3A_553 = vector.broadcast %broadcast_in_dim3A_552 : vector<400x1xi1> to vector<400x128xi1>
      %broadcast_in_dim3A_554 = vector.broadcast %jit3A : f32 to vector<400x128xf32>
      %select_n3A = arith.select %broadcast_in_dim3A_553, %get3A_8, %broadcast_in_dim3A_554 : vector<400x128xi1>, vector<400x128xf32>
      %get3A_555 = arith.constant 50 : index
      %get3A_556 = arith.constant 0 : index
      %get3A_557 = vector.load %arg4[%get3A_555, %get3A_556] : memref<64x128xf32, #tpu.memory_space<vmem>>, vector<1x128xf32>
      %reduce_max3A_558 = arith.constant dense<0xFF800000> : vector<128xf32>
      %reduce_max3A_559 = vector.multi_reduction <maximumf>, %select_n3A, %reduce_max3A_558 [0] : vector<400x128xf32> to vector<128xf32>
      %broadcast_in_dim3A_560 = vector.shape_cast %reduce_max3A_559 : vector<128xf32> to vector<1x128xf32>
      %max3A = arith.maximumf %get3A_557, %broadcast_in_dim3A_560 : vector<1x128xf32>
      %swap3A_561 = arith.constant 50 : index
      %swap3A_562 = arith.constant 0 : index
      %swap3A_563 = vector.load %arg4[%swap3A_561, %swap3A_562] : memref<64x128xf32, #tpu.memory_space<vmem>>, vector<1x128xf32>
      tpu.vector_store %arg4[%swap3A_561, %swap3A_562], %max3A {strides = array<i32>} : memref<64x128xf32, #tpu.memory_space<vmem>>, vector<1x128xf32>,
    } else {
    }
    %le3A_444 = arith.constant 51 : i32
    %le3A_445 = arith.cmpi sle, %reduce_min3A_34, %le3A_444 : i32
    %ge3A_446 = arith.constant 51 : i32
    %ge3A_447 = arith.cmpi sge, %reduce_max3A_38, %ge3A_446 : i32
    %and3A_448 = arith.andi %le3A_445, %ge3A_447 : i1
    %convert_element_type3A_449 = arith.extui %and3A_448 : i1 to i32
    %cond3A_450 = arith.constant 0 : i32
    %cond3A_451 = arith.cmpi ne, %convert_element_type3A_449, %cond3A_450 : i32
    scf.if %cond3A_451 {
      %broadcast_in_dim3A_548 = vector.shape_cast %get3A_5 : vector<400xi32> to vector<400x1xi32>
      %eq3A_549 = arith.constant 51 : i32
      %eq3A_550 = vector.broadcast %eq3A_549 : i32 to vector<400x1xi32>
      %eq3A_551 = arith.cmpi eq, %broadcast_in_dim3A_548, %eq3A_550 : vector<400x1xi32>
      %jit3A = arith.constant -1.000000e+30 : f32
      %broadcast_in_dim3A_552 = vector.shape_cast %eq3A_551 : vector<400x1xi1> to vector<400x1xi1>
      %broadcast_in_dim3A_553 = vector.broadcast %broadcast_in_dim3A_552 : vector<400x1xi1> to vector<400x128xi1>
      %broadcast_in_dim3A_554 = vector.broadcast %jit3A : f32 to vector<400x128xf32>
      %select_n3A = arith.select %broadcast_in_dim3A_553, %get3A_8, %broadcast_in_dim3A_554 : vector<400x128xi1>, vector<400x128xf32>
      %get3A_555 = arith.constant 51 : index
      %get3A_556 = arith.constant 0 : index
      %get3A_557 = vector.load %arg4[%get3A_555, %get3A_556] : memref<64x128xf32, #tpu.memory_space<vmem>>, vector<1x128xf32>
      %reduce_max3A_558 = arith.constant dense<0xFF800000> : vector<128xf32>
      %reduce_max3A_559 = vector.multi_reduction <maximumf>, %select_n3A, %reduce_max3A_558 [0] : vector<400x128xf32> to vector<128xf32>
      %broadcast_in_dim3A_560 = vector.shape_cast %reduce_max3A_559 : vector<128xf32> to vector<1x128xf32>
      %max3A = arith.maximumf %get3A_557, %broadcast_in_dim3A_560 : vector<1x128xf32>
      %swap3A_561 = arith.constant 51 : index
      %swap3A_562 = arith.constant 0 : index
      %swap3A_563 = vector.load %arg4[%swap3A_561, %swap3A_562] : memref<64x128xf32, #tpu.memory_space<vmem>>, vector<1x128xf32>
      tpu.vector_store %arg4[%swap3A_561, %swap3A_562], %max3A {strides = array<i32>} : memref<64x128xf32, #tpu.memory_space<vmem>>, vector<1x128xf32>,
    } else {
    }
    %le3A_452 = arith.constant 52 : i32
    %le3A_453 = arith.cmpi sle, %reduce_min3A_34, %le3A_452 : i32
    %ge3A_454 = arith.constant 52 : i32
    %ge3A_455 = arith.cmpi sge, %reduce_max3A_38, %ge3A_454 : i32
    %and3A_456 = arith.andi %le3A_453, %ge3A_455 : i1
    %convert_element_type3A_457 = arith.extui %and3A_456 : i1 to i32
    %cond3A_458 = arith.constant 0 : i32
    %cond3A_459 = arith.cmpi ne, %convert_element_type3A_457, %cond3A_458 : i32
    scf.if %cond3A_459 {
      %broadcast_in_dim3A_548 = vector.shape_cast %get3A_5 : vector<400xi32> to vector<400x1xi32>
      %eq3A_549 = arith.constant 52 : i32
      %eq3A_550 = vector.broadcast %eq3A_549 : i32 to vector<400x1xi32>
      %eq3A_551 = arith.cmpi eq, %broadcast_in_dim3A_548, %eq3A_550 : vector<400x1xi32>
      %jit3A = arith.constant -1.000000e+30 : f32
      %broadcast_in_dim3A_552 = vector.shape_cast %eq3A_551 : vector<400x1xi1> to vector<400x1xi1>
      %broadcast_in_dim3A_553 = vector.broadcast %broadcast_in_dim3A_552 : vector<400x1xi1> to vector<400x128xi1>
      %broadcast_in_dim3A_554 = vector.broadcast %jit3A : f32 to vector<400x128xf32>
      %select_n3A = arith.select %broadcast_in_dim3A_553, %get3A_8, %broadcast_in_dim3A_554 : vector<400x128xi1>, vector<400x128xf32>
      %get3A_555 = arith.constant 52 : index
      %get3A_556 = arith.constant 0 : index
      %get3A_557 = vector.load %arg4[%get3A_555, %get3A_556] : memref<64x128xf32, #tpu.memory_space<vmem>>, vector<1x128xf32>
      %reduce_max3A_558 = arith.constant dense<0xFF800000> : vector<128xf32>
      %reduce_max3A_559 = vector.multi_reduction <maximumf>, %select_n3A, %reduce_max3A_558 [0] : vector<400x128xf32> to vector<128xf32>
      %broadcast_in_dim3A_560 = vector.shape_cast %reduce_max3A_559 : vector<128xf32> to vector<1x128xf32>
      %max3A = arith.maximumf %get3A_557, %broadcast_in_dim3A_560 : vector<1x128xf32>
      %swap3A_561 = arith.constant 52 : index
      %swap3A_562 = arith.constant 0 : index
      %swap3A_563 = vector.load %arg4[%swap3A_561, %swap3A_562] : memref<64x128xf32, #tpu.memory_space<vmem>>, vector<1x128xf32>
      tpu.vector_store %arg4[%swap3A_561, %swap3A_562], %max3A {strides = array<i32>} : memref<64x128xf32, #tpu.memory_space<vmem>>, vector<1x128xf32>,
    } else {
    }
    %le3A_460 = arith.constant 53 : i32
    %le3A_461 = arith.cmpi sle, %reduce_min3A_34, %le3A_460 : i32
    %ge3A_462 = arith.constant 53 : i32
    %ge3A_463 = arith.cmpi sge, %reduce_max3A_38, %ge3A_462 : i32
    %and3A_464 = arith.andi %le3A_461, %ge3A_463 : i1
    %convert_element_type3A_465 = arith.extui %and3A_464 : i1 to i32
    %cond3A_466 = arith.constant 0 : i32
    %cond3A_467 = arith.cmpi ne, %convert_element_type3A_465, %cond3A_466 : i32
    scf.if %cond3A_467 {
      %broadcast_in_dim3A_548 = vector.shape_cast %get3A_5 : vector<400xi32> to vector<400x1xi32>
      %eq3A_549 = arith.constant 53 : i32
      %eq3A_550 = vector.broadcast %eq3A_549 : i32 to vector<400x1xi32>
      %eq3A_551 = arith.cmpi eq, %broadcast_in_dim3A_548, %eq3A_550 : vector<400x1xi32>
      %jit3A = arith.constant -1.000000e+30 : f32
      %broadcast_in_dim3A_552 = vector.shape_cast %eq3A_551 : vector<400x1xi1> to vector<400x1xi1>
      %broadcast_in_dim3A_553 = vector.broadcast %broadcast_in_dim3A_552 : vector<400x1xi1> to vector<400x128xi1>
      %broadcast_in_dim3A_554 = vector.broadcast %jit3A : f32 to vector<400x128xf32>
      %select_n3A = arith.select %broadcast_in_dim3A_553, %get3A_8, %broadcast_in_dim3A_554 : vector<400x128xi1>, vector<400x128xf32>
      %get3A_555 = arith.constant 53 : index
      %get3A_556 = arith.constant 0 : index
      %get3A_557 = vector.load %arg4[%get3A_555, %get3A_556] : memref<64x128xf32, #tpu.memory_space<vmem>>, vector<1x128xf32>
      %reduce_max3A_558 = arith.constant dense<0xFF800000> : vector<128xf32>
      %reduce_max3A_559 = vector.multi_reduction <maximumf>, %select_n3A, %reduce_max3A_558 [0] : vector<400x128xf32> to vector<128xf32>
      %broadcast_in_dim3A_560 = vector.shape_cast %reduce_max3A_559 : vector<128xf32> to vector<1x128xf32>
      %max3A = arith.maximumf %get3A_557, %broadcast_in_dim3A_560 : vector<1x128xf32>
      %swap3A_561 = arith.constant 53 : index
      %swap3A_562 = arith.constant 0 : index
      %swap3A_563 = vector.load %arg4[%swap3A_561, %swap3A_562] : memref<64x128xf32, #tpu.memory_space<vmem>>, vector<1x128xf32>
      tpu.vector_store %arg4[%swap3A_561, %swap3A_562], %max3A {strides = array<i32>} : memref<64x128xf32, #tpu.memory_space<vmem>>, vector<1x128xf32>,
    } else {
    }
    %le3A_468 = arith.constant 54 : i32
    %le3A_469 = arith.cmpi sle, %reduce_min3A_34, %le3A_468 : i32
    %ge3A_470 = arith.constant 54 : i32
    %ge3A_471 = arith.cmpi sge, %reduce_max3A_38, %ge3A_470 : i32
    %and3A_472 = arith.andi %le3A_469, %ge3A_471 : i1
    %convert_element_type3A_473 = arith.extui %and3A_472 : i1 to i32
    %cond3A_474 = arith.constant 0 : i32
    %cond3A_475 = arith.cmpi ne, %convert_element_type3A_473, %cond3A_474 : i32
    scf.if %cond3A_475 {
      %broadcast_in_dim3A_548 = vector.shape_cast %get3A_5 : vector<400xi32> to vector<400x1xi32>
      %eq3A_549 = arith.constant 54 : i32
      %eq3A_550 = vector.broadcast %eq3A_549 : i32 to vector<400x1xi32>
      %eq3A_551 = arith.cmpi eq, %broadcast_in_dim3A_548, %eq3A_550 : vector<400x1xi32>
      %jit3A = arith.constant -1.000000e+30 : f32
      %broadcast_in_dim3A_552 = vector.shape_cast %eq3A_551 : vector<400x1xi1> to vector<400x1xi1>
      %broadcast_in_dim3A_553 = vector.broadcast %broadcast_in_dim3A_552 : vector<400x1xi1> to vector<400x128xi1>
      %broadcast_in_dim3A_554 = vector.broadcast %jit3A : f32 to vector<400x128xf32>
      %select_n3A = arith.select %broadcast_in_dim3A_553, %get3A_8, %broadcast_in_dim3A_554 : vector<400x128xi1>, vector<400x128xf32>
      %get3A_555 = arith.constant 54 : index
      %get3A_556 = arith.constant 0 : index
      %get3A_557 = vector.load %arg4[%get3A_555, %get3A_556] : memref<64x128xf32, #tpu.memory_space<vmem>>, vector<1x128xf32>
      %reduce_max3A_558 = arith.constant dense<0xFF800000> : vector<128xf32>
      %reduce_max3A_559 = vector.multi_reduction <maximumf>, %select_n3A, %reduce_max3A_558 [0] : vector<400x128xf32> to vector<128xf32>
      %broadcast_in_dim3A_560 = vector.shape_cast %reduce_max3A_559 : vector<128xf32> to vector<1x128xf32>
      %max3A = arith.maximumf %get3A_557, %broadcast_in_dim3A_560 : vector<1x128xf32>
      %swap3A_561 = arith.constant 54 : index
      %swap3A_562 = arith.constant 0 : index
      %swap3A_563 = vector.load %arg4[%swap3A_561, %swap3A_562] : memref<64x128xf32, #tpu.memory_space<vmem>>, vector<1x128xf32>
      tpu.vector_store %arg4[%swap3A_561, %swap3A_562], %max3A {strides = array<i32>} : memref<64x128xf32, #tpu.memory_space<vmem>>, vector<1x128xf32>,
    } else {
    }
    %le3A_476 = arith.constant 55 : i32
    %le3A_477 = arith.cmpi sle, %reduce_min3A_34, %le3A_476 : i32
    %ge3A_478 = arith.constant 55 : i32
    %ge3A_479 = arith.cmpi sge, %reduce_max3A_38, %ge3A_478 : i32
    %and3A_480 = arith.andi %le3A_477, %ge3A_479 : i1
    %convert_element_type3A_481 = arith.extui %and3A_480 : i1 to i32
    %cond3A_482 = arith.constant 0 : i32
    %cond3A_483 = arith.cmpi ne, %convert_element_type3A_481, %cond3A_482 : i32
    scf.if %cond3A_483 {
      %broadcast_in_dim3A_548 = vector.shape_cast %get3A_5 : vector<400xi32> to vector<400x1xi32>
      %eq3A_549 = arith.constant 55 : i32
      %eq3A_550 = vector.broadcast %eq3A_549 : i32 to vector<400x1xi32>
      %eq3A_551 = arith.cmpi eq, %broadcast_in_dim3A_548, %eq3A_550 : vector<400x1xi32>
      %jit3A = arith.constant -1.000000e+30 : f32
      %broadcast_in_dim3A_552 = vector.shape_cast %eq3A_551 : vector<400x1xi1> to vector<400x1xi1>
      %broadcast_in_dim3A_553 = vector.broadcast %broadcast_in_dim3A_552 : vector<400x1xi1> to vector<400x128xi1>
      %broadcast_in_dim3A_554 = vector.broadcast %jit3A : f32 to vector<400x128xf32>
      %select_n3A = arith.select %broadcast_in_dim3A_553, %get3A_8, %broadcast_in_dim3A_554 : vector<400x128xi1>, vector<400x128xf32>
      %get3A_555 = arith.constant 55 : index
      %get3A_556 = arith.constant 0 : index
      %get3A_557 = vector.load %arg4[%get3A_555, %get3A_556] : memref<64x128xf32, #tpu.memory_space<vmem>>, vector<1x128xf32>
      %reduce_max3A_558 = arith.constant dense<0xFF800000> : vector<128xf32>
      %reduce_max3A_559 = vector.multi_reduction <maximumf>, %select_n3A, %reduce_max3A_558 [0] : vector<400x128xf32> to vector<128xf32>
      %broadcast_in_dim3A_560 = vector.shape_cast %reduce_max3A_559 : vector<128xf32> to vector<1x128xf32>
      %max3A = arith.maximumf %get3A_557, %broadcast_in_dim3A_560 : vector<1x128xf32>
      %swap3A_561 = arith.constant 55 : index
      %swap3A_562 = arith.constant 0 : index
      %swap3A_563 = vector.load %arg4[%swap3A_561, %swap3A_562] : memref<64x128xf32, #tpu.memory_space<vmem>>, vector<1x128xf32>
      tpu.vector_store %arg4[%swap3A_561, %swap3A_562], %max3A {strides = array<i32>} : memref<64x128xf32, #tpu.memory_space<vmem>>, vector<1x128xf32>,
    } else {
    }
    %le3A_484 = arith.constant 56 : i32
    %le3A_485 = arith.cmpi sle, %reduce_min3A_34, %le3A_484 : i32
    %ge3A_486 = arith.constant 56 : i32
    %ge3A_487 = arith.cmpi sge, %reduce_max3A_38, %ge3A_486 : i32
    %and3A_488 = arith.andi %le3A_485, %ge3A_487 : i1
    %convert_element_type3A_489 = arith.extui %and3A_488 : i1 to i32
    %cond3A_490 = arith.constant 0 : i32
    %cond3A_491 = arith.cmpi ne, %convert_element_type3A_489, %cond3A_490 : i32
    scf.if %cond3A_491 {
      %broadcast_in_dim3A_548 = vector.shape_cast %get3A_5 : vector<400xi32> to vector<400x1xi32>
      %eq3A_549 = arith.constant 56 : i32
      %eq3A_550 = vector.broadcast %eq3A_549 : i32 to vector<400x1xi32>
      %eq3A_551 = arith.cmpi eq, %broadcast_in_dim3A_548, %eq3A_550 : vector<400x1xi32>
      %jit3A = arith.constant -1.000000e+30 : f32
      %broadcast_in_dim3A_552 = vector.shape_cast %eq3A_551 : vector<400x1xi1> to vector<400x1xi1>
      %broadcast_in_dim3A_553 = vector.broadcast %broadcast_in_dim3A_552 : vector<400x1xi1> to vector<400x128xi1>
      %broadcast_in_dim3A_554 = vector.broadcast %jit3A : f32 to vector<400x128xf32>
      %select_n3A = arith.select %broadcast_in_dim3A_553, %get3A_8, %broadcast_in_dim3A_554 : vector<400x128xi1>, vector<400x128xf32>
      %get3A_555 = arith.constant 56 : index
      %get3A_556 = arith.constant 0 : index
      %get3A_557 = vector.load %arg4[%get3A_555, %get3A_556] : memref<64x128xf32, #tpu.memory_space<vmem>>, vector<1x128xf32>
      %reduce_max3A_558 = arith.constant dense<0xFF800000> : vector<128xf32>
      %reduce_max3A_559 = vector.multi_reduction <maximumf>, %select_n3A, %reduce_max3A_558 [0] : vector<400x128xf32> to vector<128xf32>
      %broadcast_in_dim3A_560 = vector.shape_cast %reduce_max3A_559 : vector<128xf32> to vector<1x128xf32>
      %max3A = arith.maximumf %get3A_557, %broadcast_in_dim3A_560 : vector<1x128xf32>
      %swap3A_561 = arith.constant 56 : index
      %swap3A_562 = arith.constant 0 : index
      %swap3A_563 = vector.load %arg4[%swap3A_561, %swap3A_562] : memref<64x128xf32, #tpu.memory_space<vmem>>, vector<1x128xf32>
      tpu.vector_store %arg4[%swap3A_561, %swap3A_562], %max3A {strides = array<i32>} : memref<64x128xf32, #tpu.memory_space<vmem>>, vector<1x128xf32>,
    } else {
    }
    %le3A_492 = arith.constant 57 : i32
    %le3A_493 = arith.cmpi sle, %reduce_min3A_34, %le3A_492 : i32
    %ge3A_494 = arith.constant 57 : i32
    %ge3A_495 = arith.cmpi sge, %reduce_max3A_38, %ge3A_494 : i32
    %and3A_496 = arith.andi %le3A_493, %ge3A_495 : i1
    %convert_element_type3A_497 = arith.extui %and3A_496 : i1 to i32
    %cond3A_498 = arith.constant 0 : i32
    %cond3A_499 = arith.cmpi ne, %convert_element_type3A_497, %cond3A_498 : i32
    scf.if %cond3A_499 {
      %broadcast_in_dim3A_548 = vector.shape_cast %get3A_5 : vector<400xi32> to vector<400x1xi32>
      %eq3A_549 = arith.constant 57 : i32
      %eq3A_550 = vector.broadcast %eq3A_549 : i32 to vector<400x1xi32>
      %eq3A_551 = arith.cmpi eq, %broadcast_in_dim3A_548, %eq3A_550 : vector<400x1xi32>
      %jit3A = arith.constant -1.000000e+30 : f32
      %broadcast_in_dim3A_552 = vector.shape_cast %eq3A_551 : vector<400x1xi1> to vector<400x1xi1>
      %broadcast_in_dim3A_553 = vector.broadcast %broadcast_in_dim3A_552 : vector<400x1xi1> to vector<400x128xi1>
      %broadcast_in_dim3A_554 = vector.broadcast %jit3A : f32 to vector<400x128xf32>
      %select_n3A = arith.select %broadcast_in_dim3A_553, %get3A_8, %broadcast_in_dim3A_554 : vector<400x128xi1>, vector<400x128xf32>
      %get3A_555 = arith.constant 57 : index
      %get3A_556 = arith.constant 0 : index
      %get3A_557 = vector.load %arg4[%get3A_555, %get3A_556] : memref<64x128xf32, #tpu.memory_space<vmem>>, vector<1x128xf32>
      %reduce_max3A_558 = arith.constant dense<0xFF800000> : vector<128xf32>
      %reduce_max3A_559 = vector.multi_reduction <maximumf>, %select_n3A, %reduce_max3A_558 [0] : vector<400x128xf32> to vector<128xf32>
      %broadcast_in_dim3A_560 = vector.shape_cast %reduce_max3A_559 : vector<128xf32> to vector<1x128xf32>
      %max3A = arith.maximumf %get3A_557, %broadcast_in_dim3A_560 : vector<1x128xf32>
      %swap3A_561 = arith.constant 57 : index
      %swap3A_562 = arith.constant 0 : index
      %swap3A_563 = vector.load %arg4[%swap3A_561, %swap3A_562] : memref<64x128xf32, #tpu.memory_space<vmem>>, vector<1x128xf32>
      tpu.vector_store %arg4[%swap3A_561, %swap3A_562], %max3A {strides = array<i32>} : memref<64x128xf32, #tpu.memory_space<vmem>>, vector<1x128xf32>,
    } else {
    }
    %le3A_500 = arith.constant 58 : i32
    %le3A_501 = arith.cmpi sle, %reduce_min3A_34, %le3A_500 : i32
    %ge3A_502 = arith.constant 58 : i32
    %ge3A_503 = arith.cmpi sge, %reduce_max3A_38, %ge3A_502 : i32
    %and3A_504 = arith.andi %le3A_501, %ge3A_503 : i1
    %convert_element_type3A_505 = arith.extui %and3A_504 : i1 to i32
    %cond3A_506 = arith.constant 0 : i32
    %cond3A_507 = arith.cmpi ne, %convert_element_type3A_505, %cond3A_506 : i32
    scf.if %cond3A_507 {
      %broadcast_in_dim3A_548 = vector.shape_cast %get3A_5 : vector<400xi32> to vector<400x1xi32>
      %eq3A_549 = arith.constant 58 : i32
      %eq3A_550 = vector.broadcast %eq3A_549 : i32 to vector<400x1xi32>
      %eq3A_551 = arith.cmpi eq, %broadcast_in_dim3A_548, %eq3A_550 : vector<400x1xi32>
      %jit3A = arith.constant -1.000000e+30 : f32
      %broadcast_in_dim3A_552 = vector.shape_cast %eq3A_551 : vector<400x1xi1> to vector<400x1xi1>
      %broadcast_in_dim3A_553 = vector.broadcast %broadcast_in_dim3A_552 : vector<400x1xi1> to vector<400x128xi1>
      %broadcast_in_dim3A_554 = vector.broadcast %jit3A : f32 to vector<400x128xf32>
      %select_n3A = arith.select %broadcast_in_dim3A_553, %get3A_8, %broadcast_in_dim3A_554 : vector<400x128xi1>, vector<400x128xf32>
      %get3A_555 = arith.constant 58 : index
      %get3A_556 = arith.constant 0 : index
      %get3A_557 = vector.load %arg4[%get3A_555, %get3A_556] : memref<64x128xf32, #tpu.memory_space<vmem>>, vector<1x128xf32>
      %reduce_max3A_558 = arith.constant dense<0xFF800000> : vector<128xf32>
      %reduce_max3A_559 = vector.multi_reduction <maximumf>, %select_n3A, %reduce_max3A_558 [0] : vector<400x128xf32> to vector<128xf32>
      %broadcast_in_dim3A_560 = vector.shape_cast %reduce_max3A_559 : vector<128xf32> to vector<1x128xf32>
      %max3A = arith.maximumf %get3A_557, %broadcast_in_dim3A_560 : vector<1x128xf32>
      %swap3A_561 = arith.constant 58 : index
      %swap3A_562 = arith.constant 0 : index
      %swap3A_563 = vector.load %arg4[%swap3A_561, %swap3A_562] : memref<64x128xf32, #tpu.memory_space<vmem>>, vector<1x128xf32>
      tpu.vector_store %arg4[%swap3A_561, %swap3A_562], %max3A {strides = array<i32>} : memref<64x128xf32, #tpu.memory_space<vmem>>, vector<1x128xf32>,
    } else {
    }
    %le3A_508 = arith.constant 59 : i32
    %le3A_509 = arith.cmpi sle, %reduce_min3A_34, %le3A_508 : i32
    %ge3A_510 = arith.constant 59 : i32
    %ge3A_511 = arith.cmpi sge, %reduce_max3A_38, %ge3A_510 : i32
    %and3A_512 = arith.andi %le3A_509, %ge3A_511 : i1
    %convert_element_type3A_513 = arith.extui %and3A_512 : i1 to i32
    %cond3A_514 = arith.constant 0 : i32
    %cond3A_515 = arith.cmpi ne, %convert_element_type3A_513, %cond3A_514 : i32
    scf.if %cond3A_515 {
      %broadcast_in_dim3A_548 = vector.shape_cast %get3A_5 : vector<400xi32> to vector<400x1xi32>
      %eq3A_549 = arith.constant 59 : i32
      %eq3A_550 = vector.broadcast %eq3A_549 : i32 to vector<400x1xi32>
      %eq3A_551 = arith.cmpi eq, %broadcast_in_dim3A_548, %eq3A_550 : vector<400x1xi32>
      %jit3A = arith.constant -1.000000e+30 : f32
      %broadcast_in_dim3A_552 = vector.shape_cast %eq3A_551 : vector<400x1xi1> to vector<400x1xi1>
      %broadcast_in_dim3A_553 = vector.broadcast %broadcast_in_dim3A_552 : vector<400x1xi1> to vector<400x128xi1>
      %broadcast_in_dim3A_554 = vector.broadcast %jit3A : f32 to vector<400x128xf32>
      %select_n3A = arith.select %broadcast_in_dim3A_553, %get3A_8, %broadcast_in_dim3A_554 : vector<400x128xi1>, vector<400x128xf32>
      %get3A_555 = arith.constant 59 : index
      %get3A_556 = arith.constant 0 : index
      %get3A_557 = vector.load %arg4[%get3A_555, %get3A_556] : memref<64x128xf32, #tpu.memory_space<vmem>>, vector<1x128xf32>
      %reduce_max3A_558 = arith.constant dense<0xFF800000> : vector<128xf32>
      %reduce_max3A_559 = vector.multi_reduction <maximumf>, %select_n3A, %reduce_max3A_558 [0] : vector<400x128xf32> to vector<128xf32>
      %broadcast_in_dim3A_560 = vector.shape_cast %reduce_max3A_559 : vector<128xf32> to vector<1x128xf32>
      %max3A = arith.maximumf %get3A_557, %broadcast_in_dim3A_560 : vector<1x128xf32>
      %swap3A_561 = arith.constant 59 : index
      %swap3A_562 = arith.constant 0 : index
      %swap3A_563 = vector.load %arg4[%swap3A_561, %swap3A_562] : memref<64x128xf32, #tpu.memory_space<vmem>>, vector<1x128xf32>
      tpu.vector_store %arg4[%swap3A_561, %swap3A_562], %max3A {strides = array<i32>} : memref<64x128xf32, #tpu.memory_space<vmem>>, vector<1x128xf32>,
    } else {
    }
    %le3A_516 = arith.constant 60 : i32
    %le3A_517 = arith.cmpi sle, %reduce_min3A_34, %le3A_516 : i32
    %ge3A_518 = arith.constant 60 : i32
    %ge3A_519 = arith.cmpi sge, %reduce_max3A_38, %ge3A_518 : i32
    %and3A_520 = arith.andi %le3A_517, %ge3A_519 : i1
    %convert_element_type3A_521 = arith.extui %and3A_520 : i1 to i32
    %cond3A_522 = arith.constant 0 : i32
    %cond3A_523 = arith.cmpi ne, %convert_element_type3A_521, %cond3A_522 : i32
    scf.if %cond3A_523 {
      %broadcast_in_dim3A_548 = vector.shape_cast %get3A_5 : vector<400xi32> to vector<400x1xi32>
      %eq3A_549 = arith.constant 60 : i32
      %eq3A_550 = vector.broadcast %eq3A_549 : i32 to vector<400x1xi32>
      %eq3A_551 = arith.cmpi eq, %broadcast_in_dim3A_548, %eq3A_550 : vector<400x1xi32>
      %jit3A = arith.constant -1.000000e+30 : f32
      %broadcast_in_dim3A_552 = vector.shape_cast %eq3A_551 : vector<400x1xi1> to vector<400x1xi1>
      %broadcast_in_dim3A_553 = vector.broadcast %broadcast_in_dim3A_552 : vector<400x1xi1> to vector<400x128xi1>
      %broadcast_in_dim3A_554 = vector.broadcast %jit3A : f32 to vector<400x128xf32>
      %select_n3A = arith.select %broadcast_in_dim3A_553, %get3A_8, %broadcast_in_dim3A_554 : vector<400x128xi1>, vector<400x128xf32>
      %get3A_555 = arith.constant 60 : index
      %get3A_556 = arith.constant 0 : index
      %get3A_557 = vector.load %arg4[%get3A_555, %get3A_556] : memref<64x128xf32, #tpu.memory_space<vmem>>, vector<1x128xf32>
      %reduce_max3A_558 = arith.constant dense<0xFF800000> : vector<128xf32>
      %reduce_max3A_559 = vector.multi_reduction <maximumf>, %select_n3A, %reduce_max3A_558 [0] : vector<400x128xf32> to vector<128xf32>
      %broadcast_in_dim3A_560 = vector.shape_cast %reduce_max3A_559 : vector<128xf32> to vector<1x128xf32>
      %max3A = arith.maximumf %get3A_557, %broadcast_in_dim3A_560 : vector<1x128xf32>
      %swap3A_561 = arith.constant 60 : index
      %swap3A_562 = arith.constant 0 : index
      %swap3A_563 = vector.load %arg4[%swap3A_561, %swap3A_562] : memref<64x128xf32, #tpu.memory_space<vmem>>, vector<1x128xf32>
      tpu.vector_store %arg4[%swap3A_561, %swap3A_562], %max3A {strides = array<i32>} : memref<64x128xf32, #tpu.memory_space<vmem>>, vector<1x128xf32>,
    } else {
    }
    %le3A_524 = arith.constant 61 : i32
    %le3A_525 = arith.cmpi sle, %reduce_min3A_34, %le3A_524 : i32
    %ge3A_526 = arith.constant 61 : i32
    %ge3A_527 = arith.cmpi sge, %reduce_max3A_38, %ge3A_526 : i32
    %and3A_528 = arith.andi %le3A_525, %ge3A_527 : i1
    %convert_element_type3A_529 = arith.extui %and3A_528 : i1 to i32
    %cond3A_530 = arith.constant 0 : i32
    %cond3A_531 = arith.cmpi ne, %convert_element_type3A_529, %cond3A_530 : i32
    scf.if %cond3A_531 {
      %broadcast_in_dim3A_548 = vector.shape_cast %get3A_5 : vector<400xi32> to vector<400x1xi32>
      %eq3A_549 = arith.constant 61 : i32
      %eq3A_550 = vector.broadcast %eq3A_549 : i32 to vector<400x1xi32>
      %eq3A_551 = arith.cmpi eq, %broadcast_in_dim3A_548, %eq3A_550 : vector<400x1xi32>
      %jit3A = arith.constant -1.000000e+30 : f32
      %broadcast_in_dim3A_552 = vector.shape_cast %eq3A_551 : vector<400x1xi1> to vector<400x1xi1>
      %broadcast_in_dim3A_553 = vector.broadcast %broadcast_in_dim3A_552 : vector<400x1xi1> to vector<400x128xi1>
      %broadcast_in_dim3A_554 = vector.broadcast %jit3A : f32 to vector<400x128xf32>
      %select_n3A = arith.select %broadcast_in_dim3A_553, %get3A_8, %broadcast_in_dim3A_554 : vector<400x128xi1>, vector<400x128xf32>
      %get3A_555 = arith.constant 61 : index
      %get3A_556 = arith.constant 0 : index
      %get3A_557 = vector.load %arg4[%get3A_555, %get3A_556] : memref<64x128xf32, #tpu.memory_space<vmem>>, vector<1x128xf32>
      %reduce_max3A_558 = arith.constant dense<0xFF800000> : vector<128xf32>
      %reduce_max3A_559 = vector.multi_reduction <maximumf>, %select_n3A, %reduce_max3A_558 [0] : vector<400x128xf32> to vector<128xf32>
      %broadcast_in_dim3A_560 = vector.shape_cast %reduce_max3A_559 : vector<128xf32> to vector<1x128xf32>
      %max3A = arith.maximumf %get3A_557, %broadcast_in_dim3A_560 : vector<1x128xf32>
      %swap3A_561 = arith.constant 61 : index
      %swap3A_562 = arith.constant 0 : index
      %swap3A_563 = vector.load %arg4[%swap3A_561, %swap3A_562] : memref<64x128xf32, #tpu.memory_space<vmem>>, vector<1x128xf32>
      tpu.vector_store %arg4[%swap3A_561, %swap3A_562], %max3A {strides = array<i32>} : memref<64x128xf32, #tpu.memory_space<vmem>>, vector<1x128xf32>,
    } else {
    }
    %le3A_532 = arith.constant 62 : i32
    %le3A_533 = arith.cmpi sle, %reduce_min3A_34, %le3A_532 : i32
    %ge3A_534 = arith.constant 62 : i32
    %ge3A_535 = arith.cmpi sge, %reduce_max3A_38, %ge3A_534 : i32
    %and3A_536 = arith.andi %le3A_533, %ge3A_535 : i1
    %convert_element_type3A_537 = arith.extui %and3A_536 : i1 to i32
    %cond3A_538 = arith.constant 0 : i32
    %cond3A_539 = arith.cmpi ne, %convert_element_type3A_537, %cond3A_538 : i32
    scf.if %cond3A_539 {
      %broadcast_in_dim3A_548 = vector.shape_cast %get3A_5 : vector<400xi32> to vector<400x1xi32>
      %eq3A_549 = arith.constant 62 : i32
      %eq3A_550 = vector.broadcast %eq3A_549 : i32 to vector<400x1xi32>
      %eq3A_551 = arith.cmpi eq, %broadcast_in_dim3A_548, %eq3A_550 : vector<400x1xi32>
      %jit3A = arith.constant -1.000000e+30 : f32
      %broadcast_in_dim3A_552 = vector.shape_cast %eq3A_551 : vector<400x1xi1> to vector<400x1xi1>
      %broadcast_in_dim3A_553 = vector.broadcast %broadcast_in_dim3A_552 : vector<400x1xi1> to vector<400x128xi1>
      %broadcast_in_dim3A_554 = vector.broadcast %jit3A : f32 to vector<400x128xf32>
      %select_n3A = arith.select %broadcast_in_dim3A_553, %get3A_8, %broadcast_in_dim3A_554 : vector<400x128xi1>, vector<400x128xf32>
      %get3A_555 = arith.constant 62 : index
      %get3A_556 = arith.constant 0 : index
      %get3A_557 = vector.load %arg4[%get3A_555, %get3A_556] : memref<64x128xf32, #tpu.memory_space<vmem>>, vector<1x128xf32>
      %reduce_max3A_558 = arith.constant dense<0xFF800000> : vector<128xf32>
      %reduce_max3A_559 = vector.multi_reduction <maximumf>, %select_n3A, %reduce_max3A_558 [0] : vector<400x128xf32> to vector<128xf32>
      %broadcast_in_dim3A_560 = vector.shape_cast %reduce_max3A_559 : vector<128xf32> to vector<1x128xf32>
      %max3A = arith.maximumf %get3A_557, %broadcast_in_dim3A_560 : vector<1x128xf32>
      %swap3A_561 = arith.constant 62 : index
      %swap3A_562 = arith.constant 0 : index
      %swap3A_563 = vector.load %arg4[%swap3A_561, %swap3A_562] : memref<64x128xf32, #tpu.memory_space<vmem>>, vector<1x128xf32>
      tpu.vector_store %arg4[%swap3A_561, %swap3A_562], %max3A {strides = array<i32>} : memref<64x128xf32, #tpu.memory_space<vmem>>, vector<1x128xf32>,
    } else {
    }
    %le3A_540 = arith.constant 63 : i32
    %le3A_541 = arith.cmpi sle, %reduce_min3A_34, %le3A_540 : i32
    %ge3A_542 = arith.constant 63 : i32
    %ge3A_543 = arith.cmpi sge, %reduce_max3A_38, %ge3A_542 : i32
    %and3A_544 = arith.andi %le3A_541, %ge3A_543 : i1
    %convert_element_type3A_545 = arith.extui %and3A_544 : i1 to i32
    %cond3A_546 = arith.constant 0 : i32
    %cond3A_547 = arith.cmpi ne, %convert_element_type3A_545, %cond3A_546 : i32
    scf.if %cond3A_547 {
      %broadcast_in_dim3A_548 = vector.shape_cast %get3A_5 : vector<400xi32> to vector<400x1xi32>
      %eq3A_549 = arith.constant 63 : i32
      %eq3A_550 = vector.broadcast %eq3A_549 : i32 to vector<400x1xi32>
      %eq3A_551 = arith.cmpi eq, %broadcast_in_dim3A_548, %eq3A_550 : vector<400x1xi32>
      %jit3A = arith.constant -1.000000e+30 : f32
      %broadcast_in_dim3A_552 = vector.shape_cast %eq3A_551 : vector<400x1xi1> to vector<400x1xi1>
      %broadcast_in_dim3A_553 = vector.broadcast %broadcast_in_dim3A_552 : vector<400x1xi1> to vector<400x128xi1>
      %broadcast_in_dim3A_554 = vector.broadcast %jit3A : f32 to vector<400x128xf32>
      %select_n3A = arith.select %broadcast_in_dim3A_553, %get3A_8, %broadcast_in_dim3A_554 : vector<400x128xi1>, vector<400x128xf32>
      %get3A_555 = arith.constant 63 : index
      %get3A_556 = arith.constant 0 : index
      %get3A_557 = vector.load %arg4[%get3A_555, %get3A_556] : memref<64x128xf32, #tpu.memory_space<vmem>>, vector<1x128xf32>
      %reduce_max3A_558 = arith.constant dense<0xFF800000> : vector<128xf32>
      %reduce_max3A_559 = vector.multi_reduction <maximumf>, %select_n3A, %reduce_max3A_558 [0] : vector<400x128xf32> to vector<128xf32>
      %broadcast_in_dim3A_560 = vector.shape_cast %reduce_max3A_559 : vector<128xf32> to vector<1x128xf32>
      %max3A = arith.maximumf %get3A_557, %broadcast_in_dim3A_560 : vector<1x128xf32>
      %swap3A_561 = arith.constant 63 : index
      %swap3A_562 = arith.constant 0 : index
      %swap3A_563 = vector.load %arg4[%swap3A_561, %swap3A_562] : memref<64x128xf32, #tpu.memory_space<vmem>>, vector<1x128xf32>
      tpu.vector_store %arg4[%swap3A_561, %swap3A_562], %max3A {strides = array<i32>} : memref<64x128xf32, #tpu.memory_space<vmem>>, vector<1x128xf32>,
    } else {
    }
    return
  }
  func.func @transform_0(%arg0: i32) -> (i32, i32, i32) {
    %c0_i32 = arith.constant 0 : i32
    %c0_i32_0 = arith.constant 0 : i32
    %c0_i32_1 = arith.constant 0 : i32
    return %arg0, %c0_i32, %c0_i32_0 : i32, i32, i32
  }
  func.func @transform_1(%arg0: i32) -> (i32, i32) {
    %c0_i32 = arith.constant 0 : i32
    %c0_i32_0 = arith.constant 0 : i32
    return %arg0, %c0_i32 : i32, i32
  }
  func.func @transform_2(%arg0: i32) -> (i32, i32) {
    %c0_i32 = arith.constant 0 : i32
    %c0_i32_0 = arith.constant 0 : i32
    %c0_i32_1 = arith.constant 0 : i32
    return %c0_i32, %c0_i32_0 : i32, i32
  }
  func.func @transform_3(%arg0: i32) -> (i32, i32) {
    %c0_i32 = arith.constant 0 : i32
    %c0_i32_0 = arith.constant 0 : i32
    %c0_i32_1 = arith.constant 0 : i32
    return %c0_i32, %c0_i32_0 : i32, i32
  }
  func.func @transform_4(%arg0: i32) -> (i32, i32) {
    %c0_i32 = arith.constant 0 : i32
    %c0_i32_0 = arith.constant 0 : i32
    %c0_i32_1 = arith.constant 0 : i32
    return %c0_i32, %c0_i32_0 : i32, i32
  }
}

module attributes {stable_mosaic.version = 14 : i64} {
  func.func @_head_body(%arg0: i32, %arg1: memref<64x128xf32, #tpu.memory_space<vmem>>, %arg2: memref<64x128xf32, #tpu.memory_space<vmem>>, %arg3: memref<64x128xf32, #tpu.memory_space<vmem>>, %arg4: memref<256x128xf32, #tpu.memory_space<vmem>>, %arg5: memref<128xf32, #tpu.memory_space<vmem>>, %arg6: memref<128x128xf32, #tpu.memory_space<vmem>>, %arg7: memref<128xf32, #tpu.memory_space<vmem>>, %arg8: memref<64x128xf32, #tpu.memory_space<vmem>>) attributes {dimension_semantics = [#tpu.dimension_semantics<arbitrary>], iteration_bounds = array<i64: 1>, scalar_prefetch = 0 : i64, scratch_operands = 0 : i64, tpu.core_type = #tpu.core_type<tc>, window_params = [{pipeline_mode = #tpu.pipeline_mode<synchronous>, transform_indices = @transform_0, window_bounds = array<i64: 64, 128>}, {pipeline_mode = #tpu.pipeline_mode<synchronous>, transform_indices = @transform_1, window_bounds = array<i64: 64, 128>}, {pipeline_mode = #tpu.pipeline_mode<synchronous>, transform_indices = @transform_2, window_bounds = array<i64: 64, 128>}, {pipeline_mode = #tpu.pipeline_mode<synchronous>, transform_indices = @transform_3, window_bounds = array<i64: 256, 128>}, {pipeline_mode = #tpu.pipeline_mode<synchronous>, transform_indices = @transform_4, window_bounds = array<i64: 128>}, {pipeline_mode = #tpu.pipeline_mode<synchronous>, transform_indices = @transform_5, window_bounds = array<i64: 128, 128>}, {pipeline_mode = #tpu.pipeline_mode<synchronous>, transform_indices = @transform_6, window_bounds = array<i64: 128>}, {pipeline_mode = #tpu.pipeline_mode<synchronous>, transform_indices = @transform_7, window_bounds = array<i64: 64, 128>}]} {
    %get3A = arith.constant 0 : index
    %get3A_0 = arith.constant 0 : index
    %get3A_1 = vector.load %arg3[%get3A, %get3A_0] : memref<64x128xf32, #tpu.memory_space<vmem>>, vector<64x128xf32>
    %get3A_2 = arith.constant 0 : index
    %get3A_3 = arith.constant 0 : index
    %get3A_4 = vector.load %arg1[%get3A_2, %get3A_3] : memref<64x128xf32, #tpu.memory_space<vmem>>, vector<64x128xf32>
    %max3A = arith.constant 1.000000e+00 : f32
    %max3A_5 = vector.broadcast %max3A : f32 to vector<64x128xf32>
    %max3A_6 = arith.maximumf %get3A_1, %max3A_5 : vector<64x128xf32>
    %div3A = arith.divf %get3A_4, %max3A_6 : vector<64x128xf32>
    %gt3A = arith.constant 0.000000e+00 : f32
    %gt3A_7 = vector.broadcast %gt3A : f32 to vector<64x128xf32>
    %gt3A_8 = arith.cmpf ogt, %get3A_1, %gt3A_7 : vector<64x128xf32>
    %get3A_9 = arith.constant 0 : index
    %get3A_10 = arith.constant 0 : index
    %get3A_11 = vector.load %arg2[%get3A_9, %get3A_10] : memref<64x128xf32, #tpu.memory_space<vmem>>, vector<64x128xf32>
    %jit3A = arith.constant 0.000000e+00 : f32
    %broadcast_in_dim3A = vector.broadcast %jit3A : f32 to vector<64x128xf32>
    %select_n3A = arith.select %gt3A_8, %get3A_11, %broadcast_in_dim3A : vector<64x128xi1>, vector<64x128xf32>
    %get3A_12 = arith.constant 0 : index
    %get3A_13 = arith.constant 0 : index
    %get3A_14 = vector.load %arg4[%get3A_12, %get3A_13] : memref<256x128xf32, #tpu.memory_space<vmem>>, vector<128x128xf32>
    %dot_general3A = arith.constant dense<0.000000e+00> : vector<64x128xf32>
    %dot_general3A_15 = tpu.matmul %div3A, %get3A_14, %dot_general3A {dimension_numbers = #tpu.dot_dimension_numbers<[1], [0], [0], [1], [0, 0, 1, 1], [], []>, transpose_lhs_hint = false} : vector<64x128xf32>, vector<128x128xf32>, vector<64x128xf32> -> vector<64x128xf32>
    %get3A_16 = arith.constant 128 : index
    %get3A_17 = arith.constant 0 : index
    %get3A_18 = vector.load %arg4[%get3A_16, %get3A_17] : memref<256x128xf32, #tpu.memory_space<vmem>>, vector<128x128xf32>
    %dot_general3A_19 = arith.constant dense<0.000000e+00> : vector<64x128xf32>
    %dot_general3A_20 = tpu.matmul %select_n3A, %get3A_18, %dot_general3A_19 {dimension_numbers = #tpu.dot_dimension_numbers<[1], [0], [0], [1], [0, 0, 1, 1], [], []>, transpose_lhs_hint = false} : vector<64x128xf32>, vector<128x128xf32>, vector<64x128xf32> -> vector<64x128xf32>
    %add3A = arith.addf %dot_general3A_15, %dot_general3A_20 : vector<64x128xf32>
    %get3A_21 = arith.constant 0 : index
    %get3A_22 = vector.load %arg5[%get3A_21] : memref<128xf32, #tpu.memory_space<vmem>>, vector<128xf32>
    %broadcast_in_dim3A_23 = vector.shape_cast %get3A_22 : vector<128xf32> to vector<1x128xf32>
    %add3A_24 = vector.broadcast %broadcast_in_dim3A_23 : vector<1x128xf32> to vector<64x128xf32>
    %add3A_25 = arith.addf %add3A, %add3A_24 : vector<64x128xf32>
    %max3A_26 = arith.constant 0.000000e+00 : f32
    %max3A_27 = vector.broadcast %max3A_26 : f32 to vector<64x128xf32>
    %max3A_28 = arith.maximumf %add3A_25, %max3A_27 : vector<64x128xf32>
    %get3A_29 = arith.constant 0 : index
    %get3A_30 = arith.constant 0 : index
    %get3A_31 = vector.load %arg6[%get3A_29, %get3A_30] : memref<128x128xf32, #tpu.memory_space<vmem>>, vector<128x128xf32>
    %dot_general3A_32 = arith.constant dense<0.000000e+00> : vector<64x128xf32>
    %dot_general3A_33 = tpu.matmul %max3A_28, %get3A_31, %dot_general3A_32 {dimension_numbers = #tpu.dot_dimension_numbers<[1], [0], [0], [1], [0, 0, 1, 1], [], []>, transpose_lhs_hint = false} : vector<64x128xf32>, vector<128x128xf32>, vector<64x128xf32> -> vector<64x128xf32>
    %get3A_34 = arith.constant 0 : index
    %get3A_35 = vector.load %arg7[%get3A_34] : memref<128xf32, #tpu.memory_space<vmem>>, vector<128xf32>
    %broadcast_in_dim3A_36 = vector.shape_cast %get3A_35 : vector<128xf32> to vector<1x128xf32>
    %add3A_37 = vector.broadcast %broadcast_in_dim3A_36 : vector<1x128xf32> to vector<64x128xf32>
    %add3A_38 = arith.addf %dot_general3A_33, %add3A_37 : vector<64x128xf32>
    %swap3A = arith.constant 0 : index
    %swap3A_39 = arith.constant 0 : index
    %swap3A_40 = vector.load %arg8[%swap3A, %swap3A_39] : memref<64x128xf32, #tpu.memory_space<vmem>>, vector<64x128xf32>
    tpu.vector_store %arg8[%swap3A, %swap3A_39], %add3A_38 {strides = array<i32>} : memref<64x128xf32, #tpu.memory_space<vmem>>, vector<64x128xf32>,
    return
  }
  func.func @transform_0(%arg0: i32) -> (i32, i32) {
    %c0_i32 = arith.constant 0 : i32
    %c0_i32_0 = arith.constant 0 : i32
    %c0_i32_1 = arith.constant 0 : i32
    return %c0_i32, %c0_i32_0 : i32, i32
  }
  func.func @transform_1(%arg0: i32) -> (i32, i32) {
    %c0_i32 = arith.constant 0 : i32
    %c0_i32_0 = arith.constant 0 : i32
    %c0_i32_1 = arith.constant 0 : i32
    return %c0_i32, %c0_i32_0 : i32, i32
  }
  func.func @transform_2(%arg0: i32) -> (i32, i32) {
    %c0_i32 = arith.constant 0 : i32
    %c0_i32_0 = arith.constant 0 : i32
    %c0_i32_1 = arith.constant 0 : i32
    return %c0_i32, %c0_i32_0 : i32, i32
  }
  func.func @transform_3(%arg0: i32) -> (i32, i32) {
    %c0_i32 = arith.constant 0 : i32
    %c0_i32_0 = arith.constant 0 : i32
    %c0_i32_1 = arith.constant 0 : i32
    return %c0_i32, %c0_i32_0 : i32, i32
  }
  func.func @transform_4(%arg0: i32) -> i32 {
    %c0_i32 = arith.constant 0 : i32
    %c0_i32_0 = arith.constant 0 : i32
    return %c0_i32 : i32
  }
  func.func @transform_5(%arg0: i32) -> (i32, i32) {
    %c0_i32 = arith.constant 0 : i32
    %c0_i32_0 = arith.constant 0 : i32
    %c0_i32_1 = arith.constant 0 : i32
    return %c0_i32, %c0_i32_0 : i32, i32
  }
  func.func @transform_6(%arg0: i32) -> i32 {
    %c0_i32 = arith.constant 0 : i32
    %c0_i32_0 = arith.constant 0 : i32
    return %c0_i32 : i32
  }
  func.func @transform_7(%arg0: i32) -> (i32, i32) {
    %c0_i32 = arith.constant 0 : i32
    %c0_i32_0 = arith.constant 0 : i32
    %c0_i32_1 = arith.constant 0 : i32
    return %c0_i32, %c0_i32_0 : i32, i32
  }
}

</mosaic_0001>

<sc_bundles>
// kernel: closed_call.10.cloned.1.call-start
scs
__scs_entry_jumppad:
0x0: {  	(pc) =	sbr.rel $0x88, $3  }
0x1: {  	(tag) =	ssettag $0x0;
	lr =	simm.s32 $0x1  }
0x2: {  	[smem:$0x3F8C] =	sst lr;
	_ =	strace $0xD0000000  }
0x3: {  	_ = 	snop  }
0x4: {  	_ = 	snop  }
0x5: {  	_ = 	snop  }
0x6: {  	_ = 	snop  }
0x7: {  	_ = 	snop  }
__scs_overlays_trampoline_lowered:
0x8: {  	[smem:$0x3F9B] =	sst s0  }
0x9: {  	[smem:$0x3F9C] =	sst s1  }
0xa: {  	[smem:$0x3F9D] =	sst s2  }
0xb: {  	[smem:$0x3F9E] =	sst s3  }
0xc: {  	[smem:$0x3F9F] =	sst s4  }
0xd: {  	[smem:$0x3FA0] =	sst s5  }
0xe: {  	[smem:$0x3FA1] =	sst s6  }
0xf: {  	[smem:$0x3FA2] =	sst s7  }
0x10: {  	[smem:$0x3FA3] =	sst s8  }
0x11: {  	[smem:$0x3FA4] =	sst s9;
	s0 =	simm.s32 @!p0 $0x0  }
0x12: {  	s1 =	sld [smem:$0x3F8A];
	s0 =	simm.s32 @p0 $0x1  }
0x13: {  	[smem:$0x3FA5] =	sst s0;
	s0 =	simm.s32 @!p1 $0x0  }
0x14: {  	s2 =	sld [smem:$0x3F89];
	s0 =	simm.s32 @p1 $0x1  }
0x15: {  	[smem:$0x3FA6] =	sst s0;
	s0 =	simm.s32 @!p2 $0x0  }
0x16: {  	s3 =	sld [smem:$0x3FDB];
	s0 =	simm.s32 @p2 $0x1  }
0x17: {  	s4 =	simm.s32 $0x1BF5;
	[smem:$0x3FA8] =	sst s0  }
0x18: {  	s0 =	sld [smem:$0x3F8B];
	_ =	swait.ge [sflag:s4], $0x0  }
0x19: {  	s7 =	sld [smem:$0x3F8C]  }
0x1a: {  	s8 =	sadd.s32 $0xFFFFE003, lr  }
0x1b: {  	s9 =	sadd.s32 $0xFFFFFEF7, lr;
	s5 =	simm.s32 $0xFFFFFFFF;
	p2 =	slt.u32 s8, $0xFFFFF086  }
0x1c: {  	p1 =	slt.u32 s9, $0xF7A;
	s5 =	simm.s32 @!p2 $0x0  }
0x1d: {  	s5 =	simm.s32 @p1 $0x1;
	p0 =	seq.s32 s7, s2  }
0x1e: {  	s7 =	smul.u32 @!p0 $0xF7A, s2;
	p2 =	seq.s32 @!p0 s5, $0x0  }
0x1f: {  	s9 =	smul.u32 $0xF7A, s1;
	s8 =	simm.s32 @!p0 $0x1BF5;
	p2 =	por !p2, p0  }
0x20: {  	[sflag:s8] =	ssyncset.s32 @!p0 $0xFFFFF086;
	s6 =	sadd.s32 @!p0 s3, s7;
	s7 =	simm.s32 @!p0 $0x108  }
0x21: {  	s3 =	sadd.s32 s3, s9;
	s6 =	sadd.s32 @!p0 $0x88, s6;
	s7 =	simm.s32 @p2 $0x1082  }
0x22: {  	[simem:s7], [sflag:s8] =	dma.local @!p0 [hbm:s6], $0xF7A  }
0x23: {  	s9 =	sor.u32 $0xD0000000, s2;
	s6 =	simm.s32 $0x108;
	_ =	swait.ge @!p0 [sflag:s8], $0x0  }
0x24: {  	s3 =	sadd.s32 $0x88, s3;
	s6 =	simm.s32 @!p1 $0x1082;
	[sflag:s4] =	ssyncset.s32 $0xFFFFF086  }
0x25: {  	[simem:s6], [sflag:s4] =	dma.local [hbm:s3], $0xF7A  }
0x26: {  	[smem:$0x3F8C] =	sst s1;
	(tag) =	ssettag s2;
	_ =	strace s9  }
0x27: {  	s1 =	sld [smem:$0x3F9C]  }
0x28: {  	s2 =	sld [smem:$0x3F9D]  }
0x29: {  	s4 =	sld [smem:$0x3F9F]  }
0x2a: {  	p0 =	seq.s32 s5, $0x0;
	s5 =	sld [smem:$0x3FA0]  }
0x2b: {  	s6 =	sld [smem:$0x3FA1]  }
0x2c: {  	s7 =	sld [smem:$0x3FA2]  }
0x2d: {  	s3 =	simm.s32 $0x108;
	s8 =	sld [smem:$0x3FA3]  }
0x2e: {  	s3 =	simm.s32 @!p0 $0x1082;
	s9 =	sld [smem:$0x3FA4]  }
0x2f: {  	lr =	sadd.s32 s0, s3;
	s0 =	sld [smem:$0x3F9B]  }
0x30: {  	s3 =	sld [smem:$0x3F9E]  }
0x31: {  	[smem:$0x3FA7] =	sst s10  }
0x32: {  	s10 =	sld [smem:$0x3FA5];
	_ =	sdelay $0x3  }
0x33: {  	p0 =	seq.s32 s10, $0x1;
	s10 =	sld [smem:$0x3FA7];
	_ =	sdelay $0x3  }
0x34: {  	[smem:$0x3FA7] =	sst s10  }
0x35: {  	s10 =	sld [smem:$0x3FA6];
	_ =	sdelay $0x3  }
0x36: {  	p1 =	seq.s32 s10, $0x1;
	s10 =	sld [smem:$0x3FA7];
	_ =	sdelay $0x3  }
0x37: {  	[smem:$0x3FA7] =	sst s10  }
0x38: {  	s10 =	sld [smem:$0x3FA8]  }
0x39: {  	_ = 	snop;
	(pc) =	sbr.ind lr, $3  }
0x3a: {  	_ = 	snop  }
0x3b: {  	_ = 	snop  }
0x3c: {  	p2 =	seq.s32 s10, $0x1;
	s10 =	sld [smem:$0x3FA7]  }
0x3d: {  	_ =	shalt  }
0x3e: {  	_ =	shalt  }
0x3f: {  	_ =	shalt  }
0x40: {  	_ =	shalt  }
0x41: {  	_ =	shalt  }
0x42: {  	_ =	shalt  }
0x43: {  	_ =	shalt  }
0x44: {  	_ =	shalt  }
0x45: {  	_ =	shalt  }
0x46: {  	_ =	shalt  }
0x47: {  	_ =	shalt  }
0x48: {  	_ =	shalt  }
0x49: {  	_ =	shalt  }
0x4a: {  	_ =	shalt  }
0x4b: {  	_ =	shalt  }
0x4c: {  	_ =	shalt  }
0x4d: {  	_ =	shalt  }
0x4e: {  	_ =	shalt  }
0x4f: {  	_ =	shalt  }
0x50: {  	_ =	shalt  }
0x51: {  	_ =	shalt  }
0x52: {  	_ =	shalt  }
0x53: {  	_ =	shalt  }
0x54: {  	_ =	shalt  }
0x55: {  	_ =	shalt  }
0x56: {  	_ =	shalt  }
0x57: {  	_ =	shalt  }
0x58: {  	_ =	shalt  }
0x59: {  	_ =	shalt  }
0x5a: {  	_ =	shalt  }
0x5b: {  	_ =	shalt  }
0x5c: {  	_ =	shalt  }
0x5d: {  	_ =	shalt  }
0x5e: {  	_ =	shalt  }
0x5f: {  	_ =	shalt  }
0x60: {  	_ =	shalt  }
0x61: {  	_ =	shalt  }
0x62: {  	_ =	shalt  }
0x63: {  	_ =	shalt  }
0x64: {  	_ =	shalt  }
0x65: {  	_ =	shalt  }
0x66: {  	_ =	shalt  }
0x67: {  	_ =	shalt  }
0x68: {  	_ =	shalt  }
0x69: {  	_ =	shalt  }
0x6a: {  	_ =	shalt  }
0x6b: {  	_ =	shalt  }
0x6c: {  	_ =	shalt  }
0x6d: {  	_ =	shalt  }
0x6e: {  	_ =	shalt  }
0x6f: {  	_ =	shalt  }
0x70: {  	_ =	shalt  }
0x71: {  	_ =	shalt  }
0x72: {  	_ =	shalt  }
0x73: {  	_ =	shalt  }
0x74: {  	_ =	shalt  }
0x75: {  	_ =	shalt  }
0x76: {  	_ =	shalt  }
0x77: {  	_ =	shalt  }
0x78: {  	_ =	shalt  }
0x79: {  	_ =	shalt  }
0x7a: {  	_ =	shalt  }
0x7b: {  	_ =	shalt  }
0x7c: {  	_ =	shalt  }
0x7d: {  	_ =	shalt  }
0x7e: {  	_ =	shalt  }
0x7f: {  	_ =	shalt  }
0x80: {  	_ =	shalt  }
0x81: {  	_ =	shalt  }
0x82: {  	_ =	shalt  }
0x83: {  	_ =	shalt  }
0x84: {  	_ =	shalt  }
0x85: {  	_ =	shalt  }
0x86: {  	_ =	shalt  }
0x87: {  	_ =	shalt  }
.Lfunc_end0:
.L_simem_size_0:
called_computation_lowered:
.L_overlay_start_0:
0x88: {  	s2 =	sld [smem:$0x3FD9]  }
0x89: {  	s3 =	sld [smem:$0x3FFE];
	_ =	sdelay $0x1  }
0x8a: {  	s1 =	srdreg.scid  }
0x8b: {  	s0 =	sand.u32 $0x1, s1  }
0x8c: {  	s16 =	sshll.u32 s0, $0xA;
	s2 =	sadd.s32 s3, s2  }
0x8d: {  	s2 =	sadd.s32 s2, s16  }
0x8e: {  	[smem:$0x3FB3] =	sst s2  }
0x8f: {  	_ = 	snop  }
0x90: {  	(tm) =	ssettm $0x1  }
0x91: {  	s17 =	sld [smem:$0x3FFB];
	_ =	sdelay $0x3  }
0x92: {  	_ =	strace s17  }
0x93: {  	s2 =	sld [smem:$0x3FFC];
	_ =	sdelay $0x3  }
0x94: {  	_ =	strace s2  }
0x95: {  	s2 =	sld [smem:$0x3FFD];
	_ =	sdelay $0x3  }
0x96: {  	_ =	strace s2  }
0x97: {  	_ =	strace $0x8FFFFFFF  }
0x98: {  	s18 =	sld [smem:$0x3FDB];
	_ =	sdelay $0x1  }
0x99: {  	s19 =	simm.s32 $_scs_section_size  }
0x9a: {  	s4 =	simm.s32 $_size__tile_overlayer_lowered;
	s5 =	simm.s32 $_tile_overlayer_lowered  }
0x9b: {  	s22 =	simm.s32 $0x1BFF;
	s21 =	sshll.u32 s5, $0x1;
	s2 =	sadd.s32 s19, s18  }
0x9c: {  	s6 =	simm.s32 $0x0;
	s20 =	sshll.u32 s4, $0x1;
	s4 =	sadd.s32 s21, s2  }
0x9d: {  	[timem:s6], [sflag:s22] =	dma.local [hbm:s4], s20  }
0x9e: {  	_ =	swait.ge [sflag:s22], s20  }
0x9f: {  	s3 =	ssub.s32 $0x0, s20;
	[sflag:s22] =	ssyncset.done $0x0  }
0xa0: {  	[sflag:s22] =	ssyncadd.s32 s3;
	_ =	sdelay $0x1  }
0xa1: {  	s23 =	simm.s32 $0x1B8B  }
0xa2: {  	_ =	swait.ge [sflag:s23], $0x1  }
0xa3: {  	[sflag:s23] =	ssyncset.done $0x0  }
0xa4: {  	s25 =	simm.s32 $0x1B8E;
	s24 =	sld [smem:$0x3FFE];
	[sflag:s23] =	ssyncadd.s32 $0xFFFFFFFF  }
0xa5: {  	s26 =	simm.s32 $execute0_lowered;
	[smem:$0x3FD2] =	sst s25  }
0xa6: {  	s4 =	sshll.u32 s26, $0x1;
	_ =	strace $0x80000046;
	[dreg:$0x1] =	wrdreg $0xFFFFFFFF  }
0xa7: {  	s28 =	simm.s32 $_size_execute0_lowered;
	s2 =	sadd.s32 s2, s4;
	[dreg:$0x0] =	wrdreg $0x0  }
0xa8: {  	s4 =	sshll.u32 s28, $0x1;
	[dreg:$0x2] =	wrdreg s2  }
0xa9: {  	[dreg:$0x3] =	wrdreg s4  }
0xaa: {  	[dreg:$0x4] =	wrdreg $0xC0  }
0xab: {  	_ =	task [dreg:s6], $0x5FFFF  }
0xac: {  	[dreg:$0x1] =	wrdreg $0xFFFFFFFF  }
0xad: {  	[dreg:$0x0] =	wrdreg $0x60  }
0xae: {  	[dreg:$0x2] =	wrdreg s24  }
0xaf: {  	[dreg:$0x3] =	wrdreg $0x146800  }
0xb0: {  	[dreg:$0x4] =	wrdreg $0x9  }
0xb1: {  	_ =	task.clear_ibuf [dreg:s6], $0x5FFFF;
	_ =	strace $0x90000046  }
0xb2: {  	s29 =	simm.s32 $0x9;
	_ =	strace $0x80000048  }
0xb3: {  	_ =	swait.ge [sflag:s29], $0x1  }
0xb4: {  	[sflag:s29] =	ssyncadd.s32 $0xFFFFFFFF  }
0xb5: {  	_ =	strace $0x90000048  }
0xb6: {  	_ =	sfence  }
0xb7: {  	s30 =	sld [smem:$0x0];
	_ =	sdelay $0x2  }
0xb8: {  	s31 =	sshll.u32 s1, $0xD;
	s1 =	sshrl.u32 s1, $0x2  }
0xb9: {  	s3 =	sand.u32 $0x4000, s31;
	s1 =	sadd.s32 s1, s30  }
0xba: {  	s0 =	sor.u32 s3, s0;
	s1 =	sshll.u32 s1, $0x11  }
0xbb: {  	s0 =	sor.u32 s1, s0  }
0xbc: {  	s0 =	sadd.s32 $0x8F2B, s0  }
0xbd: {  	[sflag:s0] =	ssyncadd.remote.s32 $0x1  }
0xbe: {  	_ =	sfence.sel $0xFFFF  }
0xbf: {  	[dreg:$0x0] =	wrdreg $0xFFFFFFFF;
	(pc) =	sbr.abs _section_cstart, $3  }
0xc0: {  	[dreg:$0x1] =	wrdreg $0xFFFFFFFF  }
0xc1: {  	_ =	task.clear_ibuf [dreg:s6], $0x2FFFF;
	_ =	strace $0x9FFFFFFF  }
0xc2: {  	(tm) =	ssettm $0x7FFFFFFF  }
0xc3: {  	_ =	shalt  }
tec
execute0_lowered:
.L_overlay_start_1:
0x0: {  	(tag) =	ssettag $0x1  }
0x1: {  	s5 =	rddreg [dreg:$0x0]  }
0x2: {  	s2 =	rddreg [dreg:$0x1]  }
0x3: {  	s0 =	rddreg [dreg:$0x2]  }
0x4: {  	s3 =	simm.s32 $0x0;
	s1 =	stileid.u32;
	s4 =	srdreg.scid  }
0x5: {  	s18 =	simm.s32 $0x50;
	s19 =	simm.s32 $0xF680;
	s21 =	simm.s32 $0x1  }
0x6: {  	s22 =	simm.s32 $0x0;
	[smem:$0x7FF] =	sst s3;
	s6 =	smul.u32 $0x9C4, s1  }
0x7: {  	s10 =	sand.u32 $0x1, s4;
	s4 =	sadd.s32 $0x2E00, s5;
	s9 =	smul.u32 $0x140, s1  }
0x8: {  	s7 =	sshll.u32 s1, $0xC;
	s15 =	sadd.s32 $0x43E00, s5;
	s13 =	smul.u32 $0x28000, s1  }
0x9: {  	p0 =	seq.s32 s1, $0xF;
	s17 =	smul.u32 $0x1400, s1;
	_ =	strace $0x80000047  }
0xa: {  	s20 =	smul.u32 $0x1388, s10;
	s8 =	ssub.s32 $0x2, s10;
	s7 =	sadd.s32 s7, s5  }
0xb: {  	s16 =	smul.u32 $0x13880, s10;
	s10 =	sadd.s32 $0x9B000, s2;
	s11 =	sshrl.u32 s8, $0x1  }
0xc: {  	s6 =	sadd.s32 s6, s5;
	s13 =	sshrl.u32 s13, $0x2;
	s12 =	ssub.s32 s8, s11  }
0xd: {  	s9 =	sadd.s32 s9, s20;
	s5 =	sadd.s32 $0x3A000, s6;
	s6 =	sadd.s32 $0x2A000, s7  }
0xe: {  	s7 =	simm.s32 $0x2;
	s8 =	simm.s32 $0x2;
	s14 =	sadd.s32 s16, s4  }
0xf: {  	s13 =	sadd.s32 s13, s2;
	v0 =	vmov s20;
	s20 =	simm.s32 $0x11E80;
	s31 =	sshll.u32 s9, $0x4  }
0x10: {  	s8 =	simm.s32 @!p0 $0x4;
	s12 =	smax.u32 s12, $0x1;
	s14 =	sadd.s32 s17, s14  }
0x11: {  	p0 =	sne.s32 s1, $0xF;
	s9 =	sadd.s32 s31, s4;
	s11 =	sadd.s32 s31, s15  }
0x12: {  	s15 =	sadd.s32 s16, s15;
	s16 =	simm.s32 $0x4E80;
	s9 =	sadd.s32 $0xA00, s9  }
0x13: {  	s11 =	sadd.s32 $0xA00, s11;
	s15 =	sadd.s32 s17, s15;
	s17 =	simm.s32 $0xCE80  }
.LBB2_1:
0x14: {  	[tilespmem:s3], [sflag:$0x2] =	stream.linear.gather [hbm4b:s5+s3], $0x4E20, $0x38;
	[tilespmem:$0x1E300] =	vst v63  }
0x15: {  	_ =	swait.ge [sflag:s7], $0x4E20  }
0x16: {  	[sflag:s7] =	ssyncset.done $0x0  }
0x17: {  	[sflag:s7] =	ssyncadd.s32 $0xFFFFB1E0  }
0x18: {  	[tilespmem:s16], [sflag:$0x2] =	stream.linear.gather [hbm4b:s6+s3], $0x7D00, $0x38;
	[tilespmem:$0x1E300] =	vst v63  }
0x19: {  	_ =	swait.ge [sflag:s7], $0x7D00  }
0x1a: {  	[sflag:s7] =	ssyncset.done $0x0  }
0x1b: {  	[sflag:s7] =	ssyncadd.s32 $0xFFFF8300  }
0x1c: {  	[tilespmem:s17], [sflag:$0x2] =	stream.linear.gather [hbm4b:s14+s3], $0x2800, $0x38;
	[tilespmem:$0x1E300] =	vst v63  }
0x1d: {  	p1 =	sne.s32 s8, $0x1;
	_ =	swait.ge [sflag:s7], $0x2800  }
.Ltmp0:
0x1e: {  	[sflag:s7] =	ssyncset.done $0x0;
	(pc) =	sbr.rel @!p1 .LBB2_3-.Ltmp0, $4  }
0x1f: {  	[sflag:s7] =	ssyncadd.s32 $0xFFFFD800  }
0x20: {  	[spmem:s13] =	stream.linear.scatter [tilespmem:s17], [sflag:$0x2], $0x2800, $0x38;
	[tilespmem:$0x1E300] =	vst v63  }
0x21: {  	s23 =	sadd.s32 $0xFFFFFFFF, s8;
	_ =	swait.ge [sflag:s7], $0x2800  }
0x22: {  	s24 =	smov.u32 s13;
	s25 =	smov.u32 s14;
	[sflag:s7] =	ssyncset.done $0x0  }
.LBB2_2:
0x23: {  	[sflag:s7] =	ssyncadd.s32 $0xFFFFD800;
	s24 =	sadd.s32 $0x2800, s24;
	s25 =	sadd.s32 $0x500, s25  }
0x24: {  	[tilespmem:s17], [sflag:$0x2] =	stream.linear.gather [hbm4b:s25+s3], $0x2800, $0x38;
	[tilespmem:$0x1E300] =	vst v63  }
0x25: {  	p2 =	sne.s32 s23, $0x1;
	s23 =	sadd.s32 $0xFFFFFFFF, s23;
	_ =	swait.ge [sflag:s7], $0x2800  }
.Ltmp1:
0x26: {  	[sflag:s7] =	ssyncset.done $0x0;
	(pc) =	sbr.rel @p2 .LBB2_2-.Ltmp1, $4  }
0x27: {  	[sflag:s7] =	ssyncadd.s32 $0xFFFFD800  }
0x28: {  	[spmem:s24] =	stream.linear.scatter [tilespmem:s17], [sflag:$0x2], $0x2800, $0x38;
	[tilespmem:$0x1E300] =	vst v63  }
0x29: {  	_ =	swait.ge [sflag:s7], $0x2800  }
0x2a: {  	[sflag:s7] =	ssyncset.done $0x0  }
.LBB2_3:
0x2b: {  	[sflag:s7] =	ssyncadd.s32 $0xFFFFD800;
	s23 =	simm.s32 @!p0 $0x0;
	s24 =	simm.s32 @!p0 $0xCE80  }
0x2c: {  	[tilespmem:s24], [sflag:$0x2] =	stream.linear.gather @!p0 [hbm4b:s9+s23], $0x1400, $0x38;
	[tilespmem:$0x1E300] =	vst v63  }
0x2d: {  	s23 =	simm.s32 @!p0 $0x2  }
0x2e: {  	_ =	swait.ge @!p0 [sflag:s23], $0x1400  }
0x2f: {  	[sflag:s23] =	ssyncset.done @!p0 $0x0  }
0x30: {  	[sflag:s23] =	ssyncadd.s32 @!p0 $0xFFFFEC00  }
0x31: {  	[spmem:s10] =	stream.linear.scatter @!p0 [tilespmem:s24], [sflag:$0x2], $0x1400, $0x38;
	[tilespmem:$0x1E300] =	vst v63  }
0x32: {  	_ =	swait.ge @!p0 [sflag:s23], $0x1400  }
0x33: {  	[sflag:s23] =	ssyncset.done @!p0 $0x0  }
0x34: {  	[sflag:s23] =	ssyncadd.s32 @!p0 $0xFFFFEC00;
	s23 =	simm.s32 $0x0  }
0x35: {  	v3 =	vld [tilespmem:s23+$0x4E80]  }
0x36: {  	v4 =	vld [tilespmem:s23+$0x4E90]  }
0x37: {  	v2 =	vld [tilespmem:s23+$0x4EA0]  }
0x38: {  	s24 =	simm.s32 $0x200;
	v1 =	vld [tilespmem:s23+$0x4EB0]  }
.LBB2_4:
0x39: {  	p2 =	sne.s32 s24, $0x1F200;
	v5 =	vld [tilespmem:s23+$0x4EC0]  }
0x3a: {  	v3 =	vsub.s32 v3, v0  }
0x3b: {  	v3 =	vmin.u32 v3, $0x1388;
	v4 =	vsub.s32 v4, v0  }
.Ltmp2:
0x3c: {  	s25 =	sshra.s32 s24, $0x2;
	[tilespmem:s23+$0x4E80] =	vst v3;
	v4 =	vmin.u32 v4, $0x1388;
	v2 =	vsub.s32 v2, v0;
	(pc) =	sbr.rel @p2 .LBB2_4-.Ltmp2, $4  }
0x3d: {  	v3 =	vld [tilespmem:s25+$0x4E80];
	[tilespmem:s23+$0x4E90] =	vst v4;
	v2 =	vmin.u32 v2, $0x1388;
	v1 =	vsub.s32 v1, v0  }
0x3e: {  	v4 =	vld [tilespmem:s25+$0x4E90];
	[tilespmem:s23+$0x4EA0] =	vst v2;
	v1 =	vmin.u32 v1, $0x1388;
	v5 =	vsub.s32 v5, v0  }
0x3f: {  	v2 =	vld [tilespmem:s25+$0x4EA0];
	[tilespmem:s23+$0x4EB0] =	vst v1;
	v5 =	vmin.u32 v5, $0x1388  }
0x40: {  	s24 =	sadd.s32 $0x200, s24;
	v1 =	vld [tilespmem:s25+$0x4EB0];
	[tilespmem:s23+$0x4EC0] =	vst v5;
	s23 =	smov.u32 s25  }
0x41: {  	v5 =	vld [tilespmem:s23+$0x4EC0]  }
0x42: {  	v3 =	vsub.s32 v3, v0  }
0x43: {  	v3 =	vmin.u32 v3, $0x1388;
	v4 =	vsub.s32 v4, v0  }
0x44: {  	[tilespmem:s23+$0x4E80] =	vst v3;
	v3 =	vmin.u32 v4, $0x1388;
	v2 =	vsub.s32 v2, v0  }
0x45: {  	[tilespmem:s23+$0x4E90] =	vst v3;
	v2 =	vmin.u32 v2, $0x1388;
	v1 =	vsub.s32 v1, v0  }
0x46: {  	[tilespmem:s23+$0x4EA0] =	vst v2;
	v1 =	vmin.u32 v1, $0x1388;
	v2 =	vsub.s32 v5, v0  }
0x47: {  	[tilespmem:s23+$0x4EB0] =	vst v1;
	v1 =	vmin.u32 v2, $0x1388  }
0x48: {  	[tilespmem:s23+$0x4EC0] =	vst v1  }
0x49: {  	s23 =	simm.s32 $0x0;
	[bflag:$0x0] =	sbarrier.arrive $0xFFFF  }
0x4a: {  	[tilespmem:s17], [sflag:$0x1] =	stream.indirect.gather [hbm4b:s4+s18], $0x80, s23, s18, $0xb8;
	[tilespmem:$0x1E300] =	vst v63  }
0x4b: {  	s24 =	simm.s32 $0x50  }
0x4c: {  	[tilespmem:s19], [sflag:$0x1] =	stream.indirect.gather [hbm4b:s4+s18], $0x80, s24, s18, $0xb8;
	[tilespmem:$0x1E300] =	vst v63  }
0x4d: {  	s30 =	simm.s32 $0xA0  }
0x4e: {  	[tilespmem:s20], [sflag:$0x1] =	stream.indirect.gather [hbm4b:s4+s18], $0x80, s30, s18, $0xb8;
	[tilespmem:$0x1E300] =	vst v63  }
0x4f: {  	_ =	swait.ge [sflag:s21], $0x2800  }
0x50: {  	[sflag:s21] =	ssyncset.done $0x0  }
0x51: {  	s31 =	simm.s32 $0x4E80;
	[sflag:s21] =	ssyncadd.s32 $0xFFFFD800  }
0x52: {  	[spmem:s2] =	stream.indirect.scatter.add.f32 [tilespmem:s17], [sflag:$0x2], $0x80, s31, s18, $0xb8;
	[tilespmem:$0x1E300] =	vst v63  }
0x53: {  	_ =	swait.ge [sflag:s7], $0x2800  }
0x54: {  	[sflag:s7] =	ssyncset.done $0x0  }
0x55: {  	s25 =	simm.s32 $0xF0;
	[sflag:s7] =	ssyncadd.s32 $0xFFFFD800  }
0x56: {  	[tilespmem:s17], [sflag:$0x1] =	stream.indirect.gather [hbm4b:s4+s18], $0x80, s25, s18, $0xb8;
	[tilespmem:$0x1E300] =	vst v63  }
0x57: {  	_ =	swait.ge [sflag:s21], $0x2800  }
0x58: {  	[sflag:s21] =	ssyncset.done $0x0  }
0x59: {  	s26 =	simm.s32 $0x4F00;
	[sflag:s21] =	ssyncadd.s32 $0xFFFFD800  }
0x5a: {  	[spmem:s2] =	stream.indirect.scatter.add.f32 [tilespmem:s19], [sflag:$0x2], $0x80, s26, s18, $0xb8;
	[tilespmem:$0x1E300] =	vst v63  }
0x5b: {  	_ =	swait.ge [sflag:s7], $0x2800  }
0x5c: {  	[sflag:s7] =	ssyncset.done $0x0  }
0x5d: {  	s28 =	simm.s32 $0x140;
	[sflag:s7] =	ssyncadd.s32 $0xFFFFD800  }
0x5e: {  	[tilespmem:s19], [sflag:$0x1] =	stream.indirect.gather [hbm4b:s4+s18], $0x80, s28, s18, $0xb8;
	[tilespmem:$0x1E300] =	vst v63  }
0x5f: {  	_ =	swait.ge [sflag:s21], $0x2800  }
0x60: {  	[sflag:s21] =	ssyncset.done $0x0  }
0x61: {  	s29 =	simm.s32 $0x4F80;
	[sflag:s21] =	ssyncadd.s32 $0xFFFFD800  }
0x62: {  	[spmem:s2] =	stream.indirect.scatter.add.f32 [tilespmem:s20], [sflag:$0x2], $0x80, s29, s18, $0xb8;
	[tilespmem:$0x1E300] =	vst v63  }
0x63: {  	_ =	swait.ge [sflag:s7], $0x2800  }
0x64: {  	[sflag:s7] =	ssyncset.done $0x0  }
0x65: {  	[sflag:s7] =	ssyncadd.s32 $0xFFFFD800  }
0x66: {  	_ =	swait.ge [sflag:s21], $0x2800  }
0x67: {  	[sflag:s21] =	ssyncset.done $0x0  }
0x68: {  	s30 =	simm.s32 $0x5000;
	[sflag:s21] =	ssyncadd.s32 $0xFFFFD800  }
0x69: {  	[spmem:s2] =	stream.indirect.scatter.add.f32 [tilespmem:s17], [sflag:$0x2], $0x80, s30, s18, $0xb8;
	[tilespmem:$0x1E300] =	vst v63  }
0x6a: {  	_ =	swait.ge [sflag:s7], $0x2800  }
0x6b: {  	[sflag:s7] =	ssyncset.done $0x0  }
0x6c: {  	[sflag:s7] =	ssyncadd.s32 $0xFFFFD800  }
0x6d: {  	_ =	swait.ge [sflag:s21], $0x2800  }
0x6e: {  	[sflag:s21] =	ssyncset.done $0x0  }
0x6f: {  	s31 =	simm.s32 $0x5080;
	[sflag:s21] =	ssyncadd.s32 $0xFFFFD800  }
0x70: {  	[spmem:s2] =	stream.indirect.scatter.add.f32 [tilespmem:s19], [sflag:$0x2], $0x80, s31, s18, $0xb8;
	[tilespmem:$0x1E300] =	vst v63  }
0x71: {  	_ =	swait.ge [sflag:s7], $0x2800  }
0x72: {  	s24 =	simm.s32 $0xA00;
	[sflag:s7] =	ssyncset.done $0x0  }
.LBB2_6:
0x73: {  	p2 =	sne.s32 s24, $0x1EA00;
	[sflag:s7] =	ssyncadd.s32 $0xFFFFD800;
	s23 =	sadd.s32 $0x190, s23  }
0x74: {  	[tilespmem:s17], [sflag:$0x1] =	stream.indirect.gather [hbm4b:s4+s18], $0x80, s23, s18, $0xb8;
	[tilespmem:$0x1E300] =	vst v63  }
0x75: {  	s26 =	smov.u32 s24;
	s24 =	sadd.s32 $0xA00, s24;
	s25 =	sadd.s32 $0x50, s23  }
0x76: {  	[tilespmem:s19], [sflag:$0x1] =	stream.indirect.gather [hbm4b:s4+s18], $0x80, s25, s18, $0xb8;
	[tilespmem:$0x1E300] =	vst v63  }
0x77: {  	s25 =	sadd.s32 $0xA0, s23  }
0x78: {  	[tilespmem:s20], [sflag:$0x1] =	stream.indirect.gather [hbm4b:s4+s18], $0x80, s25, s18, $0xb8;
	[tilespmem:$0x1E300] =	vst v63  }
0x79: {  	_ =	swait.ge [sflag:s21], $0x2800  }
0x7a: {  	s25 =	sshra.s32 s26, $0x2;
	[sflag:s21] =	ssyncset.done $0x0  }
0x7b: {  	s26 =	sadd.s32 $0x4E80, s25;
	[sflag:s21] =	ssyncadd.s32 $0xFFFFD800  }
0x7c: {  	[spmem:s2] =	stream.indirect.scatter.add.f32 [tilespmem:s17], [sflag:$0x2], $0x80, s26, s18, $0xb8;
	[tilespmem:$0x1E300] =	vst v63  }
0x7d: {  	_ =	swait.ge [sflag:s7], $0x2800  }
0x7e: {  	[sflag:s7] =	ssyncset.done $0x0  }
0x7f: {  	s26 =	sadd.s32 $0xF0, s23;
	[sflag:s7] =	ssyncadd.s32 $0xFFFFD800  }
0x80: {  	[tilespmem:s17], [sflag:$0x1] =	stream.indirect.gather [hbm4b:s4+s18], $0x80, s26, s18, $0xb8;
	[tilespmem:$0x1E300] =	vst v63  }
0x81: {  	_ =	swait.ge [sflag:s21], $0x2800  }
0x82: {  	[sflag:s21] =	ssyncset.done $0x0  }
0x83: {  	s26 =	sadd.s32 $0x4F00, s25;
	[sflag:s21] =	ssyncadd.s32 $0xFFFFD800  }
0x84: {  	[spmem:s2] =	stream.indirect.scatter.add.f32 [tilespmem:s19], [sflag:$0x2], $0x80, s26, s18, $0xb8;
	[tilespmem:$0x1E300] =	vst v63  }
0x85: {  	_ =	swait.ge [sflag:s7], $0x2800  }
0x86: {  	[sflag:s7] =	ssyncset.done $0x0  }
0x87: {  	s26 =	sadd.s32 $0x140, s23;
	[sflag:s7] =	ssyncadd.s32 $0xFFFFD800  }
0x88: {  	[tilespmem:s19], [sflag:$0x1] =	stream.indirect.gather [hbm4b:s4+s18], $0x80, s26, s18, $0xb8;
	[tilespmem:$0x1E300] =	vst v63  }
0x89: {  	_ =	swait.ge [sflag:s21], $0x2800  }
0x8a: {  	[sflag:s21] =	ssyncset.done $0x0  }
0x8b: {  	s26 =	sadd.s32 $0x4F80, s25;
	[sflag:s21] =	ssyncadd.s32 $0xFFFFD800  }
0x8c: {  	[spmem:s2] =	stream.indirect.scatter.add.f32 [tilespmem:s20], [sflag:$0x2], $0x80, s26, s18, $0xb8;
	[tilespmem:$0x1E300] =	vst v63  }
0x8d: {  	_ =	swait.ge [sflag:s7], $0x2800  }
0x8e: {  	[sflag:s7] =	ssyncset.done $0x0  }
0x8f: {  	[sflag:s7] =	ssyncadd.s32 $0xFFFFD800  }
0x90: {  	_ =	swait.ge [sflag:s21], $0x2800  }
0x91: {  	[sflag:s21] =	ssyncset.done $0x0  }
0x92: {  	s26 =	sadd.s32 $0x5000, s25;
	[sflag:s21] =	ssyncadd.s32 $0xFFFFD800  }
0x93: {  	[spmem:s2] =	stream.indirect.scatter.add.f32 [tilespmem:s17], [sflag:$0x2], $0x80, s26, s18, $0xb8;
	[tilespmem:$0x1E300] =	vst v63  }
0x94: {  	_ =	swait.ge [sflag:s7], $0x2800  }
0x95: {  	[sflag:s7] =	ssyncset.done $0x0  }
0x96: {  	[sflag:s7] =	ssyncadd.s32 $0xFFFFD800  }
0x97: {  	_ =	swait.ge [sflag:s21], $0x2800  }
.Ltmp3:
0x98: {  	[sflag:s21] =	ssyncset.done $0x0;
	(pc) =	sbr.rel @p2 .LBB2_6-.Ltmp3, $4  }
0x99: {  	s25 =	sadd.s32 $0x5080, s25;
	[sflag:s21] =	ssyncadd.s32 $0xFFFFD800  }
0x9a: {  	[spmem:s2] =	stream.indirect.scatter.add.f32 [tilespmem:s19], [sflag:$0x2], $0x80, s25, s18, $0xb8;
	[tilespmem:$0x1E300] =	vst v63  }
0x9b: {  	_ =	swait.ge [sflag:s7], $0x2800  }
0x9c: {  	[sflag:s7] =	ssyncset.done $0x0  }
0x9d: {  	[sflag:s7] =	ssyncadd.s32 $0xFFFFD800  }
0x9e: {  	[bflag:$0x0] =	sbarrier.arrive $0xFFFF  }
0x9f: {  	[tilespmem:s17], [sflag:$0x2] =	stream.linear.gather [spmem:s13], $0x2800, $0x38;
	[tilespmem:$0x1E300] =	vst v63  }
0xa0: {  	_ =	swait.ge [sflag:s7], $0x2800  }
.Ltmp4:
0xa1: {  	[sflag:s7] =	ssyncset.done $0x0;
	(pc) =	sbr.rel @!p1 .LBB2_9-.Ltmp4, $4  }
0xa2: {  	[sflag:s7] =	ssyncadd.s32 $0xFFFFD800  }
0xa3: {  	[hbm4b:s15+s3] =	stream.linear.scatter [tilespmem:s17], [sflag:$0x2], $0x2800, $0x38;
	[tilespmem:$0x1E300] =	vst v63  }
0xa4: {  	s23 =	sadd.s32 $0xFFFFFFFF, s8;
	_ =	swait.ge [sflag:s7], $0x2800  }
0xa5: {  	s24 =	smov.u32 s13;
	s25 =	smov.u32 s15;
	[sflag:s7] =	ssyncset.done $0x0  }
.LBB2_8:
0xa6: {  	[sflag:s7] =	ssyncadd.s32 $0xFFFFD800;
	s24 =	sadd.s32 $0x2800, s24;
	s25 =	sadd.s32 $0x500, s25  }
0xa7: {  	[tilespmem:s17], [sflag:$0x2] =	stream.linear.gather [spmem:s24], $0x2800, $0x38;
	[tilespmem:$0x1E300] =	vst v63  }
0xa8: {  	p1 =	sne.s32 s23, $0x1;
	s23 =	sadd.s32 $0xFFFFFFFF, s23;
	_ =	swait.ge [sflag:s7], $0x2800  }
.Ltmp5:
0xa9: {  	[sflag:s7] =	ssyncset.done $0x0;
	(pc) =	sbr.rel @p1 .LBB2_8-.Ltmp5, $4  }
0xaa: {  	[sflag:s7] =	ssyncadd.s32 $0xFFFFD800  }
0xab: {  	[hbm4b:s25+s3] =	stream.linear.scatter [tilespmem:s17], [sflag:$0x2], $0x2800, $0x38;
	[tilespmem:$0x1E300] =	vst v63  }
0xac: {  	_ =	swait.ge [sflag:s7], $0x2800  }
0xad: {  	[sflag:s7] =	ssyncset.done $0x0  }
.LBB2_9:
0xae: {  	[sflag:s7] =	ssyncadd.s32 $0xFFFFD800;
	s23 =	simm.s32 @!p0 $0xCE80;
	s24 =	simm.s32 @!p0 $0x2  }
0xaf: {  	[tilespmem:s23], [sflag:$0x2] =	stream.linear.gather @!p0 [spmem:s10], $0x1400, $0x38;
	[tilespmem:$0x1E300] =	vst v63  }
0xb0: {  	s22 =	sadd.s32 $0x1, s22;
	_ =	swait.ge @!p0 [sflag:s24], $0x1400  }
0xb1: {  	p1 =	sne.s32 s22, s12;
	[sflag:s24] =	ssyncset.done @!p0 $0x0  }
.Ltmp6:
0xb2: {  	s25 =	simm.s32 @!p0 $0x0;
	[sflag:s24] =	ssyncadd.s32 @!p0 $0xFFFFEC00;
	(pc) =	sbr.rel @p1 .LBB2_1-.Ltmp6, $4  }
0xb3: {  	[hbm4b:s11+s25] =	stream.linear.scatter @!p0 [tilespmem:s23], [sflag:$0x2], $0x1400, $0x38;
	[tilespmem:$0x1E300] =	vst v63  }
0xb4: {  	_ =	swait.ge @!p0 [sflag:s24], $0x1400  }
0xb5: {  	[sflag:s24] =	ssyncset.done @!p0 $0x0  }
0xb6: {  	[sflag:s24] =	ssyncadd.s32 @!p0 $0xFFFFEC00  }
0xb7: {  	_ =	sfence.sel $0x180000  }
0xb8: {  	[bflag:$0x0] =	sbarrier.arrive $0xFFFF  }
0xb9: {  	p0 =	sne.s32 s1, $0x0;
	_ =	strace $0x90000047  }
0xba: {  	s0 =	sadd.s32 @!p0 $0x100000, s0;
	[bflag:$0x2] =	sbarrier.arrive $0xFFFF  }
0xbb: {  	[sflag:s0] =	ssyncadd.tile.s32 @!p0 $0x1;
	_ =	shalt  }
.Lfunc_end2:
_tile_overlayer_lowered:
.L_overlay_start_2:
0xbc: {  	(tag) =	ssettag $0x2  }
0xbd: {  	s0 =	rddreg [dreg:$0x0];
	s2 =	stileid.u32  }
0xbe: {  	s1 =	rddreg [dreg:$0x1];
	p0 =	sne.s32 s2, $0x0  }
0xbf: {  	s3 =	rddreg [dreg:$0x2];
	[bflag:$0x3] =	sbarrier.arrive $0xFFFF;
	s2 =	simm.s32 @!p0 $0x1C02  }
0xc0: {  	[timem:s3], [sflag:s2] =	dma.local @!p0 [hbm:s0], s1  }
0xc1: {  	s0 =	simm.s32 @!p0 $0x2  }
0xc2: {  	_ =	swait.ge @!p0 [sflag:s0], s1  }
0xc3: {  	s1 =	ssub.s32 @!p0 $0x0, s1;
	[sflag:s0] =	ssyncset.done @!p0 $0x0  }
0xc4: {  	[sflag:s0] =	ssyncadd.s32 @!p0 s1  }
0xc5: {  	[bflag:$0x3] =	sbarrier.arrive $0xFFFF  }
0xc6: {  	_ =	shalt  }

</sc_bundles>
